<compile_context>
chip_gen: v7x
topology: tpu7x:2x2x1
jax: 0.10.2.dev20260603
libtpu: 0.0.44.dev20260713+nightly
codegen_flags: <defaults>
</compile_context>

<pallas_src>
import functools

import jax
import jax.numpy as jnp
import numpy as np
from jax import lax
from jax.experimental import pallas as pl
from jax.experimental.pallas import tpu as pltpu
from jax.experimental.pallas import tpu_sc as plsc

N_NODE = 10000
D_MODEL = 128
POS_DIM = 8
N_HEADS = 8
B = 16
L = 99
D = D_MODEL + POS_DIM
DK = D // N_HEADS
D_FF = 4 * D


N_EDGES = 160000
NW = 32
EPT = N_EDGES // NW
CH = 312
NCH = EPT // CH
REM = EPT - NCH * CH
ACH = 160
ANCH = EPT // ACH
AREM = EPT - ANCH * ACH
NPAD = 10240
RPT = NPAD // 16


def _sc_agg_body(x_hbm, src_hbm, dst_hbm, zero_hbm, out_hbm,
                 idxs0, idxd0, rows0, idxs1, idxd1, rows1,
                 idxs_r, idxd_r, rows_r, aggs, sem0, sem1):
    c = lax.axis_index("c")
    s = lax.axis_index("s")
    w = s * 2 + c
    base = w * EPT
    pltpu.sync_copy(zero_hbm.at[pl.ds(s * RPT, RPT)],
                    aggs.at[pl.ds(s * RPT, RPT)])
    plsc.subcore_barrier()

    pltpu.sync_copy(src_hbm.at[pl.ds(base, ACH)], idxs0)
    pltpu.sync_copy(dst_hbm.at[pl.ds(base, ACH)], idxd0)
    pltpu.async_copy(x_hbm.at[idxs0], rows0, sem0)

    def body(i, carry):
        off1 = base + (2 * i + 1) * ACH
        pltpu.sync_copy(src_hbm.at[pl.ds(off1, ACH)], idxs1)
        pltpu.sync_copy(dst_hbm.at[pl.ds(off1, ACH)], idxd1)
        pltpu.async_copy(x_hbm.at[idxs1], rows1, sem1)
        pltpu.make_async_copy(x_hbm.at[idxs0], rows0, sem0).wait()
        pltpu.sync_copy(rows0, aggs.at[idxd0], add=True)
        off0 = base + (2 * i + 2) * ACH
        pltpu.sync_copy(src_hbm.at[pl.ds(off0, ACH)], idxs0)
        pltpu.sync_copy(dst_hbm.at[pl.ds(off0, ACH)], idxd0)
        pltpu.async_copy(x_hbm.at[idxs0], rows0, sem0)
        pltpu.make_async_copy(x_hbm.at[idxs1], rows1, sem1).wait()
        pltpu.sync_copy(rows1, aggs.at[idxd1], add=True)
        return carry

    lax.fori_loop(0, (ANCH - 1) // 2, body, 0)
    pltpu.make_async_copy(x_hbm.at[idxs0], rows0, sem0).wait()
    pltpu.sync_copy(rows0, aggs.at[idxd0], add=True)
    off = base + ANCH * ACH
    pltpu.sync_copy(src_hbm.at[pl.ds(off, AREM)], idxs_r)
    pltpu.sync_copy(dst_hbm.at[pl.ds(off, AREM)], idxd_r)
    pltpu.async_copy(x_hbm.at[idxs_r], rows_r, sem0).wait()
    pltpu.sync_copy(rows_r, aggs.at[idxd_r], add=True)
    plsc.subcore_barrier()
    pltpu.sync_copy(aggs.at[pl.ds(s * RPT, RPT)],
                    out_hbm.at[c, pl.ds(s * RPT, RPT)])


def _sc_agg(xn, src, dst, zero_big):
    f = pl.kernel(
        _sc_agg_body,
        out_type=jax.ShapeDtypeStruct((2, NPAD, D_MODEL), jnp.float32),
        mesh=plsc.VectorSubcoreMesh(core_axis_name="c", subcore_axis_name="s"),
        scratch_types=[
            pltpu.VMEM((ACH,), jnp.int32),
            pltpu.VMEM((ACH,), jnp.int32),
            pltpu.VMEM((ACH, D_MODEL), jnp.float32),
            pltpu.VMEM((ACH,), jnp.int32),
            pltpu.VMEM((ACH,), jnp.int32),
            pltpu.VMEM((ACH, D_MODEL), jnp.float32),
            pltpu.VMEM((AREM,), jnp.int32),
            pltpu.VMEM((AREM,), jnp.int32),
            pltpu.VMEM((AREM, D_MODEL), jnp.float32),
            pltpu.VMEM_SHARED((NPAD, D_MODEL), jnp.float32),
            pltpu.SemaphoreType.DMA,
            pltpu.SemaphoreType.DMA,
        ],
    )
    p = f(xn, src, dst, zero_big)
    return p[0, :N_NODE] + p[1, :N_NODE]


def _sc_deg_body(dst_hbm, zero_hbm, ones_hbm, out_hbm,
                 idxd, ones_v, idxd_r, ones_r, hist):
    c = lax.axis_index("c")
    s = lax.axis_index("s")
    w = s * 2 + c
    base = w * EPT
    pltpu.sync_copy(zero_hbm.at[pl.ds(s * RPT, RPT)],
                    hist.at[pl.ds(s * RPT, RPT)])
    pltpu.sync_copy(ones_hbm, ones_v)
    pltpu.sync_copy(ones_hbm.at[pl.ds(0, REM)], ones_r)
    plsc.subcore_barrier()

    def body(j, carry):
        off = base + j * CH
        pltpu.sync_copy(dst_hbm.at[pl.ds(off, CH)], idxd)
        pltpu.sync_copy(ones_v, hist.at[idxd], add=True)
        return carry

    lax.fori_loop(0, NCH, body, 0)
    off = base + NCH * CH
    pltpu.sync_copy(dst_hbm.at[pl.ds(off, REM)], idxd_r)
    pltpu.sync_copy(ones_r, hist.at[idxd_r], add=True)
    plsc.subcore_barrier()
    pltpu.sync_copy(hist.at[pl.ds(s * RPT, RPT)],
                    out_hbm.at[c, pl.ds(s * RPT, RPT)])


def _sc_deg(dst, zero_col, ones_col):
    f = pl.kernel(
        _sc_deg_body,
        out_type=jax.ShapeDtypeStruct((2, NPAD), jnp.float32),
        mesh=plsc.VectorSubcoreMesh(core_axis_name="c", subcore_axis_name="s"),
        scratch_types=[
            pltpu.VMEM((CH,), jnp.int32),
            pltpu.VMEM((CH,), jnp.float32),
            pltpu.VMEM((REM,), jnp.int32),
            pltpu.VMEM((REM,), jnp.float32),
            pltpu.VMEM_SHARED((NPAD,), jnp.float32),
        ],
    )
    p = f(dst, zero_col, ones_col)
    return p[0, :N_NODE] + p[1, :N_NODE]


def _ln(x, s, b):
    mu = jnp.mean(x, axis=1, keepdims=True)
    var = jnp.mean((x - mu) * (x - mu), axis=1, keepdims=True)
    return (x - mu) * jax.lax.rsqrt(var + 1e-6) * s + b


def _mega_body(seqT, seqR, tsT, zg, gsel, c0r, c1r, pos, gw1, gw2, aw,
               fw1, fb1, fw2, fb2, lnp, f2l1w, f2l1b, f2l2w, f2l2b,
               fl1w, fl1b, fl2w, fl2b, l2w, l2b, out):
    f32 = jnp.float32
    w12 = jnp.dot(gw1[...], gw2[...], preferred_element_type=f32)
    hseq = jnp.dot(zg[0], w12, preferred_element_type=f32)

    st = seqT[0]
    tt = tsT[0]
    nz = st != 0
    is0 = nz & (tt == 0)
    dy = jnp.where(is0, hseq, jnp.where(nz, gsel[0], 0.0))
    casr = jnp.where(tt == 1, c0r[0], c1r[0])
    cas = jnp.where(is0, hseq, jnp.where(nz, casr, 0.0))

    def fuse(a, b, l1w, l1b, l2w_, l2b_):
        sa = jnp.dot(jnp.tanh(jnp.dot(a, l1w, preferred_element_type=f32) + l1b),
                     l2w_, preferred_element_type=f32) + l2b_
        sb = jnp.dot(jnp.tanh(jnp.dot(b, l1w, preferred_element_type=f32) + l1b),
                     l2w_, preferred_element_type=f32) + l2b_
        m = jnp.maximum(sa, sb)
        ea = jnp.exp(sa - m)
        eb = jnp.exp(sb - m)
        den = ea + eb
        return (ea / den) * a + (eb / den) * b

    dyf = fuse(dy, cas, f2l1w[...], f2l1b[...], f2l2w[...], f2l2b[...])
    o99 = pos[...]
    diff = jnp.concatenate([dyf, o99], axis=1)
    fri = jnp.concatenate([hseq, o99], axis=1)

    padR = seqR[0] == 0
    lane = jax.lax.broadcasted_iota(jnp.int32, (1, D), 1)
    scale = 1.0 / np.sqrt(DK)

    def blk(x, bi):
        wq, wk, wv, wo = aw[bi, 0], aw[bi, 1], aw[bi, 2], aw[bi, 3]
        q = jnp.dot(x, wq, preferred_element_type=f32)
        k = jnp.dot(x, wk, preferred_element_type=f32)
        v = jnp.dot(x, wv, preferred_element_type=f32)
        o = jnp.zeros_like(x)
        for h in range(N_HEADS):
            mh = ((lane >= h * DK) & (lane < (h + 1) * DK)).astype(f32)
            s = jax.lax.dot_general(q * mh, k, (((1,), (1,)), ((), ())),
                                    preferred_element_type=f32) * scale
            s = jnp.where(padR, -1e9, s)
            m = jnp.max(s, axis=1, keepdims=True)
            e = jnp.exp(s - m)
            a = e / jnp.sum(e, axis=1, keepdims=True)
            o = o + jnp.dot(a, v * mh, preferred_element_type=f32)
        o = jnp.dot(o, wo, preferred_element_type=f32)
        x1 = _ln(x + o, lnp[bi, 0, 0], lnp[bi, 0, 1])
        ff = jnp.maximum(jnp.dot(x1, fw1[bi], preferred_element_type=f32) + fb1[bi], 0.0)
        ff = jnp.dot(ff, fw2[bi], preferred_element_type=f32) + fb2[bi]
        return _ln(x1 + ff, lnp[bi, 1, 0], lnp[bi, 1, 1])

    datt = blk(diff, 0)
    fatt = blk(fri, 1)
    att = fuse(datt, fatt, fl1w[...], fl1b[...], fl2w[...], fl2b[...])

    acc = jnp.dot(att, l2w[...], preferred_element_type=f32) + l2b[...]
    cols = jax.lax.broadcasted_iota(jnp.int32, (1, N_NODE), 1)
    hit = (st == cols).astype(f32)
    ri = jax.lax.broadcasted_iota(jnp.int32, (L, L), 0)
    ci = jax.lax.broadcasted_iota(jnp.int32, (L, L), 1)
    tril = (ri >= ci).astype(f32)
    cum = jnp.dot(tril, hit, preferred_element_type=f32)
    li = jax.lax.broadcasted_iota(jnp.int32, (L, 1), 0)
    masked = (cum > 0.0) | ((cols == 0) & (li < L - 1))
    out[0] = acc + jnp.where(masked, -1000.0, 0.0)


def _const(shape):
    nd = len(shape)
    return pl.BlockSpec(shape, lambda b, _n=nd: (0,) * _n)


def _mega(seqT, seqR, tsT, zg, gsel, c0g, c1g, pos99, gcn_w1, gcn_w2,
          attn_w, ffn_w1, ffn_b1, ffn_w2, ffn_b2, ln_p, fus2_l1w,
          fus2_l1b, fus2_l2w, fus2_l2b, fus_l1w, fus_l1b, fus_l2w,
          fus_l2b, lin2_w, lin2_b):
    out = pl.pallas_call(
        _mega_body,
        grid=(B,),
        in_specs=[
            pl.BlockSpec((1, L, 1), lambda b: (b, 0, 0)),
            pl.BlockSpec((1, 1, L), lambda b: (b, 0, 0)),
            pl.BlockSpec((1, L, 1), lambda b: (b, 0, 0)),
            pl.BlockSpec((1, L, D_MODEL), lambda b: (b, 0, 0)),
            pl.BlockSpec((1, L, D_MODEL), lambda b: (b, 0, 0)),
            pl.BlockSpec((1, 1, D_MODEL), lambda b: (b, 0, 0)),
            pl.BlockSpec((1, 1, D_MODEL), lambda b: (b, 0, 0)),
            _const((L, POS_DIM)),
            _const((D_MODEL, 2 * D_MODEL)),
            _const((2 * D_MODEL, D_MODEL)),
            _const((2, 4, D, D)),
            _const((2, D, D_FF)),
            _const((2, D_FF)),
            _const((2, D_FF, D)),
            _const((2, D)),
            _const((2, 2, 2, D)),
            _const((D_MODEL, D_MODEL)),
            _const((D_MODEL,)),
            _const((D_MODEL, 1)),
            _const((1, 1)),
            _const((D, D)),
            _const((D,)),
            _const((D, 1)),
            _const((1, 1)),
            _const((D, N_NODE)),
            _const((1, N_NODE)),
        ],
        out_specs=pl.BlockSpec((1, L, N_NODE), lambda b: (b, 0, 0)),
        out_shape=jax.ShapeDtypeStruct((B, L, N_NODE), jnp.float32),
    )(seqT, seqR, tsT, zg, gsel, c0g, c1g, pos99, gcn_w1, gcn_w2,
      attn_w, ffn_w1, ffn_b1, ffn_w2, ffn_b2, ln_p, fus2_l1w, fus2_l1b,
      fus2_l2w, fus2_l2b, fus_l1w, fus_l1b, fus_l2w, fus_l2b,
      lin2_w, lin2_b)
    return out.reshape(B * L, N_NODE)


def kernel(input_seq, input_seq_timestamp, tgt_idx, edge_index, emb_table,
           gcn_w1, gcn_w2, global_snaps, cas_snaps, pos_emb, attn_w,
           ffn_w1, ffn_b1, ffn_w2, ffn_b2, ln_p, fus2_l1w, fus2_l1b,
           fus2_l2w, fus2_l2b, fus_l1w, fus_l1b, fus_l2w, fus_l2b,
           lin2_w, lin2_b):
    seq = input_seq[:, :-1]
    ts = input_seq_timestamp[:, :-1]
    src, dst = edge_index[0], edge_index[1]

    zero_big = jnp.zeros((NPAD, D_MODEL), jnp.float32)
    zero_col = jnp.zeros((NPAD,), jnp.float32)
    ones_col = jnp.ones((CH,), jnp.float32)
    deg = _sc_deg(dst, zero_col, ones_col) + 1.0
    norm = jax.lax.rsqrt(deg)
    xn1 = emb_table * norm[:, None]
    agg1 = _sc_agg(xn1, src, dst, zero_big)
    xn2 = (norm * norm)[:, None] * (agg1 + xn1)
    agg2 = _sc_agg(xn2, src, dst, zero_big)
    z = norm[:, None] * (agg2 + xn2)

    zg = z[seq]
    gflat = global_snaps.reshape(3 * N_NODE, D_MODEL)
    gidx = (jnp.clip(ts, 1, 3) - 1) * N_NODE + seq
    gsel = gflat[gidx]
    c0g = cas_snaps[0][tgt_idx][:, None, :]
    c1g = cas_snaps[1][tgt_idx][:, None, :]

    return _mega(seq[:, :, None], seq[:, None, :], ts[:, :, None],
                 zg, gsel, c0g, c1g, pos_emb[:L], gcn_w1, gcn_w2,
                 attn_w, ffn_w1, ffn_b1, ffn_w2, ffn_b2, ln_p,
                 fus2_l1w, fus2_l1b, fus2_l2w, fus2_l2b.reshape(1, 1),
                 fus_l1w, fus_l1b, fus_l2w, fus_l2b.reshape(1, 1),
                 lin2_w, lin2_b.reshape(1, N_NODE))

# --- scband reference (transcript-rebuilt; emitter-appended) ---
"""Pipeline reference for scband-mshgat-36429912605003 (READ-ONLY COPY).

The authoritative reference and input builder live on the scoring server;
editing this copy changes nothing except your own understanding.
"""

import jax, jax.numpy as jnp
import numpy as np

N_NODE = 10000
D_MODEL = 128
POS_DIM = 8
N_HEADS = 8
CAS_NUM = 1024
B = 16
L_FULL = 100
N_EDGES = 160000
D = D_MODEL + POS_DIM
D_FF = 4 * D


def _u(key, shape, std):
    return jax.random.uniform(key, shape, jnp.float32, -std, std)


def setup_inputs(seed: int = 0):
    key = jax.random.key(seed)
    ks = jax.random.split(key, 32)
    std = 1.0 / np.sqrt(D_MODEL)
    inp = {}
    inp['input_seq'] = jax.random.randint(ks[0], (B, L_FULL), 0, N_NODE)
    inp['input_seq_timestamp'] = jnp.sort(jax.random.randint(ks[1], (B, L_FULL), 0, 4), axis=-1)
    inp['tgt_idx'] = jax.random.randint(ks[2], (B,), 0, CAS_NUM)
    inp['edge_index'] = jax.random.randint(ks[3], (2, N_EDGES), 0, N_NODE)
    inp['emb_table'] = _u(ks[4], (N_NODE, D_MODEL), std)
    inp['gcn_w1'] = _u(ks[5], (D_MODEL, 2 * D_MODEL), std)
    inp['gcn_w2'] = _u(ks[6], (2 * D_MODEL, D_MODEL), std)
    inp['global_snaps'] = _u(ks[7], (3, N_NODE, D_MODEL), std)
    inp['cas_snaps'] = _u(ks[8], (3, CAS_NUM, D_MODEL), std)
    inp['pos_emb'] = _u(ks[9], (CAS_NUM, POS_DIM), std)
    inp['attn_w'] = _u(ks[10], (2, 4, D, D), std)
    inp['ffn_w1'] = _u(ks[11], (2, D, D_FF), std)
    inp['ffn_b1'] = _u(ks[12], (2, D_FF), std)
    inp['ffn_w2'] = _u(ks[13], (2, D_FF, D), std)
    inp['ffn_b2'] = _u(ks[14], (2, D), std)
    inp['ln_p'] = jnp.stack([jnp.ones((2, 2, D)), jnp.zeros((2, 2, D))], axis=2)
    inp['fus2_l1w'] = _u(ks[15], (D_MODEL, D_MODEL), std)
    inp['fus2_l1b'] = _u(ks[16], (D_MODEL,), std)
    inp['fus2_l2w'] = _u(ks[17], (D_MODEL, 1), std)
    inp['fus2_l2b'] = _u(ks[18], (1,), std)
    inp['fus_l1w'] = _u(ks[19], (D, D), std)
    inp['fus_l1b'] = _u(ks[20], (D,), std)
    inp['fus_l2w'] = _u(ks[21], (D, 1), std)
    inp['fus_l2b'] = _u(ks[22], (1,), std)
    inp['lin2_w'] = _u(ks[23], (D, N_NODE), std)
    inp['lin2_b'] = _u(ks[24], (N_NODE,), std)
    return inp


def _layer_norm(x, s, b):
    mu = jnp.mean(x, axis=-1, keepdims=True)
    var = jnp.var(x, axis=-1, keepdims=True)
    return (x - mu) * jax.lax.rsqrt(var + 1e-6) * s + b


def _gcn(x, W, src, dst):
    h = x @ W
    deg = jnp.zeros((x.shape[0],), h.dtype).at[dst].add(1.0) + 1.0
    norm = jax.lax.rsqrt(deg)
    agg = jnp.zeros_like(h).at[dst].add(h[src] * norm[src][:, None])
    return norm[:, None] * (agg + norm[:, None] * h)


def _block(x, pad_mask, w, w1, b1, w2, b2, lnp):
    Bx, Lx, Dx = x.shape
    dk = Dx // N_HEADS

    def proj(Wm):
        return (x @ Wm).reshape(Bx, Lx, N_HEADS, dk).transpose(0, 2, 1, 3)

    q, k, v = proj(w[0]), proj(w[1]), proj(w[2])
    sc = jnp.einsum('bhqd,bhkd->bhqk', q, k) / np.sqrt(dk)
    sc = jnp.where(pad_mask[:, None, None, :], -1e9, sc)
    a = jax.nn.softmax(sc, axis=-1)
    o = jnp.einsum('bhqk,bhkd->bhqd', a, v).transpose(0, 2, 1, 3).reshape(Bx, Lx, Dx) @ w[3]
    x1 = _layer_norm(x + o, lnp[0, 0], lnp[0, 1])
    ff = jax.nn.relu(x1 @ w1 + b1) @ w2 + b2
    return _layer_norm(x1 + ff, lnp[1, 0], lnp[1, 1])


def _fusion(a, b, l1w, l1b, l2w, l2b):
    emb = jnp.stack([a, b], axis=0)
    score = jax.nn.softmax(jnp.tanh(emb @ l1w + l1b) @ l2w + l2b, axis=0)
    return jnp.sum(score * emb, axis=0)


def _prev_user_mask(seq, n_node):
    Bx, Lx = seq.shape
    tril = jnp.tril(jnp.ones((Lx, Lx), bool))
    prev = jnp.where(tril[None], seq[:, None, :], 0)
    bi = jnp.arange(Bx)[:, None, None]
    li = jnp.arange(Lx)[None, :, None]
    return jnp.zeros((Bx, Lx, n_node), jnp.float32).at[bi, li, prev].set(-1000.0)


def _forward(emb_table, gcn_w1, gcn_w2, global_snaps, cas_snaps, pos_emb, attn_w, ffn_w1, ffn_b1, ffn_w2, ffn_b2, ln_p, fus2_l1w, fus2_l1b, fus2_l2w, fus2_l2b, fus_l1w, fus_l1b, fus_l2w, fus_l2b, lin2_w, lin2_b, input_seq, input_seq_timestamp, tgt_idx, edge_index):
    seq = input_seq[:, :-1]
    ts = input_seq_timestamp[:, :-1]
    pad_mask = seq == 0
    src, dst = edge_index[0], edge_index[1]
    hidden = _gcn(_gcn(emb_table, gcn_w1, src, dst), gcn_w2, src, dst)
    Lm = seq.shape[1]
    order = jnp.broadcast_to(pos_emb[jnp.arange(Lm)][None], (seq.shape[0], Lm, POS_DIM))
    zero = jnp.zeros_like(seq)
    tgt = tgt_idx[:, None]
    seg0 = jnp.where(ts <= 0, seq, zero)
    m0 = seg0 == 0
    d0 = jnp.where(m0[..., None], 0.0, hidden[seg0])
    dyemb = d0
    cas_emb = d0
    cum = seg0
    seg1 = jnp.where(ts <= 1, seq, zero) - cum
    m1 = seg1 == 0
    dyemb = dyemb + jnp.where(m1[..., None], 0.0, global_snaps[0][seg1])
    cas_emb = cas_emb + jnp.where(m1[..., None], 0.0, cas_snaps[0][jnp.where(~m1, tgt, 0)])
    cum = cum + seg1
    seg2 = jnp.where(ts <= 2, seq, zero) - cum
    m2 = seg2 == 0
    dyemb = dyemb + jnp.where(m2[..., None], 0.0, global_snaps[1][seg2])
    cas_emb = cas_emb + jnp.where(m2[..., None], 0.0, cas_snaps[1][jnp.where(~m2, tgt, 0)])
    cum = cum + seg2
    rem = seq - cum
    rm = rem == 0
    dyemb = dyemb + jnp.where(rm[..., None], 0.0, global_snaps[2][rem])
    cas_emb = cas_emb + jnp.where(rm[..., None], 0.0, cas_snaps[1][jnp.where(~rm, tgt, 0)])
    dyemb = _fusion(dyemb, cas_emb, fus2_l1w, fus2_l1b, fus2_l2w, fus2_l2b)
    diff_embed = jnp.concatenate([dyemb, order], axis=-1)
    fri_embed = jnp.concatenate([hidden[seq], order], axis=-1)
    d_att = _block(diff_embed, pad_mask, attn_w[0], ffn_w1[0], ffn_b1[0], ffn_w2[0], ffn_b2[0], ln_p[0])
    f_att = _block(fri_embed, pad_mask, attn_w[1], ffn_w1[1], ffn_b1[1], ffn_w2[1], ffn_b2[1], ln_p[1])
    att = _fusion(d_att, f_att, fus_l1w, fus_l1b, fus_l2w, fus_l2b)
    out = att @ lin2_w + lin2_b + _prev_user_mask(seq, N_NODE)
    return out.reshape(-1, N_NODE)


def reference(input_seq, input_seq_timestamp, tgt_idx, edge_index, emb_table, gcn_w1, gcn_w2, global_snaps, cas_snaps, pos_emb, attn_w, ffn_w1, ffn_b1, ffn_w2, ffn_b2, ln_p, fus2_l1w, fus2_l1b, fus2_l2w, fus2_l2b, fus_l1w, fus_l1b, fus_l2w, fus_l2b, lin2_w, lin2_b):
    return _forward(emb_table, gcn_w1, gcn_w2, global_snaps, cas_snaps, pos_emb, attn_w, ffn_w1, ffn_b1, ffn_w2, ffn_b2, ln_p, fus2_l1w, fus2_l1b, fus2_l2w, fus2_l2b, fus_l1w, fus_l1b, fus_l2w, fus_l2b, lin2_w, lin2_b, input_seq, input_seq_timestamp, tgt_idx, edge_index)

if __name__ == "__main__":
    import jax
    _d = setup_inputs()
    print(jax.jit(kernel)(*tuple(_d.values())))

</pallas_src>

<mosaic_0001>
#map = affine_map<(d0, d1) -> (0, 0)>
#map1 = affine_map<(d0, d1) -> (0)>
#map2 = affine_map<(d0, d1) -> (0, 0, 0)>
module attributes {stable_mosaic.version = 14 : i64} {
  func.func @_sc_agg_body(%arg0: i32, %arg1: i32, %arg2: memref<10000x128xf32, #tpu.memory_space<hbm>>, %arg3: memref<160000xi32, #tpu.memory_space<hbm>>, %arg4: memref<160000xi32, #tpu.memory_space<hbm>>, %arg5: memref<10240x128xf32, #tpu.memory_space<hbm>>, %arg6: memref<2x10240x128xf32, #tpu.memory_space<hbm>>, %arg7: memref<160xi32, #tpu.memory_space<vmem>>, %arg8: memref<160xi32, #tpu.memory_space<vmem>>, %arg9: memref<160x128xf32, #tpu.memory_space<vmem>>, %arg10: memref<160xi32, #tpu.memory_space<vmem>>, %arg11: memref<160xi32, #tpu.memory_space<vmem>>, %arg12: memref<160x128xf32, #tpu.memory_space<vmem>>, %arg13: memref<40xi32, #tpu.memory_space<vmem>>, %arg14: memref<40xi32, #tpu.memory_space<vmem>>, %arg15: memref<40x128xf32, #tpu.memory_space<vmem>>, %arg16: memref<10240x128xf32, #tpu.memory_space<vmem_shared>>, %arg17: memref<!tpu.dma_semaphore, #tpu.memory_space<semaphore_mem>>, %arg18: memref<!tpu.dma_semaphore, #tpu.memory_space<semaphore_mem>>) attributes {dimension_semantics = [#tpu.dimension_semantics<core_parallel>, #tpu.dimension_semantics<subcore_parallel>], iteration_bounds = array<i64: 2, 16>, scalar_prefetch = 0 : i64, scratch_operands = 12 : i64, tpu.core_type = #tpu.core_type<sc_vector_subcore>, window_params = [{transform_indices = #map}, {transform_indices = #map1}, {transform_indices = #map1}, {transform_indices = #map}, {transform_indices = #map2}]} {
    %mul3A = arith.constant 2 : i32
    %mul3A_0 = arith.muli %arg1, %mul3A : i32
    %add3A = arith.addi %mul3A_0, %arg0 : i32
    %mul3A_1 = arith.constant 5000 : i32
    %mul3A_2 = arith.muli %add3A, %mul3A_1 : i32
    %mul3A_3 = arith.constant 640 : i32
    %mul3A_4 = arith.muli %arg1, %mul3A_3 : i32
    %mul3A_5 = arith.constant 640 : i32
    %mul3A_6 = arith.muli %arg1, %mul3A_5 : i32
    "tpu.region"() ({
      %run_scoped3A = tpu.sem_alloc : memref<!tpu.dma_semaphore, #tpu.memory_space<semaphore_mem>>
      %dma_start3A_29 = arith.constant 0 : i32
      %dma_start3A_30 = tpu.memref_slice %arg16[%mul3A_6, %dma_start3A_29] : memref<10240x128xf32, #tpu.memory_space<vmem_shared>> -> memref<640x128xf32, #tpu.memory_space<vmem_shared>>
      %dma_start3A_31 = arith.constant 0 : i32
      %dma_start3A_32 = tpu.memref_slice %arg5[%mul3A_4, %dma_start3A_31] : memref<10240x128xf32, #tpu.memory_space<hbm>> -> memref<640x128xf32, #tpu.memory_space<hbm>>
      tpu.enqueue_dma source(%dma_start3A_32 : memref<640x128xf32, #tpu.memory_space<hbm>>) target(%dma_start3A_30 : memref<640x128xf32, #tpu.memory_space<vmem_shared>>) target_semaphore(%run_scoped3A : memref<!tpu.dma_semaphore, #tpu.memory_space<semaphore_mem>>)
      %dma_wait3A_33 = arith.constant 0 : i32
      %dma_wait3A_34 = tpu.memref_slice %arg16[%mul3A_6, %dma_wait3A_33] : memref<10240x128xf32, #tpu.memory_space<vmem_shared>> -> memref<640x128xf32, #tpu.memory_space<vmem_shared>>
      %dma_wait3A_35 = arith.constant 0 : i32
      %dma_wait3A_36 = tpu.memref_slice %arg5[%mul3A_4, %dma_wait3A_35] : memref<10240x128xf32, #tpu.memory_space<hbm>> -> memref<640x128xf32, #tpu.memory_space<hbm>>
      tpu.wait_dma2 semaphore(%run_scoped3A : memref<!tpu.dma_semaphore, #tpu.memory_space<semaphore_mem>>) src(%dma_wait3A_36 : memref<640x128xf32, #tpu.memory_space<hbm>>) dst(%dma_wait3A_34 : memref<640x128xf32, #tpu.memory_space<vmem_shared>>)
      tpu.yield
    }) : () -> ()
    %barrier3A = arith.constant 0 : index
    tpu.barrier barrier_id(%barrier3A)
    "tpu.region"() ({
      %run_scoped3A = tpu.sem_alloc : memref<!tpu.dma_semaphore, #tpu.memory_space<semaphore_mem>>
      %dma_start3A_29 = tpu.memref_slice %arg3[%mul3A_2] : memref<160000xi32, #tpu.memory_space<hbm>> -> memref<160xi32, #tpu.memory_space<hbm>>
      %dma_start3A_30 = tpu.memref_slice %arg3[%mul3A_2] : memref<160000xi32, #tpu.memory_space<hbm>> -> memref<160xi32, #tpu.memory_space<hbm>>
      tpu.enqueue_dma source(%dma_start3A_30 : memref<160xi32, #tpu.memory_space<hbm>>) target(%arg7 : memref<160xi32, #tpu.memory_space<vmem>>) target_semaphore(%run_scoped3A : memref<!tpu.dma_semaphore, #tpu.memory_space<semaphore_mem>>)
      %dma_wait3A_31 = tpu.memref_slice %arg3[%mul3A_2] : memref<160000xi32, #tpu.memory_space<hbm>> -> memref<160xi32, #tpu.memory_space<hbm>>
      %dma_wait3A_32 = tpu.memref_slice %arg3[%mul3A_2] : memref<160000xi32, #tpu.memory_space<hbm>> -> memref<160xi32, #tpu.memory_space<hbm>>
      tpu.wait_dma2 semaphore(%run_scoped3A : memref<!tpu.dma_semaphore, #tpu.memory_space<semaphore_mem>>) src(%dma_wait3A_32 : memref<160xi32, #tpu.memory_space<hbm>>) dst(%arg7 : memref<160xi32, #tpu.memory_space<vmem>>)
      tpu.yield
    }) : () -> ()
    "tpu.region"() ({
      %run_scoped3A = tpu.sem_alloc : memref<!tpu.dma_semaphore, #tpu.memory_space<semaphore_mem>>
      %dma_start3A_29 = tpu.memref_slice %arg4[%mul3A_2] : memref<160000xi32, #tpu.memory_space<hbm>> -> memref<160xi32, #tpu.memory_space<hbm>>
      %dma_start3A_30 = tpu.memref_slice %arg4[%mul3A_2] : memref<160000xi32, #tpu.memory_space<hbm>> -> memref<160xi32, #tpu.memory_space<hbm>>
      tpu.enqueue_dma source(%dma_start3A_30 : memref<160xi32, #tpu.memory_space<hbm>>) target(%arg8 : memref<160xi32, #tpu.memory_space<vmem>>) target_semaphore(%run_scoped3A : memref<!tpu.dma_semaphore, #tpu.memory_space<semaphore_mem>>)
      %dma_wait3A_31 = tpu.memref_slice %arg4[%mul3A_2] : memref<160000xi32, #tpu.memory_space<hbm>> -> memref<160xi32, #tpu.memory_space<hbm>>
      %dma_wait3A_32 = tpu.memref_slice %arg4[%mul3A_2] : memref<160000xi32, #tpu.memory_space<hbm>> -> memref<160xi32, #tpu.memory_space<hbm>>
      tpu.wait_dma2 semaphore(%run_scoped3A : memref<!tpu.dma_semaphore, #tpu.memory_space<semaphore_mem>>) src(%dma_wait3A_32 : memref<160xi32, #tpu.memory_space<hbm>>) dst(%arg8 : memref<160xi32, #tpu.memory_space<vmem>>)
      tpu.yield
    }) : () -> ()
    %dma_start3A = arith.constant 0 : i32
    %dma_start3A_7 = arith.constant 0 : i32
    %dma_start3A_8 = tpu.memref_slice %arg2[%dma_start3A, %dma_start3A_7] : memref<10000x128xf32, #tpu.memory_space<hbm>> -> memref<10000x128xf32, #tpu.memory_space<hbm>>
    tpu.enqueue_indirect_dma source(%dma_start3A_8 : memref<10000x128xf32, #tpu.memory_space<hbm>>) target(%arg9 : memref<160x128xf32, #tpu.memory_space<vmem>>) offsets(%arg7 : memref<160xi32, #tpu.memory_space<vmem>>) semaphore(%arg17 : memref<!tpu.dma_semaphore, #tpu.memory_space<semaphore_mem>>)
    %scan3A = arith.constant 0 : i32
    %scan3A_9 = arith.constant 0 : i32
    %scan3A_10 = arith.constant 15 : i32
    %scan3A_11 = arith.addi %scan3A_9, %scan3A_10 : i32
    %scan3A_12 = arith.constant 1 : i32
    scf.for %scan3A_29 = %scan3A_9 to %scan3A_11 step %scan3A_12  : i32 {
      %mul3A_30 = arith.constant 2 : i32
      %mul3A_31 = arith.muli %mul3A_30, %scan3A_29 : i32
      %add3A_32 = arith.constant 1 : i32
      %add3A_33 = arith.addi %mul3A_31, %add3A_32 : i32
      %mul3A_34 = arith.constant 160 : i32
      %mul3A_35 = arith.muli %add3A_33, %mul3A_34 : i32
      %add3A_36 = arith.addi %mul3A_2, %mul3A_35 : i32
      "tpu.region"() ({
        %run_scoped3A = tpu.sem_alloc : memref<!tpu.dma_semaphore, #tpu.memory_space<semaphore_mem>>
        %dma_start3A_56 = tpu.memref_slice %arg3[%add3A_36] : memref<160000xi32, #tpu.memory_space<hbm>> -> memref<160xi32, #tpu.memory_space<hbm>>
        %dma_start3A_57 = tpu.memref_slice %arg3[%add3A_36] : memref<160000xi32, #tpu.memory_space<hbm>> -> memref<160xi32, #tpu.memory_space<hbm>>
        tpu.enqueue_dma source(%dma_start3A_57 : memref<160xi32, #tpu.memory_space<hbm>>) target(%arg10 : memref<160xi32, #tpu.memory_space<vmem>>) target_semaphore(%run_scoped3A : memref<!tpu.dma_semaphore, #tpu.memory_space<semaphore_mem>>)
        %dma_wait3A_58 = tpu.memref_slice %arg3[%add3A_36] : memref<160000xi32, #tpu.memory_space<hbm>> -> memref<160xi32, #tpu.memory_space<hbm>>
        %dma_wait3A_59 = tpu.memref_slice %arg3[%add3A_36] : memref<160000xi32, #tpu.memory_space<hbm>> -> memref<160xi32, #tpu.memory_space<hbm>>
        tpu.wait_dma2 semaphore(%run_scoped3A : memref<!tpu.dma_semaphore, #tpu.memory_space<semaphore_mem>>) src(%dma_wait3A_59 : memref<160xi32, #tpu.memory_space<hbm>>) dst(%arg10 : memref<160xi32, #tpu.memory_space<vmem>>)
        tpu.yield
      }) : () -> ()
      "tpu.region"() ({
        %run_scoped3A = tpu.sem_alloc : memref<!tpu.dma_semaphore, #tpu.memory_space<semaphore_mem>>
        %dma_start3A_56 = tpu.memref_slice %arg4[%add3A_36] : memref<160000xi32, #tpu.memory_space<hbm>> -> memref<160xi32, #tpu.memory_space<hbm>>
        %dma_start3A_57 = tpu.memref_slice %arg4[%add3A_36] : memref<160000xi32, #tpu.memory_space<hbm>> -> memref<160xi32, #tpu.memory_space<hbm>>
        tpu.enqueue_dma source(%dma_start3A_57 : memref<160xi32, #tpu.memory_space<hbm>>) target(%arg11 : memref<160xi32, #tpu.memory_space<vmem>>) target_semaphore(%run_scoped3A : memref<!tpu.dma_semaphore, #tpu.memory_space<semaphore_mem>>)
        %dma_wait3A_58 = tpu.memref_slice %arg4[%add3A_36] : memref<160000xi32, #tpu.memory_space<hbm>> -> memref<160xi32, #tpu.memory_space<hbm>>
        %dma_wait3A_59 = tpu.memref_slice %arg4[%add3A_36] : memref<160000xi32, #tpu.memory_space<hbm>> -> memref<160xi32, #tpu.memory_space<hbm>>
        tpu.wait_dma2 semaphore(%run_scoped3A : memref<!tpu.dma_semaphore, #tpu.memory_space<semaphore_mem>>) src(%dma_wait3A_59 : memref<160xi32, #tpu.memory_space<hbm>>) dst(%arg11 : memref<160xi32, #tpu.memory_space<vmem>>)
        tpu.yield
      }) : () -> ()
      %dma_start3A_37 = arith.constant 0 : i32
      %dma_start3A_38 = arith.constant 0 : i32
      %dma_start3A_39 = tpu.memref_slice %arg2[%dma_start3A_37, %dma_start3A_38] : memref<10000x128xf32, #tpu.memory_space<hbm>> -> memref<10000x128xf32, #tpu.memory_space<hbm>>
      tpu.enqueue_indirect_dma source(%dma_start3A_39 : memref<10000x128xf32, #tpu.memory_space<hbm>>) target(%arg12 : memref<160x128xf32, #tpu.memory_space<vmem>>) offsets(%arg10 : memref<160xi32, #tpu.memory_space<vmem>>) semaphore(%arg18 : memref<!tpu.dma_semaphore, #tpu.memory_space<semaphore_mem>>)
      %dma_wait3A_40 = arith.constant 0 : i32
      %dma_wait3A_41 = arith.constant 0 : i32
      %dma_wait3A_42 = tpu.memref_slice %arg2[%dma_wait3A_40, %dma_wait3A_41] : memref<10000x128xf32, #tpu.memory_space<hbm>> -> memref<10000x128xf32, #tpu.memory_space<hbm>>
      tpu.wait_indirect_dma semaphore(%arg17 : memref<!tpu.dma_semaphore, #tpu.memory_space<semaphore_mem>>) src(%dma_wait3A_42 : memref<10000x128xf32, #tpu.memory_space<hbm>>) dst(%arg9 : memref<160x128xf32, #tpu.memory_space<vmem>>)
      "tpu.region"() ({
        %run_scoped3A = tpu.sem_alloc : memref<!tpu.dma_semaphore, #tpu.memory_space<semaphore_mem>>
        %dma_start3A_56 = arith.constant 0 : i32
        %dma_start3A_57 = arith.constant 0 : i32
        %dma_start3A_58 = tpu.memref_slice %arg16[%dma_start3A_56, %dma_start3A_57] : memref<10240x128xf32, #tpu.memory_space<vmem_shared>> -> memref<10240x128xf32, #tpu.memory_space<vmem_shared>>
        tpu.enqueue_indirect_dma source(%arg9 : memref<160x128xf32, #tpu.memory_space<vmem>>) target(%dma_start3A_58 : memref<10240x128xf32, #tpu.memory_space<vmem_shared>>) offsets(%arg8 : memref<160xi32, #tpu.memory_space<vmem>>) semaphore(%run_scoped3A : memref<!tpu.dma_semaphore, #tpu.memory_space<semaphore_mem>>) {add = true}
        %dma_wait3A_59 = arith.constant 0 : i32
        %dma_wait3A_60 = arith.constant 0 : i32
        %dma_wait3A_61 = tpu.memref_slice %arg16[%dma_wait3A_59, %dma_wait3A_60] : memref<10240x128xf32, #tpu.memory_space<vmem_shared>> -> memref<10240x128xf32, #tpu.memory_space<vmem_shared>>
        tpu.wait_indirect_dma semaphore(%run_scoped3A : memref<!tpu.dma_semaphore, #tpu.memory_space<semaphore_mem>>) src(%arg9 : memref<160x128xf32, #tpu.memory_space<vmem>>) dst(%dma_wait3A_61 : memref<10240x128xf32, #tpu.memory_space<vmem_shared>>)
        tpu.yield
      }) : () -> ()
      %mul3A_43 = arith.constant 2 : i32
      %mul3A_44 = arith.muli %mul3A_43, %scan3A_29 : i32
      %add3A_45 = arith.constant 2 : i32
      %add3A_46 = arith.addi %mul3A_44, %add3A_45 : i32
      %mul3A_47 = arith.constant 160 : i32
      %mul3A_48 = arith.muli %add3A_46, %mul3A_47 : i32
      %add3A_49 = arith.addi %mul3A_2, %mul3A_48 : i32
      "tpu.region"() ({
        %run_scoped3A = tpu.sem_alloc : memref<!tpu.dma_semaphore, #tpu.memory_space<semaphore_mem>>
        %dma_start3A_56 = tpu.memref_slice %arg3[%add3A_49] : memref<160000xi32, #tpu.memory_space<hbm>> -> memref<160xi32, #tpu.memory_space<hbm>>
        %dma_start3A_57 = tpu.memref_slice %arg3[%add3A_49] : memref<160000xi32, #tpu.memory_space<hbm>> -> memref<160xi32, #tpu.memory_space<hbm>>
        tpu.enqueue_dma source(%dma_start3A_57 : memref<160xi32, #tpu.memory_space<hbm>>) target(%arg7 : memref<160xi32, #tpu.memory_space<vmem>>) target_semaphore(%run_scoped3A : memref<!tpu.dma_semaphore, #tpu.memory_space<semaphore_mem>>)
        %dma_wait3A_58 = tpu.memref_slice %arg3[%add3A_49] : memref<160000xi32, #tpu.memory_space<hbm>> -> memref<160xi32, #tpu.memory_space<hbm>>
        %dma_wait3A_59 = tpu.memref_slice %arg3[%add3A_49] : memref<160000xi32, #tpu.memory_space<hbm>> -> memref<160xi32, #tpu.memory_space<hbm>>
        tpu.wait_dma2 semaphore(%run_scoped3A : memref<!tpu.dma_semaphore, #tpu.memory_space<semaphore_mem>>) src(%dma_wait3A_59 : memref<160xi32, #tpu.memory_space<hbm>>) dst(%arg7 : memref<160xi32, #tpu.memory_space<vmem>>)
        tpu.yield
      }) : () -> ()
      "tpu.region"() ({
        %run_scoped3A = tpu.sem_alloc : memref<!tpu.dma_semaphore, #tpu.memory_space<semaphore_mem>>
        %dma_start3A_56 = tpu.memref_slice %arg4[%add3A_49] : memref<160000xi32, #tpu.memory_space<hbm>> -> memref<160xi32, #tpu.memory_space<hbm>>
        %dma_start3A_57 = tpu.memref_slice %arg4[%add3A_49] : memref<160000xi32, #tpu.memory_space<hbm>> -> memref<160xi32, #tpu.memory_space<hbm>>
        tpu.enqueue_dma source(%dma_start3A_57 : memref<160xi32, #tpu.memory_space<hbm>>) target(%arg8 : memref<160xi32, #tpu.memory_space<vmem>>) target_semaphore(%run_scoped3A : memref<!tpu.dma_semaphore, #tpu.memory_space<semaphore_mem>>)
        %dma_wait3A_58 = tpu.memref_slice %arg4[%add3A_49] : memref<160000xi32, #tpu.memory_space<hbm>> -> memref<160xi32, #tpu.memory_space<hbm>>
        %dma_wait3A_59 = tpu.memref_slice %arg4[%add3A_49] : memref<160000xi32, #tpu.memory_space<hbm>> -> memref<160xi32, #tpu.memory_space<hbm>>
        tpu.wait_dma2 semaphore(%run_scoped3A : memref<!tpu.dma_semaphore, #tpu.memory_space<semaphore_mem>>) src(%dma_wait3A_59 : memref<160xi32, #tpu.memory_space<hbm>>) dst(%arg8 : memref<160xi32, #tpu.memory_space<vmem>>)
        tpu.yield
      }) : () -> ()
      %dma_start3A_50 = arith.constant 0 : i32
      %dma_start3A_51 = arith.constant 0 : i32
      %dma_start3A_52 = tpu.memref_slice %arg2[%dma_start3A_50, %dma_start3A_51] : memref<10000x128xf32, #tpu.memory_space<hbm>> -> memref<10000x128xf32, #tpu.memory_space<hbm>>
      tpu.enqueue_indirect_dma source(%dma_start3A_52 : memref<10000x128xf32, #tpu.memory_space<hbm>>) target(%arg9 : memref<160x128xf32, #tpu.memory_space<vmem>>) offsets(%arg7 : memref<160xi32, #tpu.memory_space<vmem>>) semaphore(%arg17 : memref<!tpu.dma_semaphore, #tpu.memory_space<semaphore_mem>>)
      %dma_wait3A_53 = arith.constant 0 : i32
      %dma_wait3A_54 = arith.constant 0 : i32
      %dma_wait3A_55 = tpu.memref_slice %arg2[%dma_wait3A_53, %dma_wait3A_54] : memref<10000x128xf32, #tpu.memory_space<hbm>> -> memref<10000x128xf32, #tpu.memory_space<hbm>>
      tpu.wait_indirect_dma semaphore(%arg18 : memref<!tpu.dma_semaphore, #tpu.memory_space<semaphore_mem>>) src(%dma_wait3A_55 : memref<10000x128xf32, #tpu.memory_space<hbm>>) dst(%arg12 : memref<160x128xf32, #tpu.memory_space<vmem>>)
      "tpu.region"() ({
        %run_scoped3A = tpu.sem_alloc : memref<!tpu.dma_semaphore, #tpu.memory_space<semaphore_mem>>
        %dma_start3A_56 = arith.constant 0 : i32
        %dma_start3A_57 = arith.constant 0 : i32
        %dma_start3A_58 = tpu.memref_slice %arg16[%dma_start3A_56, %dma_start3A_57] : memref<10240x128xf32, #tpu.memory_space<vmem_shared>> -> memref<10240x128xf32, #tpu.memory_space<vmem_shared>>
        tpu.enqueue_indirect_dma source(%arg12 : memref<160x128xf32, #tpu.memory_space<vmem>>) target(%dma_start3A_58 : memref<10240x128xf32, #tpu.memory_space<vmem_shared>>) offsets(%arg11 : memref<160xi32, #tpu.memory_space<vmem>>) semaphore(%run_scoped3A : memref<!tpu.dma_semaphore, #tpu.memory_space<semaphore_mem>>) {add = true}
        %dma_wait3A_59 = arith.constant 0 : i32
        %dma_wait3A_60 = arith.constant 0 : i32
        %dma_wait3A_61 = tpu.memref_slice %arg16[%dma_wait3A_59, %dma_wait3A_60] : memref<10240x128xf32, #tpu.memory_space<vmem_shared>> -> memref<10240x128xf32, #tpu.memory_space<vmem_shared>>
        tpu.wait_indirect_dma semaphore(%run_scoped3A : memref<!tpu.dma_semaphore, #tpu.memory_space<semaphore_mem>>) src(%arg12 : memref<160x128xf32, #tpu.memory_space<vmem>>) dst(%dma_wait3A_61 : memref<10240x128xf32, #tpu.memory_space<vmem_shared>>)
        tpu.yield
      }) : () -> ()
    }
    %scan3A_13 = arith.constant 15 : i32
    %dma_wait3A = arith.constant 0 : i32
    %dma_wait3A_14 = arith.constant 0 : i32
    %dma_wait3A_15 = tpu.memref_slice %arg2[%dma_wait3A, %dma_wait3A_14] : memref<10000x128xf32, #tpu.memory_space<hbm>> -> memref<10000x128xf32, #tpu.memory_space<hbm>>
    tpu.wait_indirect_dma semaphore(%arg17 : memref<!tpu.dma_semaphore, #tpu.memory_space<semaphore_mem>>) src(%dma_wait3A_15 : memref<10000x128xf32, #tpu.memory_space<hbm>>) dst(%arg9 : memref<160x128xf32, #tpu.memory_space<vmem>>)
    "tpu.region"() ({
      %run_scoped3A = tpu.sem_alloc : memref<!tpu.dma_semaphore, #tpu.memory_space<semaphore_mem>>
      %dma_start3A_29 = arith.constant 0 : i32
      %dma_start3A_30 = arith.constant 0 : i32
      %dma_start3A_31 = tpu.memref_slice %arg16[%dma_start3A_29, %dma_start3A_30] : memref<10240x128xf32, #tpu.memory_space<vmem_shared>> -> memref<10240x128xf32, #tpu.memory_space<vmem_shared>>
      tpu.enqueue_indirect_dma source(%arg9 : memref<160x128xf32, #tpu.memory_space<vmem>>) target(%dma_start3A_31 : memref<10240x128xf32, #tpu.memory_space<vmem_shared>>) offsets(%arg8 : memref<160xi32, #tpu.memory_space<vmem>>) semaphore(%run_scoped3A : memref<!tpu.dma_semaphore, #tpu.memory_space<semaphore_mem>>) {add = true}
      %dma_wait3A_32 = arith.constant 0 : i32
      %dma_wait3A_33 = arith.constant 0 : i32
      %dma_wait3A_34 = tpu.memref_slice %arg16[%dma_wait3A_32, %dma_wait3A_33] : memref<10240x128xf32, #tpu.memory_space<vmem_shared>> -> memref<10240x128xf32, #tpu.memory_space<vmem_shared>>
      tpu.wait_indirect_dma semaphore(%run_scoped3A : memref<!tpu.dma_semaphore, #tpu.memory_space<semaphore_mem>>) src(%arg9 : memref<160x128xf32, #tpu.memory_space<vmem>>) dst(%dma_wait3A_34 : memref<10240x128xf32, #tpu.memory_space<vmem_shared>>)
      tpu.yield
    }) : () -> ()
    %add3A_16 = arith.constant 4960 : i32
    %add3A_17 = arith.addi %mul3A_2, %add3A_16 : i32
    "tpu.region"() ({
      %run_scoped3A = tpu.sem_alloc : memref<!tpu.dma_semaphore, #tpu.memory_space<semaphore_mem>>
      %dma_start3A_29 = tpu.memref_slice %arg3[%add3A_17] : memref<160000xi32, #tpu.memory_space<hbm>> -> memref<40xi32, #tpu.memory_space<hbm>>
      %dma_start3A_30 = tpu.memref_slice %arg3[%add3A_17] : memref<160000xi32, #tpu.memory_space<hbm>> -> memref<40xi32, #tpu.memory_space<hbm>>
      tpu.enqueue_dma source(%dma_start3A_30 : memref<40xi32, #tpu.memory_space<hbm>>) target(%arg13 : memref<40xi32, #tpu.memory_space<vmem>>) target_semaphore(%run_scoped3A : memref<!tpu.dma_semaphore, #tpu.memory_space<semaphore_mem>>)
      %dma_wait3A_31 = tpu.memref_slice %arg3[%add3A_17] : memref<160000xi32, #tpu.memory_space<hbm>> -> memref<40xi32, #tpu.memory_space<hbm>>
      %dma_wait3A_32 = tpu.memref_slice %arg3[%add3A_17] : memref<160000xi32, #tpu.memory_space<hbm>> -> memref<40xi32, #tpu.memory_space<hbm>>
      tpu.wait_dma2 semaphore(%run_scoped3A : memref<!tpu.dma_semaphore, #tpu.memory_space<semaphore_mem>>) src(%dma_wait3A_32 : memref<40xi32, #tpu.memory_space<hbm>>) dst(%arg13 : memref<40xi32, #tpu.memory_space<vmem>>)
      tpu.yield
    }) : () -> ()
    "tpu.region"() ({
      %run_scoped3A = tpu.sem_alloc : memref<!tpu.dma_semaphore, #tpu.memory_space<semaphore_mem>>
      %dma_start3A_29 = tpu.memref_slice %arg4[%add3A_17] : memref<160000xi32, #tpu.memory_space<hbm>> -> memref<40xi32, #tpu.memory_space<hbm>>
      %dma_start3A_30 = tpu.memref_slice %arg4[%add3A_17] : memref<160000xi32, #tpu.memory_space<hbm>> -> memref<40xi32, #tpu.memory_space<hbm>>
      tpu.enqueue_dma source(%dma_start3A_30 : memref<40xi32, #tpu.memory_space<hbm>>) target(%arg14 : memref<40xi32, #tpu.memory_space<vmem>>) target_semaphore(%run_scoped3A : memref<!tpu.dma_semaphore, #tpu.memory_space<semaphore_mem>>)
      %dma_wait3A_31 = tpu.memref_slice %arg4[%add3A_17] : memref<160000xi32, #tpu.memory_space<hbm>> -> memref<40xi32, #tpu.memory_space<hbm>>
      %dma_wait3A_32 = tpu.memref_slice %arg4[%add3A_17] : memref<160000xi32, #tpu.memory_space<hbm>> -> memref<40xi32, #tpu.memory_space<hbm>>
      tpu.wait_dma2 semaphore(%run_scoped3A : memref<!tpu.dma_semaphore, #tpu.memory_space<semaphore_mem>>) src(%dma_wait3A_32 : memref<40xi32, #tpu.memory_space<hbm>>) dst(%arg14 : memref<40xi32, #tpu.memory_space<vmem>>)
      tpu.yield
    }) : () -> ()
    %dma_start3A_18 = arith.constant 0 : i32
    %dma_start3A_19 = arith.constant 0 : i32
    %dma_start3A_20 = tpu.memref_slice %arg2[%dma_start3A_18, %dma_start3A_19] : memref<10000x128xf32, #tpu.memory_space<hbm>> -> memref<10000x128xf32, #tpu.memory_space<hbm>>
    tpu.enqueue_indirect_dma source(%dma_start3A_20 : memref<10000x128xf32, #tpu.memory_space<hbm>>) target(%arg15 : memref<40x128xf32, #tpu.memory_space<vmem>>) offsets(%arg13 : memref<40xi32, #tpu.memory_space<vmem>>) semaphore(%arg17 : memref<!tpu.dma_semaphore, #tpu.memory_space<semaphore_mem>>)
    %dma_wait3A_21 = arith.constant 0 : i32
    %dma_wait3A_22 = arith.constant 0 : i32
    %dma_wait3A_23 = tpu.memref_slice %arg2[%dma_wait3A_21, %dma_wait3A_22] : memref<10000x128xf32, #tpu.memory_space<hbm>> -> memref<10000x128xf32, #tpu.memory_space<hbm>>
    tpu.wait_indirect_dma semaphore(%arg17 : memref<!tpu.dma_semaphore, #tpu.memory_space<semaphore_mem>>) src(%dma_wait3A_23 : memref<10000x128xf32, #tpu.memory_space<hbm>>) dst(%arg15 : memref<40x128xf32, #tpu.memory_space<vmem>>)
    "tpu.region"() ({
      %run_scoped3A = tpu.sem_alloc : memref<!tpu.dma_semaphore, #tpu.memory_space<semaphore_mem>>
      %dma_start3A_29 = arith.constant 0 : i32
      %dma_start3A_30 = arith.constant 0 : i32
      %dma_start3A_31 = tpu.memref_slice %arg16[%dma_start3A_29, %dma_start3A_30] : memref<10240x128xf32, #tpu.memory_space<vmem_shared>> -> memref<10240x128xf32, #tpu.memory_space<vmem_shared>>
      tpu.enqueue_indirect_dma source(%arg15 : memref<40x128xf32, #tpu.memory_space<vmem>>) target(%dma_start3A_31 : memref<10240x128xf32, #tpu.memory_space<vmem_shared>>) offsets(%arg14 : memref<40xi32, #tpu.memory_space<vmem>>) semaphore(%run_scoped3A : memref<!tpu.dma_semaphore, #tpu.memory_space<semaphore_mem>>) {add = true}
      %dma_wait3A_32 = arith.constant 0 : i32
      %dma_wait3A_33 = arith.constant 0 : i32
      %dma_wait3A_34 = tpu.memref_slice %arg16[%dma_wait3A_32, %dma_wait3A_33] : memref<10240x128xf32, #tpu.memory_space<vmem_shared>> -> memref<10240x128xf32, #tpu.memory_space<vmem_shared>>
      tpu.wait_indirect_dma semaphore(%run_scoped3A : memref<!tpu.dma_semaphore, #tpu.memory_space<semaphore_mem>>) src(%arg15 : memref<40x128xf32, #tpu.memory_space<vmem>>) dst(%dma_wait3A_34 : memref<10240x128xf32, #tpu.memory_space<vmem_shared>>)
      tpu.yield
    }) : () -> ()
    %barrier3A_24 = arith.constant 0 : index
    tpu.barrier barrier_id(%barrier3A_24)
    %mul3A_25 = arith.constant 640 : i32
    %mul3A_26 = arith.muli %arg1, %mul3A_25 : i32
    %mul3A_27 = arith.constant 640 : i32
    %mul3A_28 = arith.muli %arg1, %mul3A_27 : i32
    "tpu.region"() ({
      %run_scoped3A = tpu.sem_alloc : memref<!tpu.dma_semaphore, #tpu.memory_space<semaphore_mem>>
      %dma_start3A_29 = arith.constant 0 : i32
      %dma_start3A_30 = tpu.memref_slice %arg6[%arg0, %mul3A_28, %dma_start3A_29] : memref<2x10240x128xf32, #tpu.memory_space<hbm>> -> memref<1x640x128xf32, #tpu.memory_space<hbm>>
      %dma_start3A_31 = tpu.memref_squeeze %dma_start3A_30 : memref<1x640x128xf32, #tpu.memory_space<hbm>> -> memref<640x128xf32, #tpu.memory_space<hbm>>
      %dma_start3A_32 = arith.constant 0 : i32
      %dma_start3A_33 = tpu.memref_slice %arg16[%mul3A_26, %dma_start3A_32] : memref<10240x128xf32, #tpu.memory_space<vmem_shared>> -> memref<640x128xf32, #tpu.memory_space<vmem_shared>>
      tpu.enqueue_dma source(%dma_start3A_33 : memref<640x128xf32, #tpu.memory_space<vmem_shared>>) target(%dma_start3A_31 : memref<640x128xf32, #tpu.memory_space<hbm>>) target_semaphore(%run_scoped3A : memref<!tpu.dma_semaphore, #tpu.memory_space<semaphore_mem>>)
      %dma_wait3A_34 = arith.constant 0 : i32
      %dma_wait3A_35 = tpu.memref_slice %arg6[%arg0, %mul3A_28, %dma_wait3A_34] : memref<2x10240x128xf32, #tpu.memory_space<hbm>> -> memref<1x640x128xf32, #tpu.memory_space<hbm>>
      %dma_wait3A_36 = tpu.memref_squeeze %dma_wait3A_35 : memref<1x640x128xf32, #tpu.memory_space<hbm>> -> memref<640x128xf32, #tpu.memory_space<hbm>>
      %dma_wait3A_37 = arith.constant 0 : i32
      %dma_wait3A_38 = tpu.memref_slice %arg16[%mul3A_26, %dma_wait3A_37] : memref<10240x128xf32, #tpu.memory_space<vmem_shared>> -> memref<640x128xf32, #tpu.memory_space<vmem_shared>>
      tpu.wait_dma2 semaphore(%run_scoped3A : memref<!tpu.dma_semaphore, #tpu.memory_space<semaphore_mem>>) src(%dma_wait3A_38 : memref<640x128xf32, #tpu.memory_space<vmem_shared>>) dst(%dma_wait3A_36 : memref<640x128xf32, #tpu.memory_space<hbm>>)
      tpu.yield
    }) : () -> ()
    return
  }
}

#map = affine_map<(d0, d1) -> (0)>
#map1 = affine_map<(d0, d1) -> (0, 0)>
module attributes {stable_mosaic.version = 14 : i64} {
  func.func @_sc_deg_body(%arg0: i32, %arg1: i32, %arg2: memref<160000xi32, #tpu.memory_space<hbm>>, %arg3: memref<10240xf32, #tpu.memory_space<hbm>>, %arg4: memref<312xf32, #tpu.memory_space<hbm>>, %arg5: memref<2x10240xf32, #tpu.memory_space<hbm>>, %arg6: memref<312xi32, #tpu.memory_space<vmem>>, %arg7: memref<312xf32, #tpu.memory_space<vmem>>, %arg8: memref<8xi32, #tpu.memory_space<vmem>>, %arg9: memref<8xf32, #tpu.memory_space<vmem>>, %arg10: memref<10240xf32, #tpu.memory_space<vmem_shared>>) attributes {dimension_semantics = [#tpu.dimension_semantics<core_parallel>, #tpu.dimension_semantics<subcore_parallel>], iteration_bounds = array<i64: 2, 16>, scalar_prefetch = 0 : i64, scratch_operands = 5 : i64, tpu.core_type = #tpu.core_type<sc_vector_subcore>, window_params = [{transform_indices = #map}, {transform_indices = #map}, {transform_indices = #map}, {transform_indices = #map1}]} {
    %mul3A = arith.constant 2 : i32
    %mul3A_0 = arith.muli %arg1, %mul3A : i32
    %add3A = arith.addi %mul3A_0, %arg0 : i32
    %mul3A_1 = arith.constant 5000 : i32
    %mul3A_2 = arith.muli %add3A, %mul3A_1 : i32
    %mul3A_3 = arith.constant 640 : i32
    %mul3A_4 = arith.muli %arg1, %mul3A_3 : i32
    %mul3A_5 = arith.constant 640 : i32
    %mul3A_6 = arith.muli %arg1, %mul3A_5 : i32
    "tpu.region"() ({
      %run_scoped3A = tpu.sem_alloc : memref<!tpu.dma_semaphore, #tpu.memory_space<semaphore_mem>>
      %dma_start3A = tpu.memref_slice %arg10[%mul3A_6] : memref<10240xf32, #tpu.memory_space<vmem_shared>> -> memref<640xf32, #tpu.memory_space<vmem_shared>>
      %dma_start3A_19 = tpu.memref_slice %arg3[%mul3A_4] : memref<10240xf32, #tpu.memory_space<hbm>> -> memref<640xf32, #tpu.memory_space<hbm>>
      tpu.enqueue_dma source(%dma_start3A_19 : memref<640xf32, #tpu.memory_space<hbm>>) target(%dma_start3A : memref<640xf32, #tpu.memory_space<vmem_shared>>) target_semaphore(%run_scoped3A : memref<!tpu.dma_semaphore, #tpu.memory_space<semaphore_mem>>)
      %dma_wait3A = tpu.memref_slice %arg10[%mul3A_6] : memref<10240xf32, #tpu.memory_space<vmem_shared>> -> memref<640xf32, #tpu.memory_space<vmem_shared>>
      %dma_wait3A_20 = tpu.memref_slice %arg3[%mul3A_4] : memref<10240xf32, #tpu.memory_space<hbm>> -> memref<640xf32, #tpu.memory_space<hbm>>
      tpu.wait_dma2 semaphore(%run_scoped3A : memref<!tpu.dma_semaphore, #tpu.memory_space<semaphore_mem>>) src(%dma_wait3A_20 : memref<640xf32, #tpu.memory_space<hbm>>) dst(%dma_wait3A : memref<640xf32, #tpu.memory_space<vmem_shared>>)
      tpu.yield
    }) : () -> ()
    "tpu.region"() ({
      %run_scoped3A = tpu.sem_alloc : memref<!tpu.dma_semaphore, #tpu.memory_space<semaphore_mem>>
      tpu.enqueue_dma source(%arg4 : memref<312xf32, #tpu.memory_space<hbm>>) target(%arg7 : memref<312xf32, #tpu.memory_space<vmem>>) target_semaphore(%run_scoped3A : memref<!tpu.dma_semaphore, #tpu.memory_space<semaphore_mem>>)
      tpu.wait_dma2 semaphore(%run_scoped3A : memref<!tpu.dma_semaphore, #tpu.memory_space<semaphore_mem>>) src(%arg4 : memref<312xf32, #tpu.memory_space<hbm>>) dst(%arg7 : memref<312xf32, #tpu.memory_space<vmem>>)
      tpu.yield
    }) : () -> ()
    "tpu.region"() ({
      %run_scoped3A = tpu.sem_alloc : memref<!tpu.dma_semaphore, #tpu.memory_space<semaphore_mem>>
      %dma_start3A = arith.constant 0 : i32
      %dma_start3A_19 = tpu.memref_slice %arg4[%dma_start3A] : memref<312xf32, #tpu.memory_space<hbm>> -> memref<8xf32, #tpu.memory_space<hbm>>
      %dma_start3A_20 = arith.constant 0 : i32
      %dma_start3A_21 = tpu.memref_slice %arg4[%dma_start3A_20] : memref<312xf32, #tpu.memory_space<hbm>> -> memref<8xf32, #tpu.memory_space<hbm>>
      tpu.enqueue_dma source(%dma_start3A_21 : memref<8xf32, #tpu.memory_space<hbm>>) target(%arg9 : memref<8xf32, #tpu.memory_space<vmem>>) target_semaphore(%run_scoped3A : memref<!tpu.dma_semaphore, #tpu.memory_space<semaphore_mem>>)
      %dma_wait3A = arith.constant 0 : i32
      %dma_wait3A_22 = tpu.memref_slice %arg4[%dma_wait3A] : memref<312xf32, #tpu.memory_space<hbm>> -> memref<8xf32, #tpu.memory_space<hbm>>
      %dma_wait3A_23 = arith.constant 0 : i32
      %dma_wait3A_24 = tpu.memref_slice %arg4[%dma_wait3A_23] : memref<312xf32, #tpu.memory_space<hbm>> -> memref<8xf32, #tpu.memory_space<hbm>>
      tpu.wait_dma2 semaphore(%run_scoped3A : memref<!tpu.dma_semaphore, #tpu.memory_space<semaphore_mem>>) src(%dma_wait3A_24 : memref<8xf32, #tpu.memory_space<hbm>>) dst(%arg9 : memref<8xf32, #tpu.memory_space<vmem>>)
      tpu.yield
    }) : () -> ()
    %barrier3A = arith.constant 0 : index
    tpu.barrier barrier_id(%barrier3A)
    %scan3A = arith.constant 0 : i32
    %scan3A_7 = arith.constant 0 : i32
    %scan3A_8 = arith.constant 16 : i32
    %scan3A_9 = arith.addi %scan3A_7, %scan3A_8 : i32
    %scan3A_10 = arith.constant 1 : i32
    scf.for %scan3A_19 = %scan3A_7 to %scan3A_9 step %scan3A_10  : i32 {
      %mul3A_20 = arith.constant 312 : i32
      %mul3A_21 = arith.muli %scan3A_19, %mul3A_20 : i32
      %add3A_22 = arith.addi %mul3A_2, %mul3A_21 : i32
      "tpu.region"() ({
        %run_scoped3A = tpu.sem_alloc : memref<!tpu.dma_semaphore, #tpu.memory_space<semaphore_mem>>
        %dma_start3A = tpu.memref_slice %arg2[%add3A_22] : memref<160000xi32, #tpu.memory_space<hbm>> -> memref<312xi32, #tpu.memory_space<hbm>>
        %dma_start3A_23 = tpu.memref_slice %arg2[%add3A_22] : memref<160000xi32, #tpu.memory_space<hbm>> -> memref<312xi32, #tpu.memory_space<hbm>>
        tpu.enqueue_dma source(%dma_start3A_23 : memref<312xi32, #tpu.memory_space<hbm>>) target(%arg6 : memref<312xi32, #tpu.memory_space<vmem>>) target_semaphore(%run_scoped3A : memref<!tpu.dma_semaphore, #tpu.memory_space<semaphore_mem>>)
        %dma_wait3A = tpu.memref_slice %arg2[%add3A_22] : memref<160000xi32, #tpu.memory_space<hbm>> -> memref<312xi32, #tpu.memory_space<hbm>>
        %dma_wait3A_24 = tpu.memref_slice %arg2[%add3A_22] : memref<160000xi32, #tpu.memory_space<hbm>> -> memref<312xi32, #tpu.memory_space<hbm>>
        tpu.wait_dma2 semaphore(%run_scoped3A : memref<!tpu.dma_semaphore, #tpu.memory_space<semaphore_mem>>) src(%dma_wait3A_24 : memref<312xi32, #tpu.memory_space<hbm>>) dst(%arg6 : memref<312xi32, #tpu.memory_space<vmem>>)
        tpu.yield
      }) : () -> ()
      "tpu.region"() ({
        %run_scoped3A = tpu.sem_alloc : memref<!tpu.dma_semaphore, #tpu.memory_space<semaphore_mem>>
        %dma_start3A = arith.constant 0 : i32
        %dma_start3A_23 = tpu.memref_slice %arg10[%dma_start3A] : memref<10240xf32, #tpu.memory_space<vmem_shared>> -> memref<10240xf32, #tpu.memory_space<vmem_shared>>
        tpu.enqueue_indirect_dma source(%arg7 : memref<312xf32, #tpu.memory_space<vmem>>) target(%dma_start3A_23 : memref<10240xf32, #tpu.memory_space<vmem_shared>>) offsets(%arg6 : memref<312xi32, #tpu.memory_space<vmem>>) semaphore(%run_scoped3A : memref<!tpu.dma_semaphore, #tpu.memory_space<semaphore_mem>>) {add = true}
        %dma_wait3A = arith.constant 0 : i32
        %dma_wait3A_24 = tpu.memref_slice %arg10[%dma_wait3A] : memref<10240xf32, #tpu.memory_space<vmem_shared>> -> memref<10240xf32, #tpu.memory_space<vmem_shared>>
        tpu.wait_indirect_dma semaphore(%run_scoped3A : memref<!tpu.dma_semaphore, #tpu.memory_space<semaphore_mem>>) src(%arg7 : memref<312xf32, #tpu.memory_space<vmem>>) dst(%dma_wait3A_24 : memref<10240xf32, #tpu.memory_space<vmem_shared>>)
        tpu.yield
      }) : () -> ()
    }
    %scan3A_11 = arith.constant 16 : i32
    %add3A_12 = arith.constant 4992 : i32
    %add3A_13 = arith.addi %mul3A_2, %add3A_12 : i32
    "tpu.region"() ({
      %run_scoped3A = tpu.sem_alloc : memref<!tpu.dma_semaphore, #tpu.memory_space<semaphore_mem>>
      %dma_start3A = tpu.memref_slice %arg2[%add3A_13] : memref<160000xi32, #tpu.memory_space<hbm>> -> memref<8xi32, #tpu.memory_space<hbm>>
      %dma_start3A_19 = tpu.memref_slice %arg2[%add3A_13] : memref<160000xi32, #tpu.memory_space<hbm>> -> memref<8xi32, #tpu.memory_space<hbm>>
      tpu.enqueue_dma source(%dma_start3A_19 : memref<8xi32, #tpu.memory_space<hbm>>) target(%arg8 : memref<8xi32, #tpu.memory_space<vmem>>) target_semaphore(%run_scoped3A : memref<!tpu.dma_semaphore, #tpu.memory_space<semaphore_mem>>)
      %dma_wait3A = tpu.memref_slice %arg2[%add3A_13] : memref<160000xi32, #tpu.memory_space<hbm>> -> memref<8xi32, #tpu.memory_space<hbm>>
      %dma_wait3A_20 = tpu.memref_slice %arg2[%add3A_13] : memref<160000xi32, #tpu.memory_space<hbm>> -> memref<8xi32, #tpu.memory_space<hbm>>
      tpu.wait_dma2 semaphore(%run_scoped3A : memref<!tpu.dma_semaphore, #tpu.memory_space<semaphore_mem>>) src(%dma_wait3A_20 : memref<8xi32, #tpu.memory_space<hbm>>) dst(%arg8 : memref<8xi32, #tpu.memory_space<vmem>>)
      tpu.yield
    }) : () -> ()
    "tpu.region"() ({
      %run_scoped3A = tpu.sem_alloc : memref<!tpu.dma_semaphore, #tpu.memory_space<semaphore_mem>>
      %dma_start3A = arith.constant 0 : i32
      %dma_start3A_19 = tpu.memref_slice %arg10[%dma_start3A] : memref<10240xf32, #tpu.memory_space<vmem_shared>> -> memref<10240xf32, #tpu.memory_space<vmem_shared>>
      tpu.enqueue_indirect_dma source(%arg9 : memref<8xf32, #tpu.memory_space<vmem>>) target(%dma_start3A_19 : memref<10240xf32, #tpu.memory_space<vmem_shared>>) offsets(%arg8 : memref<8xi32, #tpu.memory_space<vmem>>) semaphore(%run_scoped3A : memref<!tpu.dma_semaphore, #tpu.memory_space<semaphore_mem>>) {add = true}
      %dma_wait3A = arith.constant 0 : i32
      %dma_wait3A_20 = tpu.memref_slice %arg10[%dma_wait3A] : memref<10240xf32, #tpu.memory_space<vmem_shared>> -> memref<10240xf32, #tpu.memory_space<vmem_shared>>
      tpu.wait_indirect_dma semaphore(%run_scoped3A : memref<!tpu.dma_semaphore, #tpu.memory_space<semaphore_mem>>) src(%arg9 : memref<8xf32, #tpu.memory_space<vmem>>) dst(%dma_wait3A_20 : memref<10240xf32, #tpu.memory_space<vmem_shared>>)
      tpu.yield
    }) : () -> ()
    %barrier3A_14 = arith.constant 0 : index
    tpu.barrier barrier_id(%barrier3A_14)
    %mul3A_15 = arith.constant 640 : i32
    %mul3A_16 = arith.muli %arg1, %mul3A_15 : i32
    %mul3A_17 = arith.constant 640 : i32
    %mul3A_18 = arith.muli %arg1, %mul3A_17 : i32
    "tpu.region"() ({
      %run_scoped3A = tpu.sem_alloc : memref<!tpu.dma_semaphore, #tpu.memory_space<semaphore_mem>>
      %dma_start3A = tpu.memref_slice %arg5[%arg0, %mul3A_18] : memref<2x10240xf32, #tpu.memory_space<hbm>> -> memref<1x640xf32, #tpu.memory_space<hbm>>
      %dma_start3A_19 = tpu.memref_squeeze %dma_start3A : memref<1x640xf32, #tpu.memory_space<hbm>> -> memref<640xf32, #tpu.memory_space<hbm>>
      %dma_start3A_20 = tpu.memref_slice %arg10[%mul3A_16] : memref<10240xf32, #tpu.memory_space<vmem_shared>> -> memref<640xf32, #tpu.memory_space<vmem_shared>>
      tpu.enqueue_dma source(%dma_start3A_20 : memref<640xf32, #tpu.memory_space<vmem_shared>>) target(%dma_start3A_19 : memref<640xf32, #tpu.memory_space<hbm>>) target_semaphore(%run_scoped3A : memref<!tpu.dma_semaphore, #tpu.memory_space<semaphore_mem>>)
      %dma_wait3A = tpu.memref_slice %arg5[%arg0, %mul3A_18] : memref<2x10240xf32, #tpu.memory_space<hbm>> -> memref<1x640xf32, #tpu.memory_space<hbm>>
      %dma_wait3A_21 = tpu.memref_squeeze %dma_wait3A : memref<1x640xf32, #tpu.memory_space<hbm>> -> memref<640xf32, #tpu.memory_space<hbm>>
      %dma_wait3A_22 = tpu.memref_slice %arg10[%mul3A_16] : memref<10240xf32, #tpu.memory_space<vmem_shared>> -> memref<640xf32, #tpu.memory_space<vmem_shared>>
      tpu.wait_dma2 semaphore(%run_scoped3A : memref<!tpu.dma_semaphore, #tpu.memory_space<semaphore_mem>>) src(%dma_wait3A_22 : memref<640xf32, #tpu.memory_space<vmem_shared>>) dst(%dma_wait3A_21 : memref<640xf32, #tpu.memory_space<hbm>>)
      tpu.yield
    }) : () -> ()
    return
  }
}

#map = affine_map<(d0, d1) -> (0, 0)>
#map1 = affine_map<(d0, d1) -> (0)>
#map2 = affine_map<(d0, d1) -> (0, 0, 0)>
module attributes {stable_mosaic.version = 14 : i64} {
  func.func @_sc_agg_body(%arg0: i32, %arg1: i32, %arg2: memref<10000x128xf32, #tpu.memory_space<hbm>>, %arg3: memref<160000xi32, #tpu.memory_space<hbm>>, %arg4: memref<160000xi32, #tpu.memory_space<hbm>>, %arg5: memref<10240x128xf32, #tpu.memory_space<hbm>>, %arg6: memref<2x10240x128xf32, #tpu.memory_space<hbm>>, %arg7: memref<160xi32, #tpu.memory_space<vmem>>, %arg8: memref<160xi32, #tpu.memory_space<vmem>>, %arg9: memref<160x128xf32, #tpu.memory_space<vmem>>, %arg10: memref<160xi32, #tpu.memory_space<vmem>>, %arg11: memref<160xi32, #tpu.memory_space<vmem>>, %arg12: memref<160x128xf32, #tpu.memory_space<vmem>>, %arg13: memref<40xi32, #tpu.memory_space<vmem>>, %arg14: memref<40xi32, #tpu.memory_space<vmem>>, %arg15: memref<40x128xf32, #tpu.memory_space<vmem>>, %arg16: memref<10240x128xf32, #tpu.memory_space<vmem_shared>>, %arg17: memref<!tpu.dma_semaphore, #tpu.memory_space<semaphore_mem>>, %arg18: memref<!tpu.dma_semaphore, #tpu.memory_space<semaphore_mem>>) attributes {dimension_semantics = [#tpu.dimension_semantics<core_parallel>, #tpu.dimension_semantics<subcore_parallel>], iteration_bounds = array<i64: 2, 16>, scalar_prefetch = 0 : i64, scratch_operands = 12 : i64, tpu.core_type = #tpu.core_type<sc_vector_subcore>, window_params = [{transform_indices = #map}, {transform_indices = #map1}, {transform_indices = #map1}, {transform_indices = #map}, {transform_indices = #map2}]} {
    %mul3A = arith.constant 2 : i32
    %mul3A_0 = arith.muli %arg1, %mul3A : i32
    %add3A = arith.addi %mul3A_0, %arg0 : i32
    %mul3A_1 = arith.constant 5000 : i32
    %mul3A_2 = arith.muli %add3A, %mul3A_1 : i32
    %mul3A_3 = arith.constant 640 : i32
    %mul3A_4 = arith.muli %arg1, %mul3A_3 : i32
    %mul3A_5 = arith.constant 640 : i32
    %mul3A_6 = arith.muli %arg1, %mul3A_5 : i32
    "tpu.region"() ({
      %run_scoped3A = tpu.sem_alloc : memref<!tpu.dma_semaphore, #tpu.memory_space<semaphore_mem>>
      %dma_start3A_29 = arith.constant 0 : i32
      %dma_start3A_30 = tpu.memref_slice %arg16[%mul3A_6, %dma_start3A_29] : memref<10240x128xf32, #tpu.memory_space<vmem_shared>> -> memref<640x128xf32, #tpu.memory_space<vmem_shared>>
      %dma_start3A_31 = arith.constant 0 : i32
      %dma_start3A_32 = tpu.memref_slice %arg5[%mul3A_4, %dma_start3A_31] : memref<10240x128xf32, #tpu.memory_space<hbm>> -> memref<640x128xf32, #tpu.memory_space<hbm>>
      tpu.enqueue_dma source(%dma_start3A_32 : memref<640x128xf32, #tpu.memory_space<hbm>>) target(%dma_start3A_30 : memref<640x128xf32, #tpu.memory_space<vmem_shared>>) target_semaphore(%run_scoped3A : memref<!tpu.dma_semaphore, #tpu.memory_space<semaphore_mem>>)
      %dma_wait3A_33 = arith.constant 0 : i32
      %dma_wait3A_34 = tpu.memref_slice %arg16[%mul3A_6, %dma_wait3A_33] : memref<10240x128xf32, #tpu.memory_space<vmem_shared>> -> memref<640x128xf32, #tpu.memory_space<vmem_shared>>
      %dma_wait3A_35 = arith.constant 0 : i32
      %dma_wait3A_36 = tpu.memref_slice %arg5[%mul3A_4, %dma_wait3A_35] : memref<10240x128xf32, #tpu.memory_space<hbm>> -> memref<640x128xf32, #tpu.memory_space<hbm>>
      tpu.wait_dma2 semaphore(%run_scoped3A : memref<!tpu.dma_semaphore, #tpu.memory_space<semaphore_mem>>) src(%dma_wait3A_36 : memref<640x128xf32, #tpu.memory_space<hbm>>) dst(%dma_wait3A_34 : memref<640x128xf32, #tpu.memory_space<vmem_shared>>)
      tpu.yield
    }) : () -> ()
    %barrier3A = arith.constant 0 : index
    tpu.barrier barrier_id(%barrier3A)
    "tpu.region"() ({
      %run_scoped3A = tpu.sem_alloc : memref<!tpu.dma_semaphore, #tpu.memory_space<semaphore_mem>>
      %dma_start3A_29 = tpu.memref_slice %arg3[%mul3A_2] : memref<160000xi32, #tpu.memory_space<hbm>> -> memref<160xi32, #tpu.memory_space<hbm>>
      %dma_start3A_30 = tpu.memref_slice %arg3[%mul3A_2] : memref<160000xi32, #tpu.memory_space<hbm>> -> memref<160xi32, #tpu.memory_space<hbm>>
      tpu.enqueue_dma source(%dma_start3A_30 : memref<160xi32, #tpu.memory_space<hbm>>) target(%arg7 : memref<160xi32, #tpu.memory_space<vmem>>) target_semaphore(%run_scoped3A : memref<!tpu.dma_semaphore, #tpu.memory_space<semaphore_mem>>)
      %dma_wait3A_31 = tpu.memref_slice %arg3[%mul3A_2] : memref<160000xi32, #tpu.memory_space<hbm>> -> memref<160xi32, #tpu.memory_space<hbm>>
      %dma_wait3A_32 = tpu.memref_slice %arg3[%mul3A_2] : memref<160000xi32, #tpu.memory_space<hbm>> -> memref<160xi32, #tpu.memory_space<hbm>>
      tpu.wait_dma2 semaphore(%run_scoped3A : memref<!tpu.dma_semaphore, #tpu.memory_space<semaphore_mem>>) src(%dma_wait3A_32 : memref<160xi32, #tpu.memory_space<hbm>>) dst(%arg7 : memref<160xi32, #tpu.memory_space<vmem>>)
      tpu.yield
    }) : () -> ()
    "tpu.region"() ({
      %run_scoped3A = tpu.sem_alloc : memref<!tpu.dma_semaphore, #tpu.memory_space<semaphore_mem>>
      %dma_start3A_29 = tpu.memref_slice %arg4[%mul3A_2] : memref<160000xi32, #tpu.memory_space<hbm>> -> memref<160xi32, #tpu.memory_space<hbm>>
      %dma_start3A_30 = tpu.memref_slice %arg4[%mul3A_2] : memref<160000xi32, #tpu.memory_space<hbm>> -> memref<160xi32, #tpu.memory_space<hbm>>
      tpu.enqueue_dma source(%dma_start3A_30 : memref<160xi32, #tpu.memory_space<hbm>>) target(%arg8 : memref<160xi32, #tpu.memory_space<vmem>>) target_semaphore(%run_scoped3A : memref<!tpu.dma_semaphore, #tpu.memory_space<semaphore_mem>>)
      %dma_wait3A_31 = tpu.memref_slice %arg4[%mul3A_2] : memref<160000xi32, #tpu.memory_space<hbm>> -> memref<160xi32, #tpu.memory_space<hbm>>
      %dma_wait3A_32 = tpu.memref_slice %arg4[%mul3A_2] : memref<160000xi32, #tpu.memory_space<hbm>> -> memref<160xi32, #tpu.memory_space<hbm>>
      tpu.wait_dma2 semaphore(%run_scoped3A : memref<!tpu.dma_semaphore, #tpu.memory_space<semaphore_mem>>) src(%dma_wait3A_32 : memref<160xi32, #tpu.memory_space<hbm>>) dst(%arg8 : memref<160xi32, #tpu.memory_space<vmem>>)
      tpu.yield
    }) : () -> ()
    %dma_start3A = arith.constant 0 : i32
    %dma_start3A_7 = arith.constant 0 : i32
    %dma_start3A_8 = tpu.memref_slice %arg2[%dma_start3A, %dma_start3A_7] : memref<10000x128xf32, #tpu.memory_space<hbm>> -> memref<10000x128xf32, #tpu.memory_space<hbm>>
    tpu.enqueue_indirect_dma source(%dma_start3A_8 : memref<10000x128xf32, #tpu.memory_space<hbm>>) target(%arg9 : memref<160x128xf32, #tpu.memory_space<vmem>>) offsets(%arg7 : memref<160xi32, #tpu.memory_space<vmem>>) semaphore(%arg17 : memref<!tpu.dma_semaphore, #tpu.memory_space<semaphore_mem>>)
    %scan3A = arith.constant 0 : i32
    %scan3A_9 = arith.constant 0 : i32
    %scan3A_10 = arith.constant 15 : i32
    %scan3A_11 = arith.addi %scan3A_9, %scan3A_10 : i32
    %scan3A_12 = arith.constant 1 : i32
    scf.for %scan3A_29 = %scan3A_9 to %scan3A_11 step %scan3A_12  : i32 {
      %mul3A_30 = arith.constant 2 : i32
      %mul3A_31 = arith.muli %mul3A_30, %scan3A_29 : i32
      %add3A_32 = arith.constant 1 : i32
      %add3A_33 = arith.addi %mul3A_31, %add3A_32 : i32
      %mul3A_34 = arith.constant 160 : i32
      %mul3A_35 = arith.muli %add3A_33, %mul3A_34 : i32
      %add3A_36 = arith.addi %mul3A_2, %mul3A_35 : i32
      "tpu.region"() ({
        %run_scoped3A = tpu.sem_alloc : memref<!tpu.dma_semaphore, #tpu.memory_space<semaphore_mem>>
        %dma_start3A_56 = tpu.memref_slice %arg3[%add3A_36] : memref<160000xi32, #tpu.memory_space<hbm>> -> memref<160xi32, #tpu.memory_space<hbm>>
        %dma_start3A_57 = tpu.memref_slice %arg3[%add3A_36] : memref<160000xi32, #tpu.memory_space<hbm>> -> memref<160xi32, #tpu.memory_space<hbm>>
        tpu.enqueue_dma source(%dma_start3A_57 : memref<160xi32, #tpu.memory_space<hbm>>) target(%arg10 : memref<160xi32, #tpu.memory_space<vmem>>) target_semaphore(%run_scoped3A : memref<!tpu.dma_semaphore, #tpu.memory_space<semaphore_mem>>)
        %dma_wait3A_58 = tpu.memref_slice %arg3[%add3A_36] : memref<160000xi32, #tpu.memory_space<hbm>> -> memref<160xi32, #tpu.memory_space<hbm>>
        %dma_wait3A_59 = tpu.memref_slice %arg3[%add3A_36] : memref<160000xi32, #tpu.memory_space<hbm>> -> memref<160xi32, #tpu.memory_space<hbm>>
        tpu.wait_dma2 semaphore(%run_scoped3A : memref<!tpu.dma_semaphore, #tpu.memory_space<semaphore_mem>>) src(%dma_wait3A_59 : memref<160xi32, #tpu.memory_space<hbm>>) dst(%arg10 : memref<160xi32, #tpu.memory_space<vmem>>)
        tpu.yield
      }) : () -> ()
      "tpu.region"() ({
        %run_scoped3A = tpu.sem_alloc : memref<!tpu.dma_semaphore, #tpu.memory_space<semaphore_mem>>
        %dma_start3A_56 = tpu.memref_slice %arg4[%add3A_36] : memref<160000xi32, #tpu.memory_space<hbm>> -> memref<160xi32, #tpu.memory_space<hbm>>
        %dma_start3A_57 = tpu.memref_slice %arg4[%add3A_36] : memref<160000xi32, #tpu.memory_space<hbm>> -> memref<160xi32, #tpu.memory_space<hbm>>
        tpu.enqueue_dma source(%dma_start3A_57 : memref<160xi32, #tpu.memory_space<hbm>>) target(%arg11 : memref<160xi32, #tpu.memory_space<vmem>>) target_semaphore(%run_scoped3A : memref<!tpu.dma_semaphore, #tpu.memory_space<semaphore_mem>>)
        %dma_wait3A_58 = tpu.memref_slice %arg4[%add3A_36] : memref<160000xi32, #tpu.memory_space<hbm>> -> memref<160xi32, #tpu.memory_space<hbm>>
        %dma_wait3A_59 = tpu.memref_slice %arg4[%add3A_36] : memref<160000xi32, #tpu.memory_space<hbm>> -> memref<160xi32, #tpu.memory_space<hbm>>
        tpu.wait_dma2 semaphore(%run_scoped3A : memref<!tpu.dma_semaphore, #tpu.memory_space<semaphore_mem>>) src(%dma_wait3A_59 : memref<160xi32, #tpu.memory_space<hbm>>) dst(%arg11 : memref<160xi32, #tpu.memory_space<vmem>>)
        tpu.yield
      }) : () -> ()
      %dma_start3A_37 = arith.constant 0 : i32
      %dma_start3A_38 = arith.constant 0 : i32
      %dma_start3A_39 = tpu.memref_slice %arg2[%dma_start3A_37, %dma_start3A_38] : memref<10000x128xf32, #tpu.memory_space<hbm>> -> memref<10000x128xf32, #tpu.memory_space<hbm>>
      tpu.enqueue_indirect_dma source(%dma_start3A_39 : memref<10000x128xf32, #tpu.memory_space<hbm>>) target(%arg12 : memref<160x128xf32, #tpu.memory_space<vmem>>) offsets(%arg10 : memref<160xi32, #tpu.memory_space<vmem>>) semaphore(%arg18 : memref<!tpu.dma_semaphore, #tpu.memory_space<semaphore_mem>>)
      %dma_wait3A_40 = arith.constant 0 : i32
      %dma_wait3A_41 = arith.constant 0 : i32
      %dma_wait3A_42 = tpu.memref_slice %arg2[%dma_wait3A_40, %dma_wait3A_41] : memref<10000x128xf32, #tpu.memory_space<hbm>> -> memref<10000x128xf32, #tpu.memory_space<hbm>>
      tpu.wait_indirect_dma semaphore(%arg17 : memref<!tpu.dma_semaphore, #tpu.memory_space<semaphore_mem>>) src(%dma_wait3A_42 : memref<10000x128xf32, #tpu.memory_space<hbm>>) dst(%arg9 : memref<160x128xf32, #tpu.memory_space<vmem>>)
      "tpu.region"() ({
        %run_scoped3A = tpu.sem_alloc : memref<!tpu.dma_semaphore, #tpu.memory_space<semaphore_mem>>
        %dma_start3A_56 = arith.constant 0 : i32
        %dma_start3A_57 = arith.constant 0 : i32
        %dma_start3A_58 = tpu.memref_slice %arg16[%dma_start3A_56, %dma_start3A_57] : memref<10240x128xf32, #tpu.memory_space<vmem_shared>> -> memref<10240x128xf32, #tpu.memory_space<vmem_shared>>
        tpu.enqueue_indirect_dma source(%arg9 : memref<160x128xf32, #tpu.memory_space<vmem>>) target(%dma_start3A_58 : memref<10240x128xf32, #tpu.memory_space<vmem_shared>>) offsets(%arg8 : memref<160xi32, #tpu.memory_space<vmem>>) semaphore(%run_scoped3A : memref<!tpu.dma_semaphore, #tpu.memory_space<semaphore_mem>>) {add = true}
        %dma_wait3A_59 = arith.constant 0 : i32
        %dma_wait3A_60 = arith.constant 0 : i32
        %dma_wait3A_61 = tpu.memref_slice %arg16[%dma_wait3A_59, %dma_wait3A_60] : memref<10240x128xf32, #tpu.memory_space<vmem_shared>> -> memref<10240x128xf32, #tpu.memory_space<vmem_shared>>
        tpu.wait_indirect_dma semaphore(%run_scoped3A : memref<!tpu.dma_semaphore, #tpu.memory_space<semaphore_mem>>) src(%arg9 : memref<160x128xf32, #tpu.memory_space<vmem>>) dst(%dma_wait3A_61 : memref<10240x128xf32, #tpu.memory_space<vmem_shared>>)
        tpu.yield
      }) : () -> ()
      %mul3A_43 = arith.constant 2 : i32
      %mul3A_44 = arith.muli %mul3A_43, %scan3A_29 : i32
      %add3A_45 = arith.constant 2 : i32
      %add3A_46 = arith.addi %mul3A_44, %add3A_45 : i32
      %mul3A_47 = arith.constant 160 : i32
      %mul3A_48 = arith.muli %add3A_46, %mul3A_47 : i32
      %add3A_49 = arith.addi %mul3A_2, %mul3A_48 : i32
      "tpu.region"() ({
        %run_scoped3A = tpu.sem_alloc : memref<!tpu.dma_semaphore, #tpu.memory_space<semaphore_mem>>
        %dma_start3A_56 = tpu.memref_slice %arg3[%add3A_49] : memref<160000xi32, #tpu.memory_space<hbm>> -> memref<160xi32, #tpu.memory_space<hbm>>
        %dma_start3A_57 = tpu.memref_slice %arg3[%add3A_49] : memref<160000xi32, #tpu.memory_space<hbm>> -> memref<160xi32, #tpu.memory_space<hbm>>
        tpu.enqueue_dma source(%dma_start3A_57 : memref<160xi32, #tpu.memory_space<hbm>>) target(%arg7 : memref<160xi32, #tpu.memory_space<vmem>>) target_semaphore(%run_scoped3A : memref<!tpu.dma_semaphore, #tpu.memory_space<semaphore_mem>>)
        %dma_wait3A_58 = tpu.memref_slice %arg3[%add3A_49] : memref<160000xi32, #tpu.memory_space<hbm>> -> memref<160xi32, #tpu.memory_space<hbm>>
        %dma_wait3A_59 = tpu.memref_slice %arg3[%add3A_49] : memref<160000xi32, #tpu.memory_space<hbm>> -> memref<160xi32, #tpu.memory_space<hbm>>
        tpu.wait_dma2 semaphore(%run_scoped3A : memref<!tpu.dma_semaphore, #tpu.memory_space<semaphore_mem>>) src(%dma_wait3A_59 : memref<160xi32, #tpu.memory_space<hbm>>) dst(%arg7 : memref<160xi32, #tpu.memory_space<vmem>>)
        tpu.yield
      }) : () -> ()
      "tpu.region"() ({
        %run_scoped3A = tpu.sem_alloc : memref<!tpu.dma_semaphore, #tpu.memory_space<semaphore_mem>>
        %dma_start3A_56 = tpu.memref_slice %arg4[%add3A_49] : memref<160000xi32, #tpu.memory_space<hbm>> -> memref<160xi32, #tpu.memory_space<hbm>>
        %dma_start3A_57 = tpu.memref_slice %arg4[%add3A_49] : memref<160000xi32, #tpu.memory_space<hbm>> -> memref<160xi32, #tpu.memory_space<hbm>>
        tpu.enqueue_dma source(%dma_start3A_57 : memref<160xi32, #tpu.memory_space<hbm>>) target(%arg8 : memref<160xi32, #tpu.memory_space<vmem>>) target_semaphore(%run_scoped3A : memref<!tpu.dma_semaphore, #tpu.memory_space<semaphore_mem>>)
        %dma_wait3A_58 = tpu.memref_slice %arg4[%add3A_49] : memref<160000xi32, #tpu.memory_space<hbm>> -> memref<160xi32, #tpu.memory_space<hbm>>
        %dma_wait3A_59 = tpu.memref_slice %arg4[%add3A_49] : memref<160000xi32, #tpu.memory_space<hbm>> -> memref<160xi32, #tpu.memory_space<hbm>>
        tpu.wait_dma2 semaphore(%run_scoped3A : memref<!tpu.dma_semaphore, #tpu.memory_space<semaphore_mem>>) src(%dma_wait3A_59 : memref<160xi32, #tpu.memory_space<hbm>>) dst(%arg8 : memref<160xi32, #tpu.memory_space<vmem>>)
        tpu.yield
      }) : () -> ()
      %dma_start3A_50 = arith.constant 0 : i32
      %dma_start3A_51 = arith.constant 0 : i32
      %dma_start3A_52 = tpu.memref_slice %arg2[%dma_start3A_50, %dma_start3A_51] : memref<10000x128xf32, #tpu.memory_space<hbm>> -> memref<10000x128xf32, #tpu.memory_space<hbm>>
      tpu.enqueue_indirect_dma source(%dma_start3A_52 : memref<10000x128xf32, #tpu.memory_space<hbm>>) target(%arg9 : memref<160x128xf32, #tpu.memory_space<vmem>>) offsets(%arg7 : memref<160xi32, #tpu.memory_space<vmem>>) semaphore(%arg17 : memref<!tpu.dma_semaphore, #tpu.memory_space<semaphore_mem>>)
      %dma_wait3A_53 = arith.constant 0 : i32
      %dma_wait3A_54 = arith.constant 0 : i32
      %dma_wait3A_55 = tpu.memref_slice %arg2[%dma_wait3A_53, %dma_wait3A_54] : memref<10000x128xf32, #tpu.memory_space<hbm>> -> memref<10000x128xf32, #tpu.memory_space<hbm>>
      tpu.wait_indirect_dma semaphore(%arg18 : memref<!tpu.dma_semaphore, #tpu.memory_space<semaphore_mem>>) src(%dma_wait3A_55 : memref<10000x128xf32, #tpu.memory_space<hbm>>) dst(%arg12 : memref<160x128xf32, #tpu.memory_space<vmem>>)
      "tpu.region"() ({
        %run_scoped3A = tpu.sem_alloc : memref<!tpu.dma_semaphore, #tpu.memory_space<semaphore_mem>>
        %dma_start3A_56 = arith.constant 0 : i32
        %dma_start3A_57 = arith.constant 0 : i32
        %dma_start3A_58 = tpu.memref_slice %arg16[%dma_start3A_56, %dma_start3A_57] : memref<10240x128xf32, #tpu.memory_space<vmem_shared>> -> memref<10240x128xf32, #tpu.memory_space<vmem_shared>>
        tpu.enqueue_indirect_dma source(%arg12 : memref<160x128xf32, #tpu.memory_space<vmem>>) target(%dma_start3A_58 : memref<10240x128xf32, #tpu.memory_space<vmem_shared>>) offsets(%arg11 : memref<160xi32, #tpu.memory_space<vmem>>) semaphore(%run_scoped3A : memref<!tpu.dma_semaphore, #tpu.memory_space<semaphore_mem>>) {add = true}
        %dma_wait3A_59 = arith.constant 0 : i32
        %dma_wait3A_60 = arith.constant 0 : i32
        %dma_wait3A_61 = tpu.memref_slice %arg16[%dma_wait3A_59, %dma_wait3A_60] : memref<10240x128xf32, #tpu.memory_space<vmem_shared>> -> memref<10240x128xf32, #tpu.memory_space<vmem_shared>>
        tpu.wait_indirect_dma semaphore(%run_scoped3A : memref<!tpu.dma_semaphore, #tpu.memory_space<semaphore_mem>>) src(%arg12 : memref<160x128xf32, #tpu.memory_space<vmem>>) dst(%dma_wait3A_61 : memref<10240x128xf32, #tpu.memory_space<vmem_shared>>)
        tpu.yield
      }) : () -> ()
    }
    %scan3A_13 = arith.constant 15 : i32
    %dma_wait3A = arith.constant 0 : i32
    %dma_wait3A_14 = arith.constant 0 : i32
    %dma_wait3A_15 = tpu.memref_slice %arg2[%dma_wait3A, %dma_wait3A_14] : memref<10000x128xf32, #tpu.memory_space<hbm>> -> memref<10000x128xf32, #tpu.memory_space<hbm>>
    tpu.wait_indirect_dma semaphore(%arg17 : memref<!tpu.dma_semaphore, #tpu.memory_space<semaphore_mem>>) src(%dma_wait3A_15 : memref<10000x128xf32, #tpu.memory_space<hbm>>) dst(%arg9 : memref<160x128xf32, #tpu.memory_space<vmem>>)
    "tpu.region"() ({
      %run_scoped3A = tpu.sem_alloc : memref<!tpu.dma_semaphore, #tpu.memory_space<semaphore_mem>>
      %dma_start3A_29 = arith.constant 0 : i32
      %dma_start3A_30 = arith.constant 0 : i32
      %dma_start3A_31 = tpu.memref_slice %arg16[%dma_start3A_29, %dma_start3A_30] : memref<10240x128xf32, #tpu.memory_space<vmem_shared>> -> memref<10240x128xf32, #tpu.memory_space<vmem_shared>>
      tpu.enqueue_indirect_dma source(%arg9 : memref<160x128xf32, #tpu.memory_space<vmem>>) target(%dma_start3A_31 : memref<10240x128xf32, #tpu.memory_space<vmem_shared>>) offsets(%arg8 : memref<160xi32, #tpu.memory_space<vmem>>) semaphore(%run_scoped3A : memref<!tpu.dma_semaphore, #tpu.memory_space<semaphore_mem>>) {add = true}
      %dma_wait3A_32 = arith.constant 0 : i32
      %dma_wait3A_33 = arith.constant 0 : i32
      %dma_wait3A_34 = tpu.memref_slice %arg16[%dma_wait3A_32, %dma_wait3A_33] : memref<10240x128xf32, #tpu.memory_space<vmem_shared>> -> memref<10240x128xf32, #tpu.memory_space<vmem_shared>>
      tpu.wait_indirect_dma semaphore(%run_scoped3A : memref<!tpu.dma_semaphore, #tpu.memory_space<semaphore_mem>>) src(%arg9 : memref<160x128xf32, #tpu.memory_space<vmem>>) dst(%dma_wait3A_34 : memref<10240x128xf32, #tpu.memory_space<vmem_shared>>)
      tpu.yield
    }) : () -> ()
    %add3A_16 = arith.constant 4960 : i32
    %add3A_17 = arith.addi %mul3A_2, %add3A_16 : i32
    "tpu.region"() ({
      %run_scoped3A = tpu.sem_alloc : memref<!tpu.dma_semaphore, #tpu.memory_space<semaphore_mem>>
      %dma_start3A_29 = tpu.memref_slice %arg3[%add3A_17] : memref<160000xi32, #tpu.memory_space<hbm>> -> memref<40xi32, #tpu.memory_space<hbm>>
      %dma_start3A_30 = tpu.memref_slice %arg3[%add3A_17] : memref<160000xi32, #tpu.memory_space<hbm>> -> memref<40xi32, #tpu.memory_space<hbm>>
      tpu.enqueue_dma source(%dma_start3A_30 : memref<40xi32, #tpu.memory_space<hbm>>) target(%arg13 : memref<40xi32, #tpu.memory_space<vmem>>) target_semaphore(%run_scoped3A : memref<!tpu.dma_semaphore, #tpu.memory_space<semaphore_mem>>)
      %dma_wait3A_31 = tpu.memref_slice %arg3[%add3A_17] : memref<160000xi32, #tpu.memory_space<hbm>> -> memref<40xi32, #tpu.memory_space<hbm>>
      %dma_wait3A_32 = tpu.memref_slice %arg3[%add3A_17] : memref<160000xi32, #tpu.memory_space<hbm>> -> memref<40xi32, #tpu.memory_space<hbm>>
      tpu.wait_dma2 semaphore(%run_scoped3A : memref<!tpu.dma_semaphore, #tpu.memory_space<semaphore_mem>>) src(%dma_wait3A_32 : memref<40xi32, #tpu.memory_space<hbm>>) dst(%arg13 : memref<40xi32, #tpu.memory_space<vmem>>)
      tpu.yield
    }) : () -> ()
    "tpu.region"() ({
      %run_scoped3A = tpu.sem_alloc : memref<!tpu.dma_semaphore, #tpu.memory_space<semaphore_mem>>
      %dma_start3A_29 = tpu.memref_slice %arg4[%add3A_17] : memref<160000xi32, #tpu.memory_space<hbm>> -> memref<40xi32, #tpu.memory_space<hbm>>
      %dma_start3A_30 = tpu.memref_slice %arg4[%add3A_17] : memref<160000xi32, #tpu.memory_space<hbm>> -> memref<40xi32, #tpu.memory_space<hbm>>
      tpu.enqueue_dma source(%dma_start3A_30 : memref<40xi32, #tpu.memory_space<hbm>>) target(%arg14 : memref<40xi32, #tpu.memory_space<vmem>>) target_semaphore(%run_scoped3A : memref<!tpu.dma_semaphore, #tpu.memory_space<semaphore_mem>>)
      %dma_wait3A_31 = tpu.memref_slice %arg4[%add3A_17] : memref<160000xi32, #tpu.memory_space<hbm>> -> memref<40xi32, #tpu.memory_space<hbm>>
      %dma_wait3A_32 = tpu.memref_slice %arg4[%add3A_17] : memref<160000xi32, #tpu.memory_space<hbm>> -> memref<40xi32, #tpu.memory_space<hbm>>
      tpu.wait_dma2 semaphore(%run_scoped3A : memref<!tpu.dma_semaphore, #tpu.memory_space<semaphore_mem>>) src(%dma_wait3A_32 : memref<40xi32, #tpu.memory_space<hbm>>) dst(%arg14 : memref<40xi32, #tpu.memory_space<vmem>>)
      tpu.yield
    }) : () -> ()
    %dma_start3A_18 = arith.constant 0 : i32
    %dma_start3A_19 = arith.constant 0 : i32
    %dma_start3A_20 = tpu.memref_slice %arg2[%dma_start3A_18, %dma_start3A_19] : memref<10000x128xf32, #tpu.memory_space<hbm>> -> memref<10000x128xf32, #tpu.memory_space<hbm>>
    tpu.enqueue_indirect_dma source(%dma_start3A_20 : memref<10000x128xf32, #tpu.memory_space<hbm>>) target(%arg15 : memref<40x128xf32, #tpu.memory_space<vmem>>) offsets(%arg13 : memref<40xi32, #tpu.memory_space<vmem>>) semaphore(%arg17 : memref<!tpu.dma_semaphore, #tpu.memory_space<semaphore_mem>>)
    %dma_wait3A_21 = arith.constant 0 : i32
    %dma_wait3A_22 = arith.constant 0 : i32
    %dma_wait3A_23 = tpu.memref_slice %arg2[%dma_wait3A_21, %dma_wait3A_22] : memref<10000x128xf32, #tpu.memory_space<hbm>> -> memref<10000x128xf32, #tpu.memory_space<hbm>>
    tpu.wait_indirect_dma semaphore(%arg17 : memref<!tpu.dma_semaphore, #tpu.memory_space<semaphore_mem>>) src(%dma_wait3A_23 : memref<10000x128xf32, #tpu.memory_space<hbm>>) dst(%arg15 : memref<40x128xf32, #tpu.memory_space<vmem>>)
    "tpu.region"() ({
      %run_scoped3A = tpu.sem_alloc : memref<!tpu.dma_semaphore, #tpu.memory_space<semaphore_mem>>
      %dma_start3A_29 = arith.constant 0 : i32
      %dma_start3A_30 = arith.constant 0 : i32
      %dma_start3A_31 = tpu.memref_slice %arg16[%dma_start3A_29, %dma_start3A_30] : memref<10240x128xf32, #tpu.memory_space<vmem_shared>> -> memref<10240x128xf32, #tpu.memory_space<vmem_shared>>
      tpu.enqueue_indirect_dma source(%arg15 : memref<40x128xf32, #tpu.memory_space<vmem>>) target(%dma_start3A_31 : memref<10240x128xf32, #tpu.memory_space<vmem_shared>>) offsets(%arg14 : memref<40xi32, #tpu.memory_space<vmem>>) semaphore(%run_scoped3A : memref<!tpu.dma_semaphore, #tpu.memory_space<semaphore_mem>>) {add = true}
      %dma_wait3A_32 = arith.constant 0 : i32
      %dma_wait3A_33 = arith.constant 0 : i32
      %dma_wait3A_34 = tpu.memref_slice %arg16[%dma_wait3A_32, %dma_wait3A_33] : memref<10240x128xf32, #tpu.memory_space<vmem_shared>> -> memref<10240x128xf32, #tpu.memory_space<vmem_shared>>
      tpu.wait_indirect_dma semaphore(%run_scoped3A : memref<!tpu.dma_semaphore, #tpu.memory_space<semaphore_mem>>) src(%arg15 : memref<40x128xf32, #tpu.memory_space<vmem>>) dst(%dma_wait3A_34 : memref<10240x128xf32, #tpu.memory_space<vmem_shared>>)
      tpu.yield
    }) : () -> ()
    %barrier3A_24 = arith.constant 0 : index
    tpu.barrier barrier_id(%barrier3A_24)
    %mul3A_25 = arith.constant 640 : i32
    %mul3A_26 = arith.muli %arg1, %mul3A_25 : i32
    %mul3A_27 = arith.constant 640 : i32
    %mul3A_28 = arith.muli %arg1, %mul3A_27 : i32
    "tpu.region"() ({
      %run_scoped3A = tpu.sem_alloc : memref<!tpu.dma_semaphore, #tpu.memory_space<semaphore_mem>>
      %dma_start3A_29 = arith.constant 0 : i32
      %dma_start3A_30 = tpu.memref_slice %arg6[%arg0, %mul3A_28, %dma_start3A_29] : memref<2x10240x128xf32, #tpu.memory_space<hbm>> -> memref<1x640x128xf32, #tpu.memory_space<hbm>>
      %dma_start3A_31 = tpu.memref_squeeze %dma_start3A_30 : memref<1x640x128xf32, #tpu.memory_space<hbm>> -> memref<640x128xf32, #tpu.memory_space<hbm>>
      %dma_start3A_32 = arith.constant 0 : i32
      %dma_start3A_33 = tpu.memref_slice %arg16[%mul3A_26, %dma_start3A_32] : memref<10240x128xf32, #tpu.memory_space<vmem_shared>> -> memref<640x128xf32, #tpu.memory_space<vmem_shared>>
      tpu.enqueue_dma source(%dma_start3A_33 : memref<640x128xf32, #tpu.memory_space<vmem_shared>>) target(%dma_start3A_31 : memref<640x128xf32, #tpu.memory_space<hbm>>) target_semaphore(%run_scoped3A : memref<!tpu.dma_semaphore, #tpu.memory_space<semaphore_mem>>)
      %dma_wait3A_34 = arith.constant 0 : i32
      %dma_wait3A_35 = tpu.memref_slice %arg6[%arg0, %mul3A_28, %dma_wait3A_34] : memref<2x10240x128xf32, #tpu.memory_space<hbm>> -> memref<1x640x128xf32, #tpu.memory_space<hbm>>
      %dma_wait3A_36 = tpu.memref_squeeze %dma_wait3A_35 : memref<1x640x128xf32, #tpu.memory_space<hbm>> -> memref<640x128xf32, #tpu.memory_space<hbm>>
      %dma_wait3A_37 = arith.constant 0 : i32
      %dma_wait3A_38 = tpu.memref_slice %arg16[%mul3A_26, %dma_wait3A_37] : memref<10240x128xf32, #tpu.memory_space<vmem_shared>> -> memref<640x128xf32, #tpu.memory_space<vmem_shared>>
      tpu.wait_dma2 semaphore(%run_scoped3A : memref<!tpu.dma_semaphore, #tpu.memory_space<semaphore_mem>>) src(%dma_wait3A_38 : memref<640x128xf32, #tpu.memory_space<vmem_shared>>) dst(%dma_wait3A_36 : memref<640x128xf32, #tpu.memory_space<hbm>>)
      tpu.yield
    }) : () -> ()
    return
  }
}

module attributes {stable_mosaic.version = 14 : i64} {
  func.func @_mega_body(%arg0: i32, %arg1: memref<1x99x1xi32, #tpu.memory_space<vmem>>, %arg2: memref<1x1x99xi32, #tpu.memory_space<vmem>>, %arg3: memref<1x99x1xi32, #tpu.memory_space<vmem>>, %arg4: memref<1x99x128xf32, #tpu.memory_space<vmem>>, %arg5: memref<1x99x128xf32, #tpu.memory_space<vmem>>, %arg6: memref<1x1x128xf32, #tpu.memory_space<vmem>>, %arg7: memref<1x1x128xf32, #tpu.memory_space<vmem>>, %arg8: memref<99x8xf32, #tpu.memory_space<vmem>>, %arg9: memref<128x256xf32, #tpu.memory_space<vmem>>, %arg10: memref<256x128xf32, #tpu.memory_space<vmem>>, %arg11: memref<2x4x136x136xf32, #tpu.memory_space<vmem>>, %arg12: memref<2x136x544xf32, #tpu.memory_space<vmem>>, %arg13: memref<2x544xf32, #tpu.memory_space<vmem>>, %arg14: memref<2x544x136xf32, #tpu.memory_space<vmem>>, %arg15: memref<2x136xf32, #tpu.memory_space<vmem>>, %arg16: memref<2x2x2x136xf32, #tpu.memory_space<vmem>>, %arg17: memref<128x128xf32, #tpu.memory_space<vmem>>, %arg18: memref<128xf32, #tpu.memory_space<vmem>>, %arg19: memref<128x1xf32, #tpu.memory_space<vmem>>, %arg20: memref<1x1xf32, #tpu.memory_space<vmem>>, %arg21: memref<136x136xf32, #tpu.memory_space<vmem>>, %arg22: memref<136xf32, #tpu.memory_space<vmem>>, %arg23: memref<136x1xf32, #tpu.memory_space<vmem>>, %arg24: memref<1x1xf32, #tpu.memory_space<vmem>>, %arg25: memref<136x10000xf32, #tpu.memory_space<vmem>>, %arg26: memref<1x10000xf32, #tpu.memory_space<vmem>>, %arg27: memref<1x99x10000xf32, #tpu.memory_space<vmem>>) attributes {dimension_semantics = [#tpu.dimension_semantics<arbitrary>], iteration_bounds = array<i64: 16>, scalar_prefetch = 0 : i64, scratch_operands = 0 : i64, tpu.core_type = #tpu.core_type<tc>, window_params = [{transform_indices = @transform_0, window_bounds = array<i64: 1, 99, 1>}, {transform_indices = @transform_1, window_bounds = array<i64: 1, 1, 99>}, {transform_indices = @transform_2, window_bounds = array<i64: 1, 99, 1>}, {transform_indices = @transform_3, window_bounds = array<i64: 1, 99, 128>}, {transform_indices = @transform_4, window_bounds = array<i64: 1, 99, 128>}, {transform_indices = @transform_5, window_bounds = array<i64: 1, 1, 128>}, {transform_indices = @transform_6, window_bounds = array<i64: 1, 1, 128>}, {pipeline_mode = #tpu.pipeline_mode<synchronous>, transform_indices = @transform_7, window_bounds = array<i64: 99, 8>}, {pipeline_mode = #tpu.pipeline_mode<synchronous>, transform_indices = @transform_8, window_bounds = array<i64: 128, 256>}, {pipeline_mode = #tpu.pipeline_mode<synchronous>, transform_indices = @transform_9, window_bounds = array<i64: 256, 128>}, {pipeline_mode = #tpu.pipeline_mode<synchronous>, transform_indices = @transform_10, window_bounds = array<i64: 2, 4, 136, 136>}, {pipeline_mode = #tpu.pipeline_mode<synchronous>, transform_indices = @transform_11, window_bounds = array<i64: 2, 136, 544>}, {pipeline_mode = #tpu.pipeline_mode<synchronous>, transform_indices = @transform_12, window_bounds = array<i64: 2, 544>}, {pipeline_mode = #tpu.pipeline_mode<synchronous>, transform_indices = @transform_13, window_bounds = array<i64: 2, 544, 136>}, {pipeline_mode = #tpu.pipeline_mode<synchronous>, transform_indices = @transform_14, window_bounds = array<i64: 2, 136>}, {pipeline_mode = #tpu.pipeline_mode<synchronous>, transform_indices = @transform_15, window_bounds = array<i64: 2, 2, 2, 136>}, {pipeline_mode = #tpu.pipeline_mode<synchronous>, transform_indices = @transform_16, window_bounds = array<i64: 128, 128>}, {pipeline_mode = #tpu.pipeline_mode<synchronous>, transform_indices = @transform_17, window_bounds = array<i64: 128>}, {pipeline_mode = #tpu.pipeline_mode<synchronous>, transform_indices = @transform_18, window_bounds = array<i64: 128, 1>}, {pipeline_mode = #tpu.pipeline_mode<synchronous>, transform_indices = @transform_19, window_bounds = array<i64: 1, 1>}, {pipeline_mode = #tpu.pipeline_mode<synchronous>, transform_indices = @transform_20, window_bounds = array<i64: 136, 136>}, {pipeline_mode = #tpu.pipeline_mode<synchronous>, transform_indices = @transform_21, window_bounds = array<i64: 136>}, {pipeline_mode = #tpu.pipeline_mode<synchronous>, transform_indices = @transform_22, window_bounds = array<i64: 136, 1>}, {pipeline_mode = #tpu.pipeline_mode<synchronous>, transform_indices = @transform_23, window_bounds = array<i64: 1, 1>}, {pipeline_mode = #tpu.pipeline_mode<synchronous>, transform_indices = @transform_24, window_bounds = array<i64: 136, 10000>}, {pipeline_mode = #tpu.pipeline_mode<synchronous>, transform_indices = @transform_25, window_bounds = array<i64: 1, 10000>}, {transform_indices = @transform_26, window_bounds = array<i64: 1, 99, 10000>}]} {
    %get3A = arith.constant 0 : index
    %get3A_0 = arith.constant 0 : index
    %get3A_1 = vector.load %arg9[%get3A, %get3A_0] : memref<128x256xf32, #tpu.memory_space<vmem>>, vector<128x256xf32>
    %get3A_2 = arith.constant 0 : index
    %get3A_3 = arith.constant 0 : index
    %get3A_4 = vector.load %arg10[%get3A_2, %get3A_3] : memref<256x128xf32, #tpu.memory_space<vmem>>, vector<256x128xf32>
    %dot_general3A = arith.constant dense<0.000000e+00> : vector<128x128xf32>
    %dot_general3A_5 = tpu.matmul %get3A_1, %get3A_4, %dot_general3A {dimension_numbers = #tpu.dot_dimension_numbers<[1], [0], [0], [1], [0, 0, 1, 1], [], []>, transpose_lhs_hint = false} : vector<128x256xf32>, vector<256x128xf32>, vector<128x128xf32> -> vector<128x128xf32>
    %get3A_6 = arith.constant 0 : index
    %get3A_7 = arith.constant 0 : index
    %get3A_8 = arith.constant 0 : index
    %get3A_9 = vector.load %arg4[%get3A_6, %get3A_7, %get3A_8] : memref<1x99x128xf32, #tpu.memory_space<vmem>>, vector<1x99x128xf32>
    %get3A_10 = vector.shape_cast %get3A_9 : vector<1x99x128xf32> to vector<99x128xf32>
    %dot_general3A_11 = arith.constant dense<0.000000e+00> : vector<99x128xf32>
    %dot_general3A_12 = tpu.matmul %get3A_10, %dot_general3A_5, %dot_general3A_11 {dimension_numbers = #tpu.dot_dimension_numbers<[1], [0], [0], [1], [0, 0, 1, 1], [], []>, transpose_lhs_hint = false} : vector<99x128xf32>, vector<128x128xf32>, vector<99x128xf32> -> vector<99x128xf32>
    %get3A_13 = arith.constant 0 : index
    %get3A_14 = arith.constant 0 : index
    %get3A_15 = arith.constant 0 : index
    %get3A_16 = vector.load %arg1[%get3A_13, %get3A_14, %get3A_15] : memref<1x99x1xi32, #tpu.memory_space<vmem>>, vector<1x99x1xi32>
    %get3A_17 = vector.shape_cast %get3A_16 : vector<1x99x1xi32> to vector<99x1xi32>
    %get3A_18 = arith.constant 0 : index
    %get3A_19 = arith.constant 0 : index
    %get3A_20 = arith.constant 0 : index
    %get3A_21 = vector.load %arg3[%get3A_18, %get3A_19, %get3A_20] : memref<1x99x1xi32, #tpu.memory_space<vmem>>, vector<1x99x1xi32>
    %get3A_22 = vector.shape_cast %get3A_21 : vector<1x99x1xi32> to vector<99x1xi32>
    %ne3A = arith.constant 0 : i32
    %ne3A_23 = vector.broadcast %ne3A : i32 to vector<99x1xi32>
    %ne3A_24 = arith.cmpi ne, %get3A_17, %ne3A_23 : vector<99x1xi32>
    %eq3A = arith.constant 0 : i32
    %eq3A_25 = vector.broadcast %eq3A : i32 to vector<99x1xi32>
    %eq3A_26 = arith.cmpi eq, %get3A_22, %eq3A_25 : vector<99x1xi32>
    %and3A = arith.andi %ne3A_24, %eq3A_26 : vector<99x1xi1>
    %get3A_27 = arith.constant 0 : index
    %get3A_28 = arith.constant 0 : index
    %get3A_29 = arith.constant 0 : index
    %get3A_30 = vector.load %arg5[%get3A_27, %get3A_28, %get3A_29] : memref<1x99x128xf32, #tpu.memory_space<vmem>>, vector<1x99x128xf32>
    %get3A_31 = vector.shape_cast %get3A_30 : vector<1x99x128xf32> to vector<99x128xf32>
    %jit3A = arith.constant 0.000000e+00 : f32
    %broadcast_in_dim3A = vector.shape_cast %ne3A_24 : vector<99x1xi1> to vector<99x1xi1>
    %broadcast_in_dim3A_32 = vector.broadcast %broadcast_in_dim3A : vector<99x1xi1> to vector<99x128xi1>
    %broadcast_in_dim3A_33 = vector.broadcast %jit3A : f32 to vector<99x128xf32>
    %select_n3A = arith.select %broadcast_in_dim3A_32, %get3A_31, %broadcast_in_dim3A_33 : vector<99x128xi1>, vector<99x128xf32>
    %broadcast_in_dim3A_34 = vector.shape_cast %and3A : vector<99x1xi1> to vector<99x1xi1>
    %broadcast_in_dim3A_35 = vector.broadcast %broadcast_in_dim3A_34 : vector<99x1xi1> to vector<99x128xi1>
    %select_n3A_36 = arith.select %broadcast_in_dim3A_35, %dot_general3A_12, %select_n3A : vector<99x128xi1>, vector<99x128xf32>
    %eq3A_37 = arith.constant 1 : i32
    %eq3A_38 = vector.broadcast %eq3A_37 : i32 to vector<99x1xi32>
    %eq3A_39 = arith.cmpi eq, %get3A_22, %eq3A_38 : vector<99x1xi32>
    %get3A_40 = arith.constant 0 : index
    %get3A_41 = arith.constant 0 : index
    %get3A_42 = arith.constant 0 : index
    %get3A_43 = vector.load %arg6[%get3A_40, %get3A_41, %get3A_42] : memref<1x1x128xf32, #tpu.memory_space<vmem>>, vector<1x1x128xf32>
    %get3A_44 = vector.shape_cast %get3A_43 : vector<1x1x128xf32> to vector<1x128xf32>
    %get3A_45 = arith.constant 0 : index
    %get3A_46 = arith.constant 0 : index
    %get3A_47 = arith.constant 0 : index
    %get3A_48 = vector.load %arg7[%get3A_45, %get3A_46, %get3A_47] : memref<1x1x128xf32, #tpu.memory_space<vmem>>, vector<1x1x128xf32>
    %get3A_49 = vector.shape_cast %get3A_48 : vector<1x1x128xf32> to vector<1x128xf32>
    %broadcast_in_dim3A_50 = vector.shape_cast %eq3A_39 : vector<99x1xi1> to vector<99x1xi1>
    %broadcast_in_dim3A_51 = vector.broadcast %broadcast_in_dim3A_50 : vector<99x1xi1> to vector<99x128xi1>
    %broadcast_in_dim3A_52 = vector.shape_cast %get3A_44 : vector<1x128xf32> to vector<1x128xf32>
    %broadcast_in_dim3A_53 = vector.broadcast %broadcast_in_dim3A_52 : vector<1x128xf32> to vector<99x128xf32>
    %broadcast_in_dim3A_54 = vector.shape_cast %get3A_49 : vector<1x128xf32> to vector<1x128xf32>
    %broadcast_in_dim3A_55 = vector.broadcast %broadcast_in_dim3A_54 : vector<1x128xf32> to vector<99x128xf32>
    %select_n3A_56 = arith.select %broadcast_in_dim3A_51, %broadcast_in_dim3A_53, %broadcast_in_dim3A_55 : vector<99x128xi1>, vector<99x128xf32>
    %jit3A_57 = arith.constant 0.000000e+00 : f32
    %broadcast_in_dim3A_58 = vector.shape_cast %ne3A_24 : vector<99x1xi1> to vector<99x1xi1>
    %broadcast_in_dim3A_59 = vector.broadcast %broadcast_in_dim3A_58 : vector<99x1xi1> to vector<99x128xi1>
    %broadcast_in_dim3A_60 = vector.broadcast %jit3A_57 : f32 to vector<99x128xf32>
    %select_n3A_61 = arith.select %broadcast_in_dim3A_59, %select_n3A_56, %broadcast_in_dim3A_60 : vector<99x128xi1>, vector<99x128xf32>
    %broadcast_in_dim3A_62 = vector.shape_cast %and3A : vector<99x1xi1> to vector<99x1xi1>
    %broadcast_in_dim3A_63 = vector.broadcast %broadcast_in_dim3A_62 : vector<99x1xi1> to vector<99x128xi1>
    %select_n3A_64 = arith.select %broadcast_in_dim3A_63, %dot_general3A_12, %select_n3A_61 : vector<99x128xi1>, vector<99x128xf32>
    %get3A_65 = arith.constant 0 : index
    %get3A_66 = arith.constant 0 : index
    %get3A_67 = vector.load %arg17[%get3A_65, %get3A_66] : memref<128x128xf32, #tpu.memory_space<vmem>>, vector<128x128xf32>
    %get3A_68 = arith.constant 0 : index
    %get3A_69 = vector.load %arg18[%get3A_68] : memref<128xf32, #tpu.memory_space<vmem>>, vector<128xf32>
    %get3A_70 = arith.constant 0 : index
    %get3A_71 = arith.constant 0 : index
    %get3A_72 = vector.load %arg19[%get3A_70, %get3A_71] : memref<128x1xf32, #tpu.memory_space<vmem>>, vector<128x1xf32>
    %get3A_73 = arith.constant 0 : index
    %get3A_74 = arith.constant 0 : index
    %get3A_75 = vector.load %arg20[%get3A_73, %get3A_74] : memref<1x1xf32, #tpu.memory_space<vmem>>, vector<1x1xf32>
    %dot_general3A_76 = arith.constant dense<0.000000e+00> : vector<99x128xf32>
    %dot_general3A_77 = tpu.matmul %select_n3A_36, %get3A_67, %dot_general3A_76 {dimension_numbers = #tpu.dot_dimension_numbers<[1], [0], [0], [1], [0, 0, 1, 1], [], []>, transpose_lhs_hint = false} : vector<99x128xf32>, vector<128x128xf32>, vector<99x128xf32> -> vector<99x128xf32>
    %broadcast_in_dim3A_78 = vector.shape_cast %get3A_69 : vector<128xf32> to vector<1x128xf32>
    %add3A = vector.broadcast %broadcast_in_dim3A_78 : vector<1x128xf32> to vector<99x128xf32>
    %add3A_79 = arith.addf %dot_general3A_77, %add3A : vector<99x128xf32>
    %tanh3A = math.tanh %add3A_79 : vector<99x128xf32>
    %dot_general3A_80 = arith.constant dense<0.000000e+00> : vector<99x1xf32>
    %dot_general3A_81 = tpu.matmul %tanh3A, %get3A_72, %dot_general3A_80 {dimension_numbers = #tpu.dot_dimension_numbers<[1], [0], [0], [1], [0, 0, 1, 1], [], []>, transpose_lhs_hint = false} : vector<99x128xf32>, vector<128x1xf32>, vector<99x1xf32> -> vector<99x1xf32>
    %add3A_82 = vector.broadcast %get3A_75 : vector<1x1xf32> to vector<99x1xf32>
    %add3A_83 = arith.addf %dot_general3A_81, %add3A_82 : vector<99x1xf32>
    %dot_general3A_84 = arith.constant dense<0.000000e+00> : vector<99x128xf32>
    %dot_general3A_85 = tpu.matmul %select_n3A_64, %get3A_67, %dot_general3A_84 {dimension_numbers = #tpu.dot_dimension_numbers<[1], [0], [0], [1], [0, 0, 1, 1], [], []>, transpose_lhs_hint = false} : vector<99x128xf32>, vector<128x128xf32>, vector<99x128xf32> -> vector<99x128xf32>
    %broadcast_in_dim3A_86 = vector.shape_cast %get3A_69 : vector<128xf32> to vector<1x128xf32>
    %add3A_87 = vector.broadcast %broadcast_in_dim3A_86 : vector<1x128xf32> to vector<99x128xf32>
    %add3A_88 = arith.addf %dot_general3A_85, %add3A_87 : vector<99x128xf32>
    %tanh3A_89 = math.tanh %add3A_88 : vector<99x128xf32>
    %dot_general3A_90 = arith.constant dense<0.000000e+00> : vector<99x1xf32>
    %dot_general3A_91 = tpu.matmul %tanh3A_89, %get3A_72, %dot_general3A_90 {dimension_numbers = #tpu.dot_dimension_numbers<[1], [0], [0], [1], [0, 0, 1, 1], [], []>, transpose_lhs_hint = false} : vector<99x128xf32>, vector<128x1xf32>, vector<99x1xf32> -> vector<99x1xf32>
    %add3A_92 = vector.broadcast %get3A_75 : vector<1x1xf32> to vector<99x1xf32>
    %add3A_93 = arith.addf %dot_general3A_91, %add3A_92 : vector<99x1xf32>
    %max3A = arith.maximumf %add3A_83, %add3A_93 : vector<99x1xf32>
    %sub3A = arith.subf %add3A_83, %max3A : vector<99x1xf32>
    %exp3A = math.exp %sub3A : vector<99x1xf32>
    %sub3A_94 = arith.subf %add3A_93, %max3A : vector<99x1xf32>
    %exp3A_95 = math.exp %sub3A_94 : vector<99x1xf32>
    %add3A_96 = arith.addf %exp3A, %exp3A_95 : vector<99x1xf32>
    %div3A = arith.divf %exp3A, %add3A_96 : vector<99x1xf32>
    %mul3A = vector.broadcast %div3A : vector<99x1xf32> to vector<99x128xf32>
    %mul3A_97 = arith.mulf %mul3A, %select_n3A_36 : vector<99x128xf32>
    %div3A_98 = arith.divf %exp3A_95, %add3A_96 : vector<99x1xf32>
    %mul3A_99 = vector.broadcast %div3A_98 : vector<99x1xf32> to vector<99x128xf32>
    %mul3A_100 = arith.mulf %mul3A_99, %select_n3A_64 : vector<99x128xf32>
    %add3A_101 = arith.addf %mul3A_97, %mul3A_100 : vector<99x128xf32>
    %get3A_102 = arith.constant 0 : index
    %get3A_103 = arith.constant 0 : index
    %get3A_104 = vector.load %arg8[%get3A_102, %get3A_103] : memref<99x8xf32, #tpu.memory_space<vmem>>, vector<99x8xf32>
    %concatenate3A = tpu.concatenate %add3A_101, %get3A_104 in 1 : vector<99x128xf32>, vector<99x8xf32> -> vector<99x136xf32>
    %concatenate3A_105 = tpu.concatenate %dot_general3A_12, %get3A_104 in 1 : vector<99x128xf32>, vector<99x8xf32> -> vector<99x136xf32>
    %get3A_106 = arith.constant 0 : index
    %get3A_107 = arith.constant 0 : index
    %get3A_108 = arith.constant 0 : index
    %get3A_109 = vector.load %arg2[%get3A_106, %get3A_107, %get3A_108] : memref<1x1x99xi32, #tpu.memory_space<vmem>>, vector<1x1x99xi32>
    %get3A_110 = vector.shape_cast %get3A_109 : vector<1x1x99xi32> to vector<1x99xi32>
    %eq3A_111 = arith.constant 0 : i32
    %eq3A_112 = vector.broadcast %eq3A_111 : i32 to vector<1x99xi32>
    %eq3A_113 = arith.cmpi eq, %get3A_110, %eq3A_112 : vector<1x99xi32>
    %iota3A = tpu.iota {dimensions = array<i32: 1>} : vector<1x136xi32>
    %get3A_114 = arith.constant 0 : index
    %get3A_115 = arith.constant 0 : index
    %get3A_116 = arith.constant 0 : index
    %get3A_117 = arith.constant 0 : index
    %get3A_118 = vector.load %arg11[%get3A_114, %get3A_115, %get3A_116, %get3A_117] : memref<2x4x136x136xf32, #tpu.memory_space<vmem>>, vector<1x1x136x136xf32>
    %get3A_119 = vector.shape_cast %get3A_118 : vector<1x1x136x136xf32> to vector<136x136xf32>
    %get3A_120 = arith.constant 0 : index
    %get3A_121 = arith.constant 1 : index
    %get3A_122 = arith.constant 0 : index
    %get3A_123 = arith.constant 0 : index
    %get3A_124 = vector.load %arg11[%get3A_120, %get3A_121, %get3A_122, %get3A_123] : memref<2x4x136x136xf32, #tpu.memory_space<vmem>>, vector<1x1x136x136xf32>
    %get3A_125 = vector.shape_cast %get3A_124 : vector<1x1x136x136xf32> to vector<136x136xf32>
    %get3A_126 = arith.constant 0 : index
    %get3A_127 = arith.constant 2 : index
    %get3A_128 = arith.constant 0 : index
    %get3A_129 = arith.constant 0 : index
    %get3A_130 = vector.load %arg11[%get3A_126, %get3A_127, %get3A_128, %get3A_129] : memref<2x4x136x136xf32, #tpu.memory_space<vmem>>, vector<1x1x136x136xf32>
    %get3A_131 = vector.shape_cast %get3A_130 : vector<1x1x136x136xf32> to vector<136x136xf32>
    %get3A_132 = arith.constant 0 : index
    %get3A_133 = arith.constant 3 : index
    %get3A_134 = arith.constant 0 : index
    %get3A_135 = arith.constant 0 : index
    %get3A_136 = vector.load %arg11[%get3A_132, %get3A_133, %get3A_134, %get3A_135] : memref<2x4x136x136xf32, #tpu.memory_space<vmem>>, vector<1x1x136x136xf32>
    %get3A_137 = vector.shape_cast %get3A_136 : vector<1x1x136x136xf32> to vector<136x136xf32>
    %dot_general3A_138 = arith.constant dense<0.000000e+00> : vector<99x136xf32>
    %dot_general3A_139 = tpu.matmul %concatenate3A, %get3A_119, %dot_general3A_138 {dimension_numbers = #tpu.dot_dimension_numbers<[1], [0], [0], [1], [0, 0, 1, 1], [], []>, transpose_lhs_hint = false} : vector<99x136xf32>, vector<136x136xf32>, vector<99x136xf32> -> vector<99x136xf32>
    %dot_general3A_140 = arith.constant dense<0.000000e+00> : vector<99x136xf32>
    %dot_general3A_141 = tpu.matmul %concatenate3A, %get3A_125, %dot_general3A_140 {dimension_numbers = #tpu.dot_dimension_numbers<[1], [0], [0], [1], [0, 0, 1, 1], [], []>, transpose_lhs_hint = false} : vector<99x136xf32>, vector<136x136xf32>, vector<99x136xf32> -> vector<99x136xf32>
    %dot_general3A_142 = arith.constant dense<0.000000e+00> : vector<99x136xf32>
    %dot_general3A_143 = tpu.matmul %concatenate3A, %get3A_131, %dot_general3A_142 {dimension_numbers = #tpu.dot_dimension_numbers<[1], [0], [0], [1], [0, 0, 1, 1], [], []>, transpose_lhs_hint = false} : vector<99x136xf32>, vector<136x136xf32>, vector<99x136xf32> -> vector<99x136xf32>
    %broadcast_in_dim3A_144 = arith.constant 0.000000e+00 : f32
    %broadcast_in_dim3A_145 = vector.broadcast %broadcast_in_dim3A_144 : f32 to vector<99x136xf32>
    %ge3A = arith.constant 0 : i32
    %ge3A_146 = vector.broadcast %ge3A : i32 to vector<1x136xi32>
    %ge3A_147 = arith.cmpi sge, %iota3A, %ge3A_146 : vector<1x136xi32>
    %lt3A = arith.constant 17 : i32
    %lt3A_148 = vector.broadcast %lt3A : i32 to vector<1x136xi32>
    %lt3A_149 = arith.cmpi slt, %iota3A, %lt3A_148 : vector<1x136xi32>
    %and3A_150 = arith.andi %ge3A_147, %lt3A_149 : vector<1x136xi1>
    %convert_element_type3A = arith.extui %and3A_150 : vector<1x136xi1> to vector<1x136xi32>
    %convert_element_type3A_151 = arith.sitofp %convert_element_type3A : vector<1x136xi32> to vector<1x136xf32>
    %mul3A_152 = vector.broadcast %convert_element_type3A_151 : vector<1x136xf32> to vector<99x136xf32>
    %mul3A_153 = arith.mulf %dot_general3A_139, %mul3A_152 : vector<99x136xf32>
    %dot_general3A_154 = arith.constant dense<0.000000e+00> : vector<99x99xf32>
    %dot_general3A_155 = tpu.matmul %mul3A_153, %dot_general3A_141, %dot_general3A_154 {dimension_numbers = #tpu.dot_dimension_numbers<[1], [1], [0], [0], [0, 0, 1, 0], [], []>, transpose_lhs_hint = false} : vector<99x136xf32>, vector<99x136xf32>, vector<99x99xf32> -> vector<99x99xf32>
    %mul3A_156 = arith.constant 0.242535621 : f32
    %mul3A_157 = vector.broadcast %mul3A_156 : f32 to vector<99x99xf32>
    %mul3A_158 = arith.mulf %dot_general3A_155, %mul3A_157 : vector<99x99xf32>
    %jit3A_159 = arith.constant -1.000000e+09 : f32
    %broadcast_in_dim3A_160 = vector.shape_cast %eq3A_113 : vector<1x99xi1> to vector<1x99xi1>
    %broadcast_in_dim3A_161 = vector.broadcast %broadcast_in_dim3A_160 : vector<1x99xi1> to vector<99x99xi1>
    %broadcast_in_dim3A_162 = vector.broadcast %jit3A_159 : f32 to vector<99x99xf32>
    %select_n3A_163 = arith.select %broadcast_in_dim3A_161, %broadcast_in_dim3A_162, %mul3A_158 : vector<99x99xi1>, vector<99x99xf32>
    %reduce_max3A = arith.constant dense<0xFF800000> : vector<99xf32>
    %reduce_max3A_164 = vector.multi_reduction <maximumf>, %select_n3A_163, %reduce_max3A [1] : vector<99x99xf32> to vector<99xf32>
    %broadcast_in_dim3A_165 = vector.shape_cast %reduce_max3A_164 : vector<99xf32> to vector<99x1xf32>
    %sub3A_166 = vector.broadcast %broadcast_in_dim3A_165 : vector<99x1xf32> to vector<99x99xf32>
    %sub3A_167 = arith.subf %select_n3A_163, %sub3A_166 : vector<99x99xf32>
    %exp3A_168 = math.exp %sub3A_167 : vector<99x99xf32>
    %reduce_sum3A = arith.constant dense<0.000000e+00> : vector<99xf32>
    %reduce_sum3A_169 = vector.multi_reduction <add>, %exp3A_168, %reduce_sum3A [1] : vector<99x99xf32> to vector<99xf32>
    %broadcast_in_dim3A_170 = vector.shape_cast %reduce_sum3A_169 : vector<99xf32> to vector<99x1xf32>
    %div3A_171 = vector.broadcast %broadcast_in_dim3A_170 : vector<99x1xf32> to vector<99x99xf32>
    %div3A_172 = arith.divf %exp3A_168, %div3A_171 : vector<99x99xf32>
    %mul3A_173 = vector.broadcast %convert_element_type3A_151 : vector<1x136xf32> to vector<99x136xf32>
    %mul3A_174 = arith.mulf %dot_general3A_143, %mul3A_173 : vector<99x136xf32>
    %dot_general3A_175 = arith.constant dense<0.000000e+00> : vector<99x136xf32>
    %dot_general3A_176 = tpu.matmul %div3A_172, %mul3A_174, %dot_general3A_175 {dimension_numbers = #tpu.dot_dimension_numbers<[1], [0], [0], [1], [0, 0, 1, 1], [], []>, transpose_lhs_hint = false} : vector<99x99xf32>, vector<99x136xf32>, vector<99x136xf32> -> vector<99x136xf32>
    %add3A_177 = arith.addf %broadcast_in_dim3A_145, %dot_general3A_176 : vector<99x136xf32>
    %ge3A_178 = arith.constant 17 : i32
    %ge3A_179 = vector.broadcast %ge3A_178 : i32 to vector<1x136xi32>
    %ge3A_180 = arith.cmpi sge, %iota3A, %ge3A_179 : vector<1x136xi32>
    %lt3A_181 = arith.constant 34 : i32
    %lt3A_182 = vector.broadcast %lt3A_181 : i32 to vector<1x136xi32>
    %lt3A_183 = arith.cmpi slt, %iota3A, %lt3A_182 : vector<1x136xi32>
    %and3A_184 = arith.andi %ge3A_180, %lt3A_183 : vector<1x136xi1>
    %convert_element_type3A_185 = arith.extui %and3A_184 : vector<1x136xi1> to vector<1x136xi32>
    %convert_element_type3A_186 = arith.sitofp %convert_element_type3A_185 : vector<1x136xi32> to vector<1x136xf32>
    %mul3A_187 = vector.broadcast %convert_element_type3A_186 : vector<1x136xf32> to vector<99x136xf32>
    %mul3A_188 = arith.mulf %dot_general3A_139, %mul3A_187 : vector<99x136xf32>
    %dot_general3A_189 = arith.constant dense<0.000000e+00> : vector<99x99xf32>
    %dot_general3A_190 = tpu.matmul %mul3A_188, %dot_general3A_141, %dot_general3A_189 {dimension_numbers = #tpu.dot_dimension_numbers<[1], [1], [0], [0], [0, 0, 1, 0], [], []>, transpose_lhs_hint = false} : vector<99x136xf32>, vector<99x136xf32>, vector<99x99xf32> -> vector<99x99xf32>
    %mul3A_191 = arith.constant 0.242535621 : f32
    %mul3A_192 = vector.broadcast %mul3A_191 : f32 to vector<99x99xf32>
    %mul3A_193 = arith.mulf %dot_general3A_190, %mul3A_192 : vector<99x99xf32>
    %jit3A_194 = arith.constant -1.000000e+09 : f32
    %broadcast_in_dim3A_195 = vector.shape_cast %eq3A_113 : vector<1x99xi1> to vector<1x99xi1>
    %broadcast_in_dim3A_196 = vector.broadcast %broadcast_in_dim3A_195 : vector<1x99xi1> to vector<99x99xi1>
    %broadcast_in_dim3A_197 = vector.broadcast %jit3A_194 : f32 to vector<99x99xf32>
    %select_n3A_198 = arith.select %broadcast_in_dim3A_196, %broadcast_in_dim3A_197, %mul3A_193 : vector<99x99xi1>, vector<99x99xf32>
    %reduce_max3A_199 = arith.constant dense<0xFF800000> : vector<99xf32>
    %reduce_max3A_200 = vector.multi_reduction <maximumf>, %select_n3A_198, %reduce_max3A_199 [1] : vector<99x99xf32> to vector<99xf32>
    %broadcast_in_dim3A_201 = vector.shape_cast %reduce_max3A_200 : vector<99xf32> to vector<99x1xf32>
    %sub3A_202 = vector.broadcast %broadcast_in_dim3A_201 : vector<99x1xf32> to vector<99x99xf32>
    %sub3A_203 = arith.subf %select_n3A_198, %sub3A_202 : vector<99x99xf32>
    %exp3A_204 = math.exp %sub3A_203 : vector<99x99xf32>
    %reduce_sum3A_205 = arith.constant dense<0.000000e+00> : vector<99xf32>
    %reduce_sum3A_206 = vector.multi_reduction <add>, %exp3A_204, %reduce_sum3A_205 [1] : vector<99x99xf32> to vector<99xf32>
    %broadcast_in_dim3A_207 = vector.shape_cast %reduce_sum3A_206 : vector<99xf32> to vector<99x1xf32>
    %div3A_208 = vector.broadcast %broadcast_in_dim3A_207 : vector<99x1xf32> to vector<99x99xf32>
    %div3A_209 = arith.divf %exp3A_204, %div3A_208 : vector<99x99xf32>
    %mul3A_210 = vector.broadcast %convert_element_type3A_186 : vector<1x136xf32> to vector<99x136xf32>
    %mul3A_211 = arith.mulf %dot_general3A_143, %mul3A_210 : vector<99x136xf32>
    %dot_general3A_212 = arith.constant dense<0.000000e+00> : vector<99x136xf32>
    %dot_general3A_213 = tpu.matmul %div3A_209, %mul3A_211, %dot_general3A_212 {dimension_numbers = #tpu.dot_dimension_numbers<[1], [0], [0], [1], [0, 0, 1, 1], [], []>, transpose_lhs_hint = false} : vector<99x99xf32>, vector<99x136xf32>, vector<99x136xf32> -> vector<99x136xf32>
    %add3A_214 = arith.addf %add3A_177, %dot_general3A_213 : vector<99x136xf32>
    %ge3A_215 = arith.constant 34 : i32
    %ge3A_216 = vector.broadcast %ge3A_215 : i32 to vector<1x136xi32>
    %ge3A_217 = arith.cmpi sge, %iota3A, %ge3A_216 : vector<1x136xi32>
    %lt3A_218 = arith.constant 51 : i32
    %lt3A_219 = vector.broadcast %lt3A_218 : i32 to vector<1x136xi32>
    %lt3A_220 = arith.cmpi slt, %iota3A, %lt3A_219 : vector<1x136xi32>
    %and3A_221 = arith.andi %ge3A_217, %lt3A_220 : vector<1x136xi1>
    %convert_element_type3A_222 = arith.extui %and3A_221 : vector<1x136xi1> to vector<1x136xi32>
    %convert_element_type3A_223 = arith.sitofp %convert_element_type3A_222 : vector<1x136xi32> to vector<1x136xf32>
    %mul3A_224 = vector.broadcast %convert_element_type3A_223 : vector<1x136xf32> to vector<99x136xf32>
    %mul3A_225 = arith.mulf %dot_general3A_139, %mul3A_224 : vector<99x136xf32>
    %dot_general3A_226 = arith.constant dense<0.000000e+00> : vector<99x99xf32>
    %dot_general3A_227 = tpu.matmul %mul3A_225, %dot_general3A_141, %dot_general3A_226 {dimension_numbers = #tpu.dot_dimension_numbers<[1], [1], [0], [0], [0, 0, 1, 0], [], []>, transpose_lhs_hint = false} : vector<99x136xf32>, vector<99x136xf32>, vector<99x99xf32> -> vector<99x99xf32>
    %mul3A_228 = arith.constant 0.242535621 : f32
    %mul3A_229 = vector.broadcast %mul3A_228 : f32 to vector<99x99xf32>
    %mul3A_230 = arith.mulf %dot_general3A_227, %mul3A_229 : vector<99x99xf32>
    %jit3A_231 = arith.constant -1.000000e+09 : f32
    %broadcast_in_dim3A_232 = vector.shape_cast %eq3A_113 : vector<1x99xi1> to vector<1x99xi1>
    %broadcast_in_dim3A_233 = vector.broadcast %broadcast_in_dim3A_232 : vector<1x99xi1> to vector<99x99xi1>
    %broadcast_in_dim3A_234 = vector.broadcast %jit3A_231 : f32 to vector<99x99xf32>
    %select_n3A_235 = arith.select %broadcast_in_dim3A_233, %broadcast_in_dim3A_234, %mul3A_230 : vector<99x99xi1>, vector<99x99xf32>
    %reduce_max3A_236 = arith.constant dense<0xFF800000> : vector<99xf32>
    %reduce_max3A_237 = vector.multi_reduction <maximumf>, %select_n3A_235, %reduce_max3A_236 [1] : vector<99x99xf32> to vector<99xf32>
    %broadcast_in_dim3A_238 = vector.shape_cast %reduce_max3A_237 : vector<99xf32> to vector<99x1xf32>
    %sub3A_239 = vector.broadcast %broadcast_in_dim3A_238 : vector<99x1xf32> to vector<99x99xf32>
    %sub3A_240 = arith.subf %select_n3A_235, %sub3A_239 : vector<99x99xf32>
    %exp3A_241 = math.exp %sub3A_240 : vector<99x99xf32>
    %reduce_sum3A_242 = arith.constant dense<0.000000e+00> : vector<99xf32>
    %reduce_sum3A_243 = vector.multi_reduction <add>, %exp3A_241, %reduce_sum3A_242 [1] : vector<99x99xf32> to vector<99xf32>
    %broadcast_in_dim3A_244 = vector.shape_cast %reduce_sum3A_243 : vector<99xf32> to vector<99x1xf32>
    %div3A_245 = vector.broadcast %broadcast_in_dim3A_244 : vector<99x1xf32> to vector<99x99xf32>
    %div3A_246 = arith.divf %exp3A_241, %div3A_245 : vector<99x99xf32>
    %mul3A_247 = vector.broadcast %convert_element_type3A_223 : vector<1x136xf32> to vector<99x136xf32>
    %mul3A_248 = arith.mulf %dot_general3A_143, %mul3A_247 : vector<99x136xf32>
    %dot_general3A_249 = arith.constant dense<0.000000e+00> : vector<99x136xf32>
    %dot_general3A_250 = tpu.matmul %div3A_246, %mul3A_248, %dot_general3A_249 {dimension_numbers = #tpu.dot_dimension_numbers<[1], [0], [0], [1], [0, 0, 1, 1], [], []>, transpose_lhs_hint = false} : vector<99x99xf32>, vector<99x136xf32>, vector<99x136xf32> -> vector<99x136xf32>
    %add3A_251 = arith.addf %add3A_214, %dot_general3A_250 : vector<99x136xf32>
    %ge3A_252 = arith.constant 51 : i32
    %ge3A_253 = vector.broadcast %ge3A_252 : i32 to vector<1x136xi32>
    %ge3A_254 = arith.cmpi sge, %iota3A, %ge3A_253 : vector<1x136xi32>
    %lt3A_255 = arith.constant 68 : i32
    %lt3A_256 = vector.broadcast %lt3A_255 : i32 to vector<1x136xi32>
    %lt3A_257 = arith.cmpi slt, %iota3A, %lt3A_256 : vector<1x136xi32>
    %and3A_258 = arith.andi %ge3A_254, %lt3A_257 : vector<1x136xi1>
    %convert_element_type3A_259 = arith.extui %and3A_258 : vector<1x136xi1> to vector<1x136xi32>
    %convert_element_type3A_260 = arith.sitofp %convert_element_type3A_259 : vector<1x136xi32> to vector<1x136xf32>
    %mul3A_261 = vector.broadcast %convert_element_type3A_260 : vector<1x136xf32> to vector<99x136xf32>
    %mul3A_262 = arith.mulf %dot_general3A_139, %mul3A_261 : vector<99x136xf32>
    %dot_general3A_263 = arith.constant dense<0.000000e+00> : vector<99x99xf32>
    %dot_general3A_264 = tpu.matmul %mul3A_262, %dot_general3A_141, %dot_general3A_263 {dimension_numbers = #tpu.dot_dimension_numbers<[1], [1], [0], [0], [0, 0, 1, 0], [], []>, transpose_lhs_hint = false} : vector<99x136xf32>, vector<99x136xf32>, vector<99x99xf32> -> vector<99x99xf32>
    %mul3A_265 = arith.constant 0.242535621 : f32
    %mul3A_266 = vector.broadcast %mul3A_265 : f32 to vector<99x99xf32>
    %mul3A_267 = arith.mulf %dot_general3A_264, %mul3A_266 : vector<99x99xf32>
    %jit3A_268 = arith.constant -1.000000e+09 : f32
    %broadcast_in_dim3A_269 = vector.shape_cast %eq3A_113 : vector<1x99xi1> to vector<1x99xi1>
    %broadcast_in_dim3A_270 = vector.broadcast %broadcast_in_dim3A_269 : vector<1x99xi1> to vector<99x99xi1>
    %broadcast_in_dim3A_271 = vector.broadcast %jit3A_268 : f32 to vector<99x99xf32>
    %select_n3A_272 = arith.select %broadcast_in_dim3A_270, %broadcast_in_dim3A_271, %mul3A_267 : vector<99x99xi1>, vector<99x99xf32>
    %reduce_max3A_273 = arith.constant dense<0xFF800000> : vector<99xf32>
    %reduce_max3A_274 = vector.multi_reduction <maximumf>, %select_n3A_272, %reduce_max3A_273 [1] : vector<99x99xf32> to vector<99xf32>
    %broadcast_in_dim3A_275 = vector.shape_cast %reduce_max3A_274 : vector<99xf32> to vector<99x1xf32>
    %sub3A_276 = vector.broadcast %broadcast_in_dim3A_275 : vector<99x1xf32> to vector<99x99xf32>
    %sub3A_277 = arith.subf %select_n3A_272, %sub3A_276 : vector<99x99xf32>
    %exp3A_278 = math.exp %sub3A_277 : vector<99x99xf32>
    %reduce_sum3A_279 = arith.constant dense<0.000000e+00> : vector<99xf32>
    %reduce_sum3A_280 = vector.multi_reduction <add>, %exp3A_278, %reduce_sum3A_279 [1] : vector<99x99xf32> to vector<99xf32>
    %broadcast_in_dim3A_281 = vector.shape_cast %reduce_sum3A_280 : vector<99xf32> to vector<99x1xf32>
    %div3A_282 = vector.broadcast %broadcast_in_dim3A_281 : vector<99x1xf32> to vector<99x99xf32>
    %div3A_283 = arith.divf %exp3A_278, %div3A_282 : vector<99x99xf32>
    %mul3A_284 = vector.broadcast %convert_element_type3A_260 : vector<1x136xf32> to vector<99x136xf32>
    %mul3A_285 = arith.mulf %dot_general3A_143, %mul3A_284 : vector<99x136xf32>
    %dot_general3A_286 = arith.constant dense<0.000000e+00> : vector<99x136xf32>
    %dot_general3A_287 = tpu.matmul %div3A_283, %mul3A_285, %dot_general3A_286 {dimension_numbers = #tpu.dot_dimension_numbers<[1], [0], [0], [1], [0, 0, 1, 1], [], []>, transpose_lhs_hint = false} : vector<99x99xf32>, vector<99x136xf32>, vector<99x136xf32> -> vector<99x136xf32>
    %add3A_288 = arith.addf %add3A_251, %dot_general3A_287 : vector<99x136xf32>
    %ge3A_289 = arith.constant 68 : i32
    %ge3A_290 = vector.broadcast %ge3A_289 : i32 to vector<1x136xi32>
    %ge3A_291 = arith.cmpi sge, %iota3A, %ge3A_290 : vector<1x136xi32>
    %lt3A_292 = arith.constant 85 : i32
    %lt3A_293 = vector.broadcast %lt3A_292 : i32 to vector<1x136xi32>
    %lt3A_294 = arith.cmpi slt, %iota3A, %lt3A_293 : vector<1x136xi32>
    %and3A_295 = arith.andi %ge3A_291, %lt3A_294 : vector<1x136xi1>
    %convert_element_type3A_296 = arith.extui %and3A_295 : vector<1x136xi1> to vector<1x136xi32>
    %convert_element_type3A_297 = arith.sitofp %convert_element_type3A_296 : vector<1x136xi32> to vector<1x136xf32>
    %mul3A_298 = vector.broadcast %convert_element_type3A_297 : vector<1x136xf32> to vector<99x136xf32>
    %mul3A_299 = arith.mulf %dot_general3A_139, %mul3A_298 : vector<99x136xf32>
    %dot_general3A_300 = arith.constant dense<0.000000e+00> : vector<99x99xf32>
    %dot_general3A_301 = tpu.matmul %mul3A_299, %dot_general3A_141, %dot_general3A_300 {dimension_numbers = #tpu.dot_dimension_numbers<[1], [1], [0], [0], [0, 0, 1, 0], [], []>, transpose_lhs_hint = false} : vector<99x136xf32>, vector<99x136xf32>, vector<99x99xf32> -> vector<99x99xf32>
    %mul3A_302 = arith.constant 0.242535621 : f32
    %mul3A_303 = vector.broadcast %mul3A_302 : f32 to vector<99x99xf32>
    %mul3A_304 = arith.mulf %dot_general3A_301, %mul3A_303 : vector<99x99xf32>
    %jit3A_305 = arith.constant -1.000000e+09 : f32
    %broadcast_in_dim3A_306 = vector.shape_cast %eq3A_113 : vector<1x99xi1> to vector<1x99xi1>
    %broadcast_in_dim3A_307 = vector.broadcast %broadcast_in_dim3A_306 : vector<1x99xi1> to vector<99x99xi1>
    %broadcast_in_dim3A_308 = vector.broadcast %jit3A_305 : f32 to vector<99x99xf32>
    %select_n3A_309 = arith.select %broadcast_in_dim3A_307, %broadcast_in_dim3A_308, %mul3A_304 : vector<99x99xi1>, vector<99x99xf32>
    %reduce_max3A_310 = arith.constant dense<0xFF800000> : vector<99xf32>
    %reduce_max3A_311 = vector.multi_reduction <maximumf>, %select_n3A_309, %reduce_max3A_310 [1] : vector<99x99xf32> to vector<99xf32>
    %broadcast_in_dim3A_312 = vector.shape_cast %reduce_max3A_311 : vector<99xf32> to vector<99x1xf32>
    %sub3A_313 = vector.broadcast %broadcast_in_dim3A_312 : vector<99x1xf32> to vector<99x99xf32>
    %sub3A_314 = arith.subf %select_n3A_309, %sub3A_313 : vector<99x99xf32>
    %exp3A_315 = math.exp %sub3A_314 : vector<99x99xf32>
    %reduce_sum3A_316 = arith.constant dense<0.000000e+00> : vector<99xf32>
    %reduce_sum3A_317 = vector.multi_reduction <add>, %exp3A_315, %reduce_sum3A_316 [1] : vector<99x99xf32> to vector<99xf32>
    %broadcast_in_dim3A_318 = vector.shape_cast %reduce_sum3A_317 : vector<99xf32> to vector<99x1xf32>
    %div3A_319 = vector.broadcast %broadcast_in_dim3A_318 : vector<99x1xf32> to vector<99x99xf32>
    %div3A_320 = arith.divf %exp3A_315, %div3A_319 : vector<99x99xf32>
    %mul3A_321 = vector.broadcast %convert_element_type3A_297 : vector<1x136xf32> to vector<99x136xf32>
    %mul3A_322 = arith.mulf %dot_general3A_143, %mul3A_321 : vector<99x136xf32>
    %dot_general3A_323 = arith.constant dense<0.000000e+00> : vector<99x136xf32>
    %dot_general3A_324 = tpu.matmul %div3A_320, %mul3A_322, %dot_general3A_323 {dimension_numbers = #tpu.dot_dimension_numbers<[1], [0], [0], [1], [0, 0, 1, 1], [], []>, transpose_lhs_hint = false} : vector<99x99xf32>, vector<99x136xf32>, vector<99x136xf32> -> vector<99x136xf32>
    %add3A_325 = arith.addf %add3A_288, %dot_general3A_324 : vector<99x136xf32>
    %ge3A_326 = arith.constant 85 : i32
    %ge3A_327 = vector.broadcast %ge3A_326 : i32 to vector<1x136xi32>
    %ge3A_328 = arith.cmpi sge, %iota3A, %ge3A_327 : vector<1x136xi32>
    %lt3A_329 = arith.constant 102 : i32
    %lt3A_330 = vector.broadcast %lt3A_329 : i32 to vector<1x136xi32>
    %lt3A_331 = arith.cmpi slt, %iota3A, %lt3A_330 : vector<1x136xi32>
    %and3A_332 = arith.andi %ge3A_328, %lt3A_331 : vector<1x136xi1>
    %convert_element_type3A_333 = arith.extui %and3A_332 : vector<1x136xi1> to vector<1x136xi32>
    %convert_element_type3A_334 = arith.sitofp %convert_element_type3A_333 : vector<1x136xi32> to vector<1x136xf32>
    %mul3A_335 = vector.broadcast %convert_element_type3A_334 : vector<1x136xf32> to vector<99x136xf32>
    %mul3A_336 = arith.mulf %dot_general3A_139, %mul3A_335 : vector<99x136xf32>
    %dot_general3A_337 = arith.constant dense<0.000000e+00> : vector<99x99xf32>
    %dot_general3A_338 = tpu.matmul %mul3A_336, %dot_general3A_141, %dot_general3A_337 {dimension_numbers = #tpu.dot_dimension_numbers<[1], [1], [0], [0], [0, 0, 1, 0], [], []>, transpose_lhs_hint = false} : vector<99x136xf32>, vector<99x136xf32>, vector<99x99xf32> -> vector<99x99xf32>
    %mul3A_339 = arith.constant 0.242535621 : f32
    %mul3A_340 = vector.broadcast %mul3A_339 : f32 to vector<99x99xf32>
    %mul3A_341 = arith.mulf %dot_general3A_338, %mul3A_340 : vector<99x99xf32>
    %jit3A_342 = arith.constant -1.000000e+09 : f32
    %broadcast_in_dim3A_343 = vector.shape_cast %eq3A_113 : vector<1x99xi1> to vector<1x99xi1>
    %broadcast_in_dim3A_344 = vector.broadcast %broadcast_in_dim3A_343 : vector<1x99xi1> to vector<99x99xi1>
    %broadcast_in_dim3A_345 = vector.broadcast %jit3A_342 : f32 to vector<99x99xf32>
    %select_n3A_346 = arith.select %broadcast_in_dim3A_344, %broadcast_in_dim3A_345, %mul3A_341 : vector<99x99xi1>, vector<99x99xf32>
    %reduce_max3A_347 = arith.constant dense<0xFF800000> : vector<99xf32>
    %reduce_max3A_348 = vector.multi_reduction <maximumf>, %select_n3A_346, %reduce_max3A_347 [1] : vector<99x99xf32> to vector<99xf32>
    %broadcast_in_dim3A_349 = vector.shape_cast %reduce_max3A_348 : vector<99xf32> to vector<99x1xf32>
    %sub3A_350 = vector.broadcast %broadcast_in_dim3A_349 : vector<99x1xf32> to vector<99x99xf32>
    %sub3A_351 = arith.subf %select_n3A_346, %sub3A_350 : vector<99x99xf32>
    %exp3A_352 = math.exp %sub3A_351 : vector<99x99xf32>
    %reduce_sum3A_353 = arith.constant dense<0.000000e+00> : vector<99xf32>
    %reduce_sum3A_354 = vector.multi_reduction <add>, %exp3A_352, %reduce_sum3A_353 [1] : vector<99x99xf32> to vector<99xf32>
    %broadcast_in_dim3A_355 = vector.shape_cast %reduce_sum3A_354 : vector<99xf32> to vector<99x1xf32>
    %div3A_356 = vector.broadcast %broadcast_in_dim3A_355 : vector<99x1xf32> to vector<99x99xf32>
    %div3A_357 = arith.divf %exp3A_352, %div3A_356 : vector<99x99xf32>
    %mul3A_358 = vector.broadcast %convert_element_type3A_334 : vector<1x136xf32> to vector<99x136xf32>
    %mul3A_359 = arith.mulf %dot_general3A_143, %mul3A_358 : vector<99x136xf32>
    %dot_general3A_360 = arith.constant dense<0.000000e+00> : vector<99x136xf32>
    %dot_general3A_361 = tpu.matmul %div3A_357, %mul3A_359, %dot_general3A_360 {dimension_numbers = #tpu.dot_dimension_numbers<[1], [0], [0], [1], [0, 0, 1, 1], [], []>, transpose_lhs_hint = false} : vector<99x99xf32>, vector<99x136xf32>, vector<99x136xf32> -> vector<99x136xf32>
    %add3A_362 = arith.addf %add3A_325, %dot_general3A_361 : vector<99x136xf32>
    %ge3A_363 = arith.constant 102 : i32
    %ge3A_364 = vector.broadcast %ge3A_363 : i32 to vector<1x136xi32>
    %ge3A_365 = arith.cmpi sge, %iota3A, %ge3A_364 : vector<1x136xi32>
    %lt3A_366 = arith.constant 119 : i32
    %lt3A_367 = vector.broadcast %lt3A_366 : i32 to vector<1x136xi32>
    %lt3A_368 = arith.cmpi slt, %iota3A, %lt3A_367 : vector<1x136xi32>
    %and3A_369 = arith.andi %ge3A_365, %lt3A_368 : vector<1x136xi1>
    %convert_element_type3A_370 = arith.extui %and3A_369 : vector<1x136xi1> to vector<1x136xi32>
    %convert_element_type3A_371 = arith.sitofp %convert_element_type3A_370 : vector<1x136xi32> to vector<1x136xf32>
    %mul3A_372 = vector.broadcast %convert_element_type3A_371 : vector<1x136xf32> to vector<99x136xf32>
    %mul3A_373 = arith.mulf %dot_general3A_139, %mul3A_372 : vector<99x136xf32>
    %dot_general3A_374 = arith.constant dense<0.000000e+00> : vector<99x99xf32>
    %dot_general3A_375 = tpu.matmul %mul3A_373, %dot_general3A_141, %dot_general3A_374 {dimension_numbers = #tpu.dot_dimension_numbers<[1], [1], [0], [0], [0, 0, 1, 0], [], []>, transpose_lhs_hint = false} : vector<99x136xf32>, vector<99x136xf32>, vector<99x99xf32> -> vector<99x99xf32>
    %mul3A_376 = arith.constant 0.242535621 : f32
    %mul3A_377 = vector.broadcast %mul3A_376 : f32 to vector<99x99xf32>
    %mul3A_378 = arith.mulf %dot_general3A_375, %mul3A_377 : vector<99x99xf32>
    %jit3A_379 = arith.constant -1.000000e+09 : f32
    %broadcast_in_dim3A_380 = vector.shape_cast %eq3A_113 : vector<1x99xi1> to vector<1x99xi1>
    %broadcast_in_dim3A_381 = vector.broadcast %broadcast_in_dim3A_380 : vector<1x99xi1> to vector<99x99xi1>
    %broadcast_in_dim3A_382 = vector.broadcast %jit3A_379 : f32 to vector<99x99xf32>
    %select_n3A_383 = arith.select %broadcast_in_dim3A_381, %broadcast_in_dim3A_382, %mul3A_378 : vector<99x99xi1>, vector<99x99xf32>
    %reduce_max3A_384 = arith.constant dense<0xFF800000> : vector<99xf32>
    %reduce_max3A_385 = vector.multi_reduction <maximumf>, %select_n3A_383, %reduce_max3A_384 [1] : vector<99x99xf32> to vector<99xf32>
    %broadcast_in_dim3A_386 = vector.shape_cast %reduce_max3A_385 : vector<99xf32> to vector<99x1xf32>
    %sub3A_387 = vector.broadcast %broadcast_in_dim3A_386 : vector<99x1xf32> to vector<99x99xf32>
    %sub3A_388 = arith.subf %select_n3A_383, %sub3A_387 : vector<99x99xf32>
    %exp3A_389 = math.exp %sub3A_388 : vector<99x99xf32>
    %reduce_sum3A_390 = arith.constant dense<0.000000e+00> : vector<99xf32>
    %reduce_sum3A_391 = vector.multi_reduction <add>, %exp3A_389, %reduce_sum3A_390 [1] : vector<99x99xf32> to vector<99xf32>
    %broadcast_in_dim3A_392 = vector.shape_cast %reduce_sum3A_391 : vector<99xf32> to vector<99x1xf32>
    %div3A_393 = vector.broadcast %broadcast_in_dim3A_392 : vector<99x1xf32> to vector<99x99xf32>
    %div3A_394 = arith.divf %exp3A_389, %div3A_393 : vector<99x99xf32>
    %mul3A_395 = vector.broadcast %convert_element_type3A_371 : vector<1x136xf32> to vector<99x136xf32>
    %mul3A_396 = arith.mulf %dot_general3A_143, %mul3A_395 : vector<99x136xf32>
    %dot_general3A_397 = arith.constant dense<0.000000e+00> : vector<99x136xf32>
    %dot_general3A_398 = tpu.matmul %div3A_394, %mul3A_396, %dot_general3A_397 {dimension_numbers = #tpu.dot_dimension_numbers<[1], [0], [0], [1], [0, 0, 1, 1], [], []>, transpose_lhs_hint = false} : vector<99x99xf32>, vector<99x136xf32>, vector<99x136xf32> -> vector<99x136xf32>
    %add3A_399 = arith.addf %add3A_362, %dot_general3A_398 : vector<99x136xf32>
    %ge3A_400 = arith.constant 119 : i32
    %ge3A_401 = vector.broadcast %ge3A_400 : i32 to vector<1x136xi32>
    %ge3A_402 = arith.cmpi sge, %iota3A, %ge3A_401 : vector<1x136xi32>
    %lt3A_403 = arith.constant 136 : i32
    %lt3A_404 = vector.broadcast %lt3A_403 : i32 to vector<1x136xi32>
    %lt3A_405 = arith.cmpi slt, %iota3A, %lt3A_404 : vector<1x136xi32>
    %and3A_406 = arith.andi %ge3A_402, %lt3A_405 : vector<1x136xi1>
    %convert_element_type3A_407 = arith.extui %and3A_406 : vector<1x136xi1> to vector<1x136xi32>
    %convert_element_type3A_408 = arith.sitofp %convert_element_type3A_407 : vector<1x136xi32> to vector<1x136xf32>
    %mul3A_409 = vector.broadcast %convert_element_type3A_408 : vector<1x136xf32> to vector<99x136xf32>
    %mul3A_410 = arith.mulf %dot_general3A_139, %mul3A_409 : vector<99x136xf32>
    %dot_general3A_411 = arith.constant dense<0.000000e+00> : vector<99x99xf32>
    %dot_general3A_412 = tpu.matmul %mul3A_410, %dot_general3A_141, %dot_general3A_411 {dimension_numbers = #tpu.dot_dimension_numbers<[1], [1], [0], [0], [0, 0, 1, 0], [], []>, transpose_lhs_hint = false} : vector<99x136xf32>, vector<99x136xf32>, vector<99x99xf32> -> vector<99x99xf32>
    %mul3A_413 = arith.constant 0.242535621 : f32
    %mul3A_414 = vector.broadcast %mul3A_413 : f32 to vector<99x99xf32>
    %mul3A_415 = arith.mulf %dot_general3A_412, %mul3A_414 : vector<99x99xf32>
    %jit3A_416 = arith.constant -1.000000e+09 : f32
    %broadcast_in_dim3A_417 = vector.shape_cast %eq3A_113 : vector<1x99xi1> to vector<1x99xi1>
    %broadcast_in_dim3A_418 = vector.broadcast %broadcast_in_dim3A_417 : vector<1x99xi1> to vector<99x99xi1>
    %broadcast_in_dim3A_419 = vector.broadcast %jit3A_416 : f32 to vector<99x99xf32>
    %select_n3A_420 = arith.select %broadcast_in_dim3A_418, %broadcast_in_dim3A_419, %mul3A_415 : vector<99x99xi1>, vector<99x99xf32>
    %reduce_max3A_421 = arith.constant dense<0xFF800000> : vector<99xf32>
    %reduce_max3A_422 = vector.multi_reduction <maximumf>, %select_n3A_420, %reduce_max3A_421 [1] : vector<99x99xf32> to vector<99xf32>
    %broadcast_in_dim3A_423 = vector.shape_cast %reduce_max3A_422 : vector<99xf32> to vector<99x1xf32>
    %sub3A_424 = vector.broadcast %broadcast_in_dim3A_423 : vector<99x1xf32> to vector<99x99xf32>
    %sub3A_425 = arith.subf %select_n3A_420, %sub3A_424 : vector<99x99xf32>
    %exp3A_426 = math.exp %sub3A_425 : vector<99x99xf32>
    %reduce_sum3A_427 = arith.constant dense<0.000000e+00> : vector<99xf32>
    %reduce_sum3A_428 = vector.multi_reduction <add>, %exp3A_426, %reduce_sum3A_427 [1] : vector<99x99xf32> to vector<99xf32>
    %broadcast_in_dim3A_429 = vector.shape_cast %reduce_sum3A_428 : vector<99xf32> to vector<99x1xf32>
    %div3A_430 = vector.broadcast %broadcast_in_dim3A_429 : vector<99x1xf32> to vector<99x99xf32>
    %div3A_431 = arith.divf %exp3A_426, %div3A_430 : vector<99x99xf32>
    %mul3A_432 = vector.broadcast %convert_element_type3A_408 : vector<1x136xf32> to vector<99x136xf32>
    %mul3A_433 = arith.mulf %dot_general3A_143, %mul3A_432 : vector<99x136xf32>
    %dot_general3A_434 = arith.constant dense<0.000000e+00> : vector<99x136xf32>
    %dot_general3A_435 = tpu.matmul %div3A_431, %mul3A_433, %dot_general3A_434 {dimension_numbers = #tpu.dot_dimension_numbers<[1], [0], [0], [1], [0, 0, 1, 1], [], []>, transpose_lhs_hint = false} : vector<99x99xf32>, vector<99x136xf32>, vector<99x136xf32> -> vector<99x136xf32>
    %add3A_436 = arith.addf %add3A_399, %dot_general3A_435 : vector<99x136xf32>
    %dot_general3A_437 = arith.constant dense<0.000000e+00> : vector<99x136xf32>
    %dot_general3A_438 = tpu.matmul %add3A_436, %get3A_137, %dot_general3A_437 {dimension_numbers = #tpu.dot_dimension_numbers<[1], [0], [0], [1], [0, 0, 1, 1], [], []>, transpose_lhs_hint = false} : vector<99x136xf32>, vector<136x136xf32>, vector<99x136xf32> -> vector<99x136xf32>
    %add3A_439 = arith.addf %concatenate3A, %dot_general3A_438 : vector<99x136xf32>
    %get3A_440 = arith.constant 0 : index
    %get3A_441 = arith.constant 0 : index
    %get3A_442 = arith.constant 0 : index
    %get3A_443 = arith.constant 0 : index
    %get3A_444 = vector.load %arg16[%get3A_440, %get3A_441, %get3A_442, %get3A_443] : memref<2x2x2x136xf32, #tpu.memory_space<vmem>>, vector<1x1x1x136xf32>
    %get3A_445 = vector.shape_cast %get3A_444 : vector<1x1x1x136xf32> to vector<136xf32>
    %get3A_446 = arith.constant 0 : index
    %get3A_447 = arith.constant 0 : index
    %get3A_448 = arith.constant 1 : index
    %get3A_449 = arith.constant 0 : index
    %get3A_450 = vector.load %arg16[%get3A_446, %get3A_447, %get3A_448, %get3A_449] : memref<2x2x2x136xf32, #tpu.memory_space<vmem>>, vector<1x1x1x136xf32>
    %get3A_451 = vector.shape_cast %get3A_450 : vector<1x1x1x136xf32> to vector<136xf32>
    %reduce_sum3A_452 = arith.constant dense<0.000000e+00> : vector<99xf32>
    %reduce_sum3A_453 = vector.multi_reduction <add>, %add3A_439, %reduce_sum3A_452 [1] : vector<99x136xf32> to vector<99xf32>
    %broadcast_in_dim3A_454 = vector.shape_cast %reduce_sum3A_453 : vector<99xf32> to vector<99x1xf32>
    %div3A_455 = arith.constant 1.360000e+02 : f32
    %div3A_456 = vector.broadcast %div3A_455 : f32 to vector<99x1xf32>
    %div3A_457 = arith.divf %broadcast_in_dim3A_454, %div3A_456 : vector<99x1xf32>
    %sub3A_458 = vector.broadcast %div3A_457 : vector<99x1xf32> to vector<99x136xf32>
    %sub3A_459 = arith.subf %add3A_439, %sub3A_458 : vector<99x136xf32>
    %sub3A_460 = vector.broadcast %div3A_457 : vector<99x1xf32> to vector<99x136xf32>
    %sub3A_461 = arith.subf %add3A_439, %sub3A_460 : vector<99x136xf32>
    %mul3A_462 = arith.mulf %sub3A_459, %sub3A_461 : vector<99x136xf32>
    %reduce_sum3A_463 = arith.constant dense<0.000000e+00> : vector<99xf32>
    %reduce_sum3A_464 = vector.multi_reduction <add>, %mul3A_462, %reduce_sum3A_463 [1] : vector<99x136xf32> to vector<99xf32>
    %broadcast_in_dim3A_465 = vector.shape_cast %reduce_sum3A_464 : vector<99xf32> to vector<99x1xf32>
    %div3A_466 = arith.constant 1.360000e+02 : f32
    %div3A_467 = vector.broadcast %div3A_466 : f32 to vector<99x1xf32>
    %div3A_468 = arith.divf %broadcast_in_dim3A_465, %div3A_467 : vector<99x1xf32>
    %sub3A_469 = vector.broadcast %div3A_457 : vector<99x1xf32> to vector<99x136xf32>
    %sub3A_470 = arith.subf %add3A_439, %sub3A_469 : vector<99x136xf32>
    %add3A_471 = arith.constant 9.99999997E-7 : f32
    %add3A_472 = vector.broadcast %add3A_471 : f32 to vector<99x1xf32>
    %add3A_473 = arith.addf %div3A_468, %add3A_472 : vector<99x1xf32>
    %rsqrt3A = math.rsqrt %add3A_473 : vector<99x1xf32>
    %mul3A_474 = vector.broadcast %rsqrt3A : vector<99x1xf32> to vector<99x136xf32>
    %mul3A_475 = arith.mulf %sub3A_470, %mul3A_474 : vector<99x136xf32>
    %broadcast_in_dim3A_476 = vector.shape_cast %get3A_445 : vector<136xf32> to vector<1x136xf32>
    %mul3A_477 = vector.broadcast %broadcast_in_dim3A_476 : vector<1x136xf32> to vector<99x136xf32>
    %mul3A_478 = arith.mulf %mul3A_475, %mul3A_477 : vector<99x136xf32>
    %broadcast_in_dim3A_479 = vector.shape_cast %get3A_451 : vector<136xf32> to vector<1x136xf32>
    %add3A_480 = vector.broadcast %broadcast_in_dim3A_479 : vector<1x136xf32> to vector<99x136xf32>
    %add3A_481 = arith.addf %mul3A_478, %add3A_480 : vector<99x136xf32>
    %get3A_482 = arith.constant 0 : index
    %get3A_483 = arith.constant 0 : index
    %get3A_484 = arith.constant 0 : index
    %get3A_485 = vector.load %arg12[%get3A_482, %get3A_483, %get3A_484] : memref<2x136x544xf32, #tpu.memory_space<vmem>>, vector<1x136x544xf32>
    %get3A_486 = vector.shape_cast %get3A_485 : vector<1x136x544xf32> to vector<136x544xf32>
    %dot_general3A_487 = arith.constant dense<0.000000e+00> : vector<99x544xf32>
    %dot_general3A_488 = tpu.matmul %add3A_481, %get3A_486, %dot_general3A_487 {dimension_numbers = #tpu.dot_dimension_numbers<[1], [0], [0], [1], [0, 0, 1, 1], [], []>, transpose_lhs_hint = false} : vector<99x136xf32>, vector<136x544xf32>, vector<99x544xf32> -> vector<99x544xf32>
    %get3A_489 = arith.constant 0 : index
    %get3A_490 = arith.constant 0 : index
    %get3A_491 = vector.load %arg13[%get3A_489, %get3A_490] : memref<2x544xf32, #tpu.memory_space<vmem>>, vector<1x544xf32>
    %get3A_492 = vector.shape_cast %get3A_491 : vector<1x544xf32> to vector<544xf32>
    %broadcast_in_dim3A_493 = vector.shape_cast %get3A_492 : vector<544xf32> to vector<1x544xf32>
    %add3A_494 = vector.broadcast %broadcast_in_dim3A_493 : vector<1x544xf32> to vector<99x544xf32>
    %add3A_495 = arith.addf %dot_general3A_488, %add3A_494 : vector<99x544xf32>
    %max3A_496 = arith.constant 0.000000e+00 : f32
    %max3A_497 = vector.broadcast %max3A_496 : f32 to vector<99x544xf32>
    %max3A_498 = arith.maximumf %add3A_495, %max3A_497 : vector<99x544xf32>
    %get3A_499 = arith.constant 0 : index
    %get3A_500 = arith.constant 0 : index
    %get3A_501 = arith.constant 0 : index
    %get3A_502 = vector.load %arg14[%get3A_499, %get3A_500, %get3A_501] : memref<2x544x136xf32, #tpu.memory_space<vmem>>, vector<1x544x136xf32>
    %get3A_503 = vector.shape_cast %get3A_502 : vector<1x544x136xf32> to vector<544x136xf32>
    %dot_general3A_504 = arith.constant dense<0.000000e+00> : vector<99x136xf32>
    %dot_general3A_505 = tpu.matmul %max3A_498, %get3A_503, %dot_general3A_504 {dimension_numbers = #tpu.dot_dimension_numbers<[1], [0], [0], [1], [0, 0, 1, 1], [], []>, transpose_lhs_hint = false} : vector<99x544xf32>, vector<544x136xf32>, vector<99x136xf32> -> vector<99x136xf32>
    %get3A_506 = arith.constant 0 : index
    %get3A_507 = arith.constant 0 : index
    %get3A_508 = vector.load %arg15[%get3A_506, %get3A_507] : memref<2x136xf32, #tpu.memory_space<vmem>>, vector<1x136xf32>
    %get3A_509 = vector.shape_cast %get3A_508 : vector<1x136xf32> to vector<136xf32>
    %broadcast_in_dim3A_510 = vector.shape_cast %get3A_509 : vector<136xf32> to vector<1x136xf32>
    %add3A_511 = vector.broadcast %broadcast_in_dim3A_510 : vector<1x136xf32> to vector<99x136xf32>
    %add3A_512 = arith.addf %dot_general3A_505, %add3A_511 : vector<99x136xf32>
    %add3A_513 = arith.addf %add3A_481, %add3A_512 : vector<99x136xf32>
    %get3A_514 = arith.constant 0 : index
    %get3A_515 = arith.constant 1 : index
    %get3A_516 = arith.constant 0 : index
    %get3A_517 = arith.constant 0 : index
    %get3A_518 = vector.load %arg16[%get3A_514, %get3A_515, %get3A_516, %get3A_517] : memref<2x2x2x136xf32, #tpu.memory_space<vmem>>, vector<1x1x1x136xf32>
    %get3A_519 = vector.shape_cast %get3A_518 : vector<1x1x1x136xf32> to vector<136xf32>
    %get3A_520 = arith.constant 0 : index
    %get3A_521 = arith.constant 1 : index
    %get3A_522 = arith.constant 1 : index
    %get3A_523 = arith.constant 0 : index
    %get3A_524 = vector.load %arg16[%get3A_520, %get3A_521, %get3A_522, %get3A_523] : memref<2x2x2x136xf32, #tpu.memory_space<vmem>>, vector<1x1x1x136xf32>
    %get3A_525 = vector.shape_cast %get3A_524 : vector<1x1x1x136xf32> to vector<136xf32>
    %reduce_sum3A_526 = arith.constant dense<0.000000e+00> : vector<99xf32>
    %reduce_sum3A_527 = vector.multi_reduction <add>, %add3A_513, %reduce_sum3A_526 [1] : vector<99x136xf32> to vector<99xf32>
    %broadcast_in_dim3A_528 = vector.shape_cast %reduce_sum3A_527 : vector<99xf32> to vector<99x1xf32>
    %div3A_529 = arith.constant 1.360000e+02 : f32
    %div3A_530 = vector.broadcast %div3A_529 : f32 to vector<99x1xf32>
    %div3A_531 = arith.divf %broadcast_in_dim3A_528, %div3A_530 : vector<99x1xf32>
    %sub3A_532 = vector.broadcast %div3A_531 : vector<99x1xf32> to vector<99x136xf32>
    %sub3A_533 = arith.subf %add3A_513, %sub3A_532 : vector<99x136xf32>
    %sub3A_534 = vector.broadcast %div3A_531 : vector<99x1xf32> to vector<99x136xf32>
    %sub3A_535 = arith.subf %add3A_513, %sub3A_534 : vector<99x136xf32>
    %mul3A_536 = arith.mulf %sub3A_533, %sub3A_535 : vector<99x136xf32>
    %reduce_sum3A_537 = arith.constant dense<0.000000e+00> : vector<99xf32>
    %reduce_sum3A_538 = vector.multi_reduction <add>, %mul3A_536, %reduce_sum3A_537 [1] : vector<99x136xf32> to vector<99xf32>
    %broadcast_in_dim3A_539 = vector.shape_cast %reduce_sum3A_538 : vector<99xf32> to vector<99x1xf32>
    %div3A_540 = arith.constant 1.360000e+02 : f32
    %div3A_541 = vector.broadcast %div3A_540 : f32 to vector<99x1xf32>
    %div3A_542 = arith.divf %broadcast_in_dim3A_539, %div3A_541 : vector<99x1xf32>
    %sub3A_543 = vector.broadcast %div3A_531 : vector<99x1xf32> to vector<99x136xf32>
    %sub3A_544 = arith.subf %add3A_513, %sub3A_543 : vector<99x136xf32>
    %add3A_545 = arith.constant 9.99999997E-7 : f32
    %add3A_546 = vector.broadcast %add3A_545 : f32 to vector<99x1xf32>
    %add3A_547 = arith.addf %div3A_542, %add3A_546 : vector<99x1xf32>
    %rsqrt3A_548 = math.rsqrt %add3A_547 : vector<99x1xf32>
    %mul3A_549 = vector.broadcast %rsqrt3A_548 : vector<99x1xf32> to vector<99x136xf32>
    %mul3A_550 = arith.mulf %sub3A_544, %mul3A_549 : vector<99x136xf32>
    %broadcast_in_dim3A_551 = vector.shape_cast %get3A_519 : vector<136xf32> to vector<1x136xf32>
    %mul3A_552 = vector.broadcast %broadcast_in_dim3A_551 : vector<1x136xf32> to vector<99x136xf32>
    %mul3A_553 = arith.mulf %mul3A_550, %mul3A_552 : vector<99x136xf32>
    %broadcast_in_dim3A_554 = vector.shape_cast %get3A_525 : vector<136xf32> to vector<1x136xf32>
    %add3A_555 = vector.broadcast %broadcast_in_dim3A_554 : vector<1x136xf32> to vector<99x136xf32>
    %add3A_556 = arith.addf %mul3A_553, %add3A_555 : vector<99x136xf32>
    %get3A_557 = arith.constant 1 : index
    %get3A_558 = arith.constant 0 : index
    %get3A_559 = arith.constant 0 : index
    %get3A_560 = arith.constant 0 : index
    %get3A_561 = vector.load %arg11[%get3A_557, %get3A_558, %get3A_559, %get3A_560] : memref<2x4x136x136xf32, #tpu.memory_space<vmem>>, vector<1x1x136x136xf32>
    %get3A_562 = vector.shape_cast %get3A_561 : vector<1x1x136x136xf32> to vector<136x136xf32>
    %get3A_563 = arith.constant 1 : index
    %get3A_564 = arith.constant 1 : index
    %get3A_565 = arith.constant 0 : index
    %get3A_566 = arith.constant 0 : index
    %get3A_567 = vector.load %arg11[%get3A_563, %get3A_564, %get3A_565, %get3A_566] : memref<2x4x136x136xf32, #tpu.memory_space<vmem>>, vector<1x1x136x136xf32>
    %get3A_568 = vector.shape_cast %get3A_567 : vector<1x1x136x136xf32> to vector<136x136xf32>
    %get3A_569 = arith.constant 1 : index
    %get3A_570 = arith.constant 2 : index
    %get3A_571 = arith.constant 0 : index
    %get3A_572 = arith.constant 0 : index
    %get3A_573 = vector.load %arg11[%get3A_569, %get3A_570, %get3A_571, %get3A_572] : memref<2x4x136x136xf32, #tpu.memory_space<vmem>>, vector<1x1x136x136xf32>
    %get3A_574 = vector.shape_cast %get3A_573 : vector<1x1x136x136xf32> to vector<136x136xf32>
    %get3A_575 = arith.constant 1 : index
    %get3A_576 = arith.constant 3 : index
    %get3A_577 = arith.constant 0 : index
    %get3A_578 = arith.constant 0 : index
    %get3A_579 = vector.load %arg11[%get3A_575, %get3A_576, %get3A_577, %get3A_578] : memref<2x4x136x136xf32, #tpu.memory_space<vmem>>, vector<1x1x136x136xf32>
    %get3A_580 = vector.shape_cast %get3A_579 : vector<1x1x136x136xf32> to vector<136x136xf32>
    %dot_general3A_581 = arith.constant dense<0.000000e+00> : vector<99x136xf32>
    %dot_general3A_582 = tpu.matmul %concatenate3A_105, %get3A_562, %dot_general3A_581 {dimension_numbers = #tpu.dot_dimension_numbers<[1], [0], [0], [1], [0, 0, 1, 1], [], []>, transpose_lhs_hint = false} : vector<99x136xf32>, vector<136x136xf32>, vector<99x136xf32> -> vector<99x136xf32>
    %dot_general3A_583 = arith.constant dense<0.000000e+00> : vector<99x136xf32>
    %dot_general3A_584 = tpu.matmul %concatenate3A_105, %get3A_568, %dot_general3A_583 {dimension_numbers = #tpu.dot_dimension_numbers<[1], [0], [0], [1], [0, 0, 1, 1], [], []>, transpose_lhs_hint = false} : vector<99x136xf32>, vector<136x136xf32>, vector<99x136xf32> -> vector<99x136xf32>
    %dot_general3A_585 = arith.constant dense<0.000000e+00> : vector<99x136xf32>
    %dot_general3A_586 = tpu.matmul %concatenate3A_105, %get3A_574, %dot_general3A_585 {dimension_numbers = #tpu.dot_dimension_numbers<[1], [0], [0], [1], [0, 0, 1, 1], [], []>, transpose_lhs_hint = false} : vector<99x136xf32>, vector<136x136xf32>, vector<99x136xf32> -> vector<99x136xf32>
    %broadcast_in_dim3A_587 = arith.constant 0.000000e+00 : f32
    %broadcast_in_dim3A_588 = vector.broadcast %broadcast_in_dim3A_587 : f32 to vector<99x136xf32>
    %ge3A_589 = arith.constant 0 : i32
    %ge3A_590 = vector.broadcast %ge3A_589 : i32 to vector<1x136xi32>
    %ge3A_591 = arith.cmpi sge, %iota3A, %ge3A_590 : vector<1x136xi32>
    %lt3A_592 = arith.constant 17 : i32
    %lt3A_593 = vector.broadcast %lt3A_592 : i32 to vector<1x136xi32>
    %lt3A_594 = arith.cmpi slt, %iota3A, %lt3A_593 : vector<1x136xi32>
    %and3A_595 = arith.andi %ge3A_591, %lt3A_594 : vector<1x136xi1>
    %convert_element_type3A_596 = arith.extui %and3A_595 : vector<1x136xi1> to vector<1x136xi32>
    %convert_element_type3A_597 = arith.sitofp %convert_element_type3A_596 : vector<1x136xi32> to vector<1x136xf32>
    %mul3A_598 = vector.broadcast %convert_element_type3A_597 : vector<1x136xf32> to vector<99x136xf32>
    %mul3A_599 = arith.mulf %dot_general3A_582, %mul3A_598 : vector<99x136xf32>
    %dot_general3A_600 = arith.constant dense<0.000000e+00> : vector<99x99xf32>
    %dot_general3A_601 = tpu.matmul %mul3A_599, %dot_general3A_584, %dot_general3A_600 {dimension_numbers = #tpu.dot_dimension_numbers<[1], [1], [0], [0], [0, 0, 1, 0], [], []>, transpose_lhs_hint = false} : vector<99x136xf32>, vector<99x136xf32>, vector<99x99xf32> -> vector<99x99xf32>
    %mul3A_602 = arith.constant 0.242535621 : f32
    %mul3A_603 = vector.broadcast %mul3A_602 : f32 to vector<99x99xf32>
    %mul3A_604 = arith.mulf %dot_general3A_601, %mul3A_603 : vector<99x99xf32>
    %jit3A_605 = arith.constant -1.000000e+09 : f32
    %broadcast_in_dim3A_606 = vector.shape_cast %eq3A_113 : vector<1x99xi1> to vector<1x99xi1>
    %broadcast_in_dim3A_607 = vector.broadcast %broadcast_in_dim3A_606 : vector<1x99xi1> to vector<99x99xi1>
    %broadcast_in_dim3A_608 = vector.broadcast %jit3A_605 : f32 to vector<99x99xf32>
    %select_n3A_609 = arith.select %broadcast_in_dim3A_607, %broadcast_in_dim3A_608, %mul3A_604 : vector<99x99xi1>, vector<99x99xf32>
    %reduce_max3A_610 = arith.constant dense<0xFF800000> : vector<99xf32>
    %reduce_max3A_611 = vector.multi_reduction <maximumf>, %select_n3A_609, %reduce_max3A_610 [1] : vector<99x99xf32> to vector<99xf32>
    %broadcast_in_dim3A_612 = vector.shape_cast %reduce_max3A_611 : vector<99xf32> to vector<99x1xf32>
    %sub3A_613 = vector.broadcast %broadcast_in_dim3A_612 : vector<99x1xf32> to vector<99x99xf32>
    %sub3A_614 = arith.subf %select_n3A_609, %sub3A_613 : vector<99x99xf32>
    %exp3A_615 = math.exp %sub3A_614 : vector<99x99xf32>
    %reduce_sum3A_616 = arith.constant dense<0.000000e+00> : vector<99xf32>
    %reduce_sum3A_617 = vector.multi_reduction <add>, %exp3A_615, %reduce_sum3A_616 [1] : vector<99x99xf32> to vector<99xf32>
    %broadcast_in_dim3A_618 = vector.shape_cast %reduce_sum3A_617 : vector<99xf32> to vector<99x1xf32>
    %div3A_619 = vector.broadcast %broadcast_in_dim3A_618 : vector<99x1xf32> to vector<99x99xf32>
    %div3A_620 = arith.divf %exp3A_615, %div3A_619 : vector<99x99xf32>
    %mul3A_621 = vector.broadcast %convert_element_type3A_597 : vector<1x136xf32> to vector<99x136xf32>
    %mul3A_622 = arith.mulf %dot_general3A_586, %mul3A_621 : vector<99x136xf32>
    %dot_general3A_623 = arith.constant dense<0.000000e+00> : vector<99x136xf32>
    %dot_general3A_624 = tpu.matmul %div3A_620, %mul3A_622, %dot_general3A_623 {dimension_numbers = #tpu.dot_dimension_numbers<[1], [0], [0], [1], [0, 0, 1, 1], [], []>, transpose_lhs_hint = false} : vector<99x99xf32>, vector<99x136xf32>, vector<99x136xf32> -> vector<99x136xf32>
    %add3A_625 = arith.addf %broadcast_in_dim3A_588, %dot_general3A_624 : vector<99x136xf32>
    %ge3A_626 = arith.constant 17 : i32
    %ge3A_627 = vector.broadcast %ge3A_626 : i32 to vector<1x136xi32>
    %ge3A_628 = arith.cmpi sge, %iota3A, %ge3A_627 : vector<1x136xi32>
    %lt3A_629 = arith.constant 34 : i32
    %lt3A_630 = vector.broadcast %lt3A_629 : i32 to vector<1x136xi32>
    %lt3A_631 = arith.cmpi slt, %iota3A, %lt3A_630 : vector<1x136xi32>
    %and3A_632 = arith.andi %ge3A_628, %lt3A_631 : vector<1x136xi1>
    %convert_element_type3A_633 = arith.extui %and3A_632 : vector<1x136xi1> to vector<1x136xi32>
    %convert_element_type3A_634 = arith.sitofp %convert_element_type3A_633 : vector<1x136xi32> to vector<1x136xf32>
    %mul3A_635 = vector.broadcast %convert_element_type3A_634 : vector<1x136xf32> to vector<99x136xf32>
    %mul3A_636 = arith.mulf %dot_general3A_582, %mul3A_635 : vector<99x136xf32>
    %dot_general3A_637 = arith.constant dense<0.000000e+00> : vector<99x99xf32>
    %dot_general3A_638 = tpu.matmul %mul3A_636, %dot_general3A_584, %dot_general3A_637 {dimension_numbers = #tpu.dot_dimension_numbers<[1], [1], [0], [0], [0, 0, 1, 0], [], []>, transpose_lhs_hint = false} : vector<99x136xf32>, vector<99x136xf32>, vector<99x99xf32> -> vector<99x99xf32>
    %mul3A_639 = arith.constant 0.242535621 : f32
    %mul3A_640 = vector.broadcast %mul3A_639 : f32 to vector<99x99xf32>
    %mul3A_641 = arith.mulf %dot_general3A_638, %mul3A_640 : vector<99x99xf32>
    %jit3A_642 = arith.constant -1.000000e+09 : f32
    %broadcast_in_dim3A_643 = vector.shape_cast %eq3A_113 : vector<1x99xi1> to vector<1x99xi1>
    %broadcast_in_dim3A_644 = vector.broadcast %broadcast_in_dim3A_643 : vector<1x99xi1> to vector<99x99xi1>
    %broadcast_in_dim3A_645 = vector.broadcast %jit3A_642 : f32 to vector<99x99xf32>
    %select_n3A_646 = arith.select %broadcast_in_dim3A_644, %broadcast_in_dim3A_645, %mul3A_641 : vector<99x99xi1>, vector<99x99xf32>
    %reduce_max3A_647 = arith.constant dense<0xFF800000> : vector<99xf32>
    %reduce_max3A_648 = vector.multi_reduction <maximumf>, %select_n3A_646, %reduce_max3A_647 [1] : vector<99x99xf32> to vector<99xf32>
    %broadcast_in_dim3A_649 = vector.shape_cast %reduce_max3A_648 : vector<99xf32> to vector<99x1xf32>
    %sub3A_650 = vector.broadcast %broadcast_in_dim3A_649 : vector<99x1xf32> to vector<99x99xf32>
    %sub3A_651 = arith.subf %select_n3A_646, %sub3A_650 : vector<99x99xf32>
    %exp3A_652 = math.exp %sub3A_651 : vector<99x99xf32>
    %reduce_sum3A_653 = arith.constant dense<0.000000e+00> : vector<99xf32>
    %reduce_sum3A_654 = vector.multi_reduction <add>, %exp3A_652, %reduce_sum3A_653 [1] : vector<99x99xf32> to vector<99xf32>
    %broadcast_in_dim3A_655 = vector.shape_cast %reduce_sum3A_654 : vector<99xf32> to vector<99x1xf32>
    %div3A_656 = vector.broadcast %broadcast_in_dim3A_655 : vector<99x1xf32> to vector<99x99xf32>
    %div3A_657 = arith.divf %exp3A_652, %div3A_656 : vector<99x99xf32>
    %mul3A_658 = vector.broadcast %convert_element_type3A_634 : vector<1x136xf32> to vector<99x136xf32>
    %mul3A_659 = arith.mulf %dot_general3A_586, %mul3A_658 : vector<99x136xf32>
    %dot_general3A_660 = arith.constant dense<0.000000e+00> : vector<99x136xf32>
    %dot_general3A_661 = tpu.matmul %div3A_657, %mul3A_659, %dot_general3A_660 {dimension_numbers = #tpu.dot_dimension_numbers<[1], [0], [0], [1], [0, 0, 1, 1], [], []>, transpose_lhs_hint = false} : vector<99x99xf32>, vector<99x136xf32>, vector<99x136xf32> -> vector<99x136xf32>
    %add3A_662 = arith.addf %add3A_625, %dot_general3A_661 : vector<99x136xf32>
    %ge3A_663 = arith.constant 34 : i32
    %ge3A_664 = vector.broadcast %ge3A_663 : i32 to vector<1x136xi32>
    %ge3A_665 = arith.cmpi sge, %iota3A, %ge3A_664 : vector<1x136xi32>
    %lt3A_666 = arith.constant 51 : i32
    %lt3A_667 = vector.broadcast %lt3A_666 : i32 to vector<1x136xi32>
    %lt3A_668 = arith.cmpi slt, %iota3A, %lt3A_667 : vector<1x136xi32>
    %and3A_669 = arith.andi %ge3A_665, %lt3A_668 : vector<1x136xi1>
    %convert_element_type3A_670 = arith.extui %and3A_669 : vector<1x136xi1> to vector<1x136xi32>
    %convert_element_type3A_671 = arith.sitofp %convert_element_type3A_670 : vector<1x136xi32> to vector<1x136xf32>
    %mul3A_672 = vector.broadcast %convert_element_type3A_671 : vector<1x136xf32> to vector<99x136xf32>
    %mul3A_673 = arith.mulf %dot_general3A_582, %mul3A_672 : vector<99x136xf32>
    %dot_general3A_674 = arith.constant dense<0.000000e+00> : vector<99x99xf32>
    %dot_general3A_675 = tpu.matmul %mul3A_673, %dot_general3A_584, %dot_general3A_674 {dimension_numbers = #tpu.dot_dimension_numbers<[1], [1], [0], [0], [0, 0, 1, 0], [], []>, transpose_lhs_hint = false} : vector<99x136xf32>, vector<99x136xf32>, vector<99x99xf32> -> vector<99x99xf32>
    %mul3A_676 = arith.constant 0.242535621 : f32
    %mul3A_677 = vector.broadcast %mul3A_676 : f32 to vector<99x99xf32>
    %mul3A_678 = arith.mulf %dot_general3A_675, %mul3A_677 : vector<99x99xf32>
    %jit3A_679 = arith.constant -1.000000e+09 : f32
    %broadcast_in_dim3A_680 = vector.shape_cast %eq3A_113 : vector<1x99xi1> to vector<1x99xi1>
    %broadcast_in_dim3A_681 = vector.broadcast %broadcast_in_dim3A_680 : vector<1x99xi1> to vector<99x99xi1>
    %broadcast_in_dim3A_682 = vector.broadcast %jit3A_679 : f32 to vector<99x99xf32>
    %select_n3A_683 = arith.select %broadcast_in_dim3A_681, %broadcast_in_dim3A_682, %mul3A_678 : vector<99x99xi1>, vector<99x99xf32>
    %reduce_max3A_684 = arith.constant dense<0xFF800000> : vector<99xf32>
    %reduce_max3A_685 = vector.multi_reduction <maximumf>, %select_n3A_683, %reduce_max3A_684 [1] : vector<99x99xf32> to vector<99xf32>
    %broadcast_in_dim3A_686 = vector.shape_cast %reduce_max3A_685 : vector<99xf32> to vector<99x1xf32>
    %sub3A_687 = vector.broadcast %broadcast_in_dim3A_686 : vector<99x1xf32> to vector<99x99xf32>
    %sub3A_688 = arith.subf %select_n3A_683, %sub3A_687 : vector<99x99xf32>
    %exp3A_689 = math.exp %sub3A_688 : vector<99x99xf32>
    %reduce_sum3A_690 = arith.constant dense<0.000000e+00> : vector<99xf32>
    %reduce_sum3A_691 = vector.multi_reduction <add>, %exp3A_689, %reduce_sum3A_690 [1] : vector<99x99xf32> to vector<99xf32>
    %broadcast_in_dim3A_692 = vector.shape_cast %reduce_sum3A_691 : vector<99xf32> to vector<99x1xf32>
    %div3A_693 = vector.broadcast %broadcast_in_dim3A_692 : vector<99x1xf32> to vector<99x99xf32>
    %div3A_694 = arith.divf %exp3A_689, %div3A_693 : vector<99x99xf32>
    %mul3A_695 = vector.broadcast %convert_element_type3A_671 : vector<1x136xf32> to vector<99x136xf32>
    %mul3A_696 = arith.mulf %dot_general3A_586, %mul3A_695 : vector<99x136xf32>
    %dot_general3A_697 = arith.constant dense<0.000000e+00> : vector<99x136xf32>
    %dot_general3A_698 = tpu.matmul %div3A_694, %mul3A_696, %dot_general3A_697 {dimension_numbers = #tpu.dot_dimension_numbers<[1], [0], [0], [1], [0, 0, 1, 1], [], []>, transpose_lhs_hint = false} : vector<99x99xf32>, vector<99x136xf32>, vector<99x136xf32> -> vector<99x136xf32>
    %add3A_699 = arith.addf %add3A_662, %dot_general3A_698 : vector<99x136xf32>
    %ge3A_700 = arith.constant 51 : i32
    %ge3A_701 = vector.broadcast %ge3A_700 : i32 to vector<1x136xi32>
    %ge3A_702 = arith.cmpi sge, %iota3A, %ge3A_701 : vector<1x136xi32>
    %lt3A_703 = arith.constant 68 : i32
    %lt3A_704 = vector.broadcast %lt3A_703 : i32 to vector<1x136xi32>
    %lt3A_705 = arith.cmpi slt, %iota3A, %lt3A_704 : vector<1x136xi32>
    %and3A_706 = arith.andi %ge3A_702, %lt3A_705 : vector<1x136xi1>
    %convert_element_type3A_707 = arith.extui %and3A_706 : vector<1x136xi1> to vector<1x136xi32>
    %convert_element_type3A_708 = arith.sitofp %convert_element_type3A_707 : vector<1x136xi32> to vector<1x136xf32>
    %mul3A_709 = vector.broadcast %convert_element_type3A_708 : vector<1x136xf32> to vector<99x136xf32>
    %mul3A_710 = arith.mulf %dot_general3A_582, %mul3A_709 : vector<99x136xf32>
    %dot_general3A_711 = arith.constant dense<0.000000e+00> : vector<99x99xf32>
    %dot_general3A_712 = tpu.matmul %mul3A_710, %dot_general3A_584, %dot_general3A_711 {dimension_numbers = #tpu.dot_dimension_numbers<[1], [1], [0], [0], [0, 0, 1, 0], [], []>, transpose_lhs_hint = false} : vector<99x136xf32>, vector<99x136xf32>, vector<99x99xf32> -> vector<99x99xf32>
    %mul3A_713 = arith.constant 0.242535621 : f32
    %mul3A_714 = vector.broadcast %mul3A_713 : f32 to vector<99x99xf32>
    %mul3A_715 = arith.mulf %dot_general3A_712, %mul3A_714 : vector<99x99xf32>
    %jit3A_716 = arith.constant -1.000000e+09 : f32
    %broadcast_in_dim3A_717 = vector.shape_cast %eq3A_113 : vector<1x99xi1> to vector<1x99xi1>
    %broadcast_in_dim3A_718 = vector.broadcast %broadcast_in_dim3A_717 : vector<1x99xi1> to vector<99x99xi1>
    %broadcast_in_dim3A_719 = vector.broadcast %jit3A_716 : f32 to vector<99x99xf32>
    %select_n3A_720 = arith.select %broadcast_in_dim3A_718, %broadcast_in_dim3A_719, %mul3A_715 : vector<99x99xi1>, vector<99x99xf32>
    %reduce_max3A_721 = arith.constant dense<0xFF800000> : vector<99xf32>
    %reduce_max3A_722 = vector.multi_reduction <maximumf>, %select_n3A_720, %reduce_max3A_721 [1] : vector<99x99xf32> to vector<99xf32>
    %broadcast_in_dim3A_723 = vector.shape_cast %reduce_max3A_722 : vector<99xf32> to vector<99x1xf32>
    %sub3A_724 = vector.broadcast %broadcast_in_dim3A_723 : vector<99x1xf32> to vector<99x99xf32>
    %sub3A_725 = arith.subf %select_n3A_720, %sub3A_724 : vector<99x99xf32>
    %exp3A_726 = math.exp %sub3A_725 : vector<99x99xf32>
    %reduce_sum3A_727 = arith.constant dense<0.000000e+00> : vector<99xf32>
    %reduce_sum3A_728 = vector.multi_reduction <add>, %exp3A_726, %reduce_sum3A_727 [1] : vector<99x99xf32> to vector<99xf32>
    %broadcast_in_dim3A_729 = vector.shape_cast %reduce_sum3A_728 : vector<99xf32> to vector<99x1xf32>
    %div3A_730 = vector.broadcast %broadcast_in_dim3A_729 : vector<99x1xf32> to vector<99x99xf32>
    %div3A_731 = arith.divf %exp3A_726, %div3A_730 : vector<99x99xf32>
    %mul3A_732 = vector.broadcast %convert_element_type3A_708 : vector<1x136xf32> to vector<99x136xf32>
    %mul3A_733 = arith.mulf %dot_general3A_586, %mul3A_732 : vector<99x136xf32>
    %dot_general3A_734 = arith.constant dense<0.000000e+00> : vector<99x136xf32>
    %dot_general3A_735 = tpu.matmul %div3A_731, %mul3A_733, %dot_general3A_734 {dimension_numbers = #tpu.dot_dimension_numbers<[1], [0], [0], [1], [0, 0, 1, 1], [], []>, transpose_lhs_hint = false} : vector<99x99xf32>, vector<99x136xf32>, vector<99x136xf32> -> vector<99x136xf32>
    %add3A_736 = arith.addf %add3A_699, %dot_general3A_735 : vector<99x136xf32>
    %ge3A_737 = arith.constant 68 : i32
    %ge3A_738 = vector.broadcast %ge3A_737 : i32 to vector<1x136xi32>
    %ge3A_739 = arith.cmpi sge, %iota3A, %ge3A_738 : vector<1x136xi32>
    %lt3A_740 = arith.constant 85 : i32
    %lt3A_741 = vector.broadcast %lt3A_740 : i32 to vector<1x136xi32>
    %lt3A_742 = arith.cmpi slt, %iota3A, %lt3A_741 : vector<1x136xi32>
    %and3A_743 = arith.andi %ge3A_739, %lt3A_742 : vector<1x136xi1>
    %convert_element_type3A_744 = arith.extui %and3A_743 : vector<1x136xi1> to vector<1x136xi32>
    %convert_element_type3A_745 = arith.sitofp %convert_element_type3A_744 : vector<1x136xi32> to vector<1x136xf32>
    %mul3A_746 = vector.broadcast %convert_element_type3A_745 : vector<1x136xf32> to vector<99x136xf32>
    %mul3A_747 = arith.mulf %dot_general3A_582, %mul3A_746 : vector<99x136xf32>
    %dot_general3A_748 = arith.constant dense<0.000000e+00> : vector<99x99xf32>
    %dot_general3A_749 = tpu.matmul %mul3A_747, %dot_general3A_584, %dot_general3A_748 {dimension_numbers = #tpu.dot_dimension_numbers<[1], [1], [0], [0], [0, 0, 1, 0], [], []>, transpose_lhs_hint = false} : vector<99x136xf32>, vector<99x136xf32>, vector<99x99xf32> -> vector<99x99xf32>
    %mul3A_750 = arith.constant 0.242535621 : f32
    %mul3A_751 = vector.broadcast %mul3A_750 : f32 to vector<99x99xf32>
    %mul3A_752 = arith.mulf %dot_general3A_749, %mul3A_751 : vector<99x99xf32>
    %jit3A_753 = arith.constant -1.000000e+09 : f32
    %broadcast_in_dim3A_754 = vector.shape_cast %eq3A_113 : vector<1x99xi1> to vector<1x99xi1>
    %broadcast_in_dim3A_755 = vector.broadcast %broadcast_in_dim3A_754 : vector<1x99xi1> to vector<99x99xi1>
    %broadcast_in_dim3A_756 = vector.broadcast %jit3A_753 : f32 to vector<99x99xf32>
    %select_n3A_757 = arith.select %broadcast_in_dim3A_755, %broadcast_in_dim3A_756, %mul3A_752 : vector<99x99xi1>, vector<99x99xf32>
    %reduce_max3A_758 = arith.constant dense<0xFF800000> : vector<99xf32>
    %reduce_max3A_759 = vector.multi_reduction <maximumf>, %select_n3A_757, %reduce_max3A_758 [1] : vector<99x99xf32> to vector<99xf32>
    %broadcast_in_dim3A_760 = vector.shape_cast %reduce_max3A_759 : vector<99xf32> to vector<99x1xf32>
    %sub3A_761 = vector.broadcast %broadcast_in_dim3A_760 : vector<99x1xf32> to vector<99x99xf32>
    %sub3A_762 = arith.subf %select_n3A_757, %sub3A_761 : vector<99x99xf32>
    %exp3A_763 = math.exp %sub3A_762 : vector<99x99xf32>
    %reduce_sum3A_764 = arith.constant dense<0.000000e+00> : vector<99xf32>
    %reduce_sum3A_765 = vector.multi_reduction <add>, %exp3A_763, %reduce_sum3A_764 [1] : vector<99x99xf32> to vector<99xf32>
    %broadcast_in_dim3A_766 = vector.shape_cast %reduce_sum3A_765 : vector<99xf32> to vector<99x1xf32>
    %div3A_767 = vector.broadcast %broadcast_in_dim3A_766 : vector<99x1xf32> to vector<99x99xf32>
    %div3A_768 = arith.divf %exp3A_763, %div3A_767 : vector<99x99xf32>
    %mul3A_769 = vector.broadcast %convert_element_type3A_745 : vector<1x136xf32> to vector<99x136xf32>
    %mul3A_770 = arith.mulf %dot_general3A_586, %mul3A_769 : vector<99x136xf32>
    %dot_general3A_771 = arith.constant dense<0.000000e+00> : vector<99x136xf32>
    %dot_general3A_772 = tpu.matmul %div3A_768, %mul3A_770, %dot_general3A_771 {dimension_numbers = #tpu.dot_dimension_numbers<[1], [0], [0], [1], [0, 0, 1, 1], [], []>, transpose_lhs_hint = false} : vector<99x99xf32>, vector<99x136xf32>, vector<99x136xf32> -> vector<99x136xf32>
    %add3A_773 = arith.addf %add3A_736, %dot_general3A_772 : vector<99x136xf32>
    %ge3A_774 = arith.constant 85 : i32
    %ge3A_775 = vector.broadcast %ge3A_774 : i32 to vector<1x136xi32>
    %ge3A_776 = arith.cmpi sge, %iota3A, %ge3A_775 : vector<1x136xi32>
    %lt3A_777 = arith.constant 102 : i32
    %lt3A_778 = vector.broadcast %lt3A_777 : i32 to vector<1x136xi32>
    %lt3A_779 = arith.cmpi slt, %iota3A, %lt3A_778 : vector<1x136xi32>
    %and3A_780 = arith.andi %ge3A_776, %lt3A_779 : vector<1x136xi1>
    %convert_element_type3A_781 = arith.extui %and3A_780 : vector<1x136xi1> to vector<1x136xi32>
    %convert_element_type3A_782 = arith.sitofp %convert_element_type3A_781 : vector<1x136xi32> to vector<1x136xf32>
    %mul3A_783 = vector.broadcast %convert_element_type3A_782 : vector<1x136xf32> to vector<99x136xf32>
    %mul3A_784 = arith.mulf %dot_general3A_582, %mul3A_783 : vector<99x136xf32>
    %dot_general3A_785 = arith.constant dense<0.000000e+00> : vector<99x99xf32>
    %dot_general3A_786 = tpu.matmul %mul3A_784, %dot_general3A_584, %dot_general3A_785 {dimension_numbers = #tpu.dot_dimension_numbers<[1], [1], [0], [0], [0, 0, 1, 0], [], []>, transpose_lhs_hint = false} : vector<99x136xf32>, vector<99x136xf32>, vector<99x99xf32> -> vector<99x99xf32>
    %mul3A_787 = arith.constant 0.242535621 : f32
    %mul3A_788 = vector.broadcast %mul3A_787 : f32 to vector<99x99xf32>
    %mul3A_789 = arith.mulf %dot_general3A_786, %mul3A_788 : vector<99x99xf32>
    %jit3A_790 = arith.constant -1.000000e+09 : f32
    %broadcast_in_dim3A_791 = vector.shape_cast %eq3A_113 : vector<1x99xi1> to vector<1x99xi1>
    %broadcast_in_dim3A_792 = vector.broadcast %broadcast_in_dim3A_791 : vector<1x99xi1> to vector<99x99xi1>
    %broadcast_in_dim3A_793 = vector.broadcast %jit3A_790 : f32 to vector<99x99xf32>
    %select_n3A_794 = arith.select %broadcast_in_dim3A_792, %broadcast_in_dim3A_793, %mul3A_789 : vector<99x99xi1>, vector<99x99xf32>
    %reduce_max3A_795 = arith.constant dense<0xFF800000> : vector<99xf32>
    %reduce_max3A_796 = vector.multi_reduction <maximumf>, %select_n3A_794, %reduce_max3A_795 [1] : vector<99x99xf32> to vector<99xf32>
    %broadcast_in_dim3A_797 = vector.shape_cast %reduce_max3A_796 : vector<99xf32> to vector<99x1xf32>
    %sub3A_798 = vector.broadcast %broadcast_in_dim3A_797 : vector<99x1xf32> to vector<99x99xf32>
    %sub3A_799 = arith.subf %select_n3A_794, %sub3A_798 : vector<99x99xf32>
    %exp3A_800 = math.exp %sub3A_799 : vector<99x99xf32>
    %reduce_sum3A_801 = arith.constant dense<0.000000e+00> : vector<99xf32>
    %reduce_sum3A_802 = vector.multi_reduction <add>, %exp3A_800, %reduce_sum3A_801 [1] : vector<99x99xf32> to vector<99xf32>
    %broadcast_in_dim3A_803 = vector.shape_cast %reduce_sum3A_802 : vector<99xf32> to vector<99x1xf32>
    %div3A_804 = vector.broadcast %broadcast_in_dim3A_803 : vector<99x1xf32> to vector<99x99xf32>
    %div3A_805 = arith.divf %exp3A_800, %div3A_804 : vector<99x99xf32>
    %mul3A_806 = vector.broadcast %convert_element_type3A_782 : vector<1x136xf32> to vector<99x136xf32>
    %mul3A_807 = arith.mulf %dot_general3A_586, %mul3A_806 : vector<99x136xf32>
    %dot_general3A_808 = arith.constant dense<0.000000e+00> : vector<99x136xf32>
    %dot_general3A_809 = tpu.matmul %div3A_805, %mul3A_807, %dot_general3A_808 {dimension_numbers = #tpu.dot_dimension_numbers<[1], [0], [0], [1], [0, 0, 1, 1], [], []>, transpose_lhs_hint = false} : vector<99x99xf32>, vector<99x136xf32>, vector<99x136xf32> -> vector<99x136xf32>
    %add3A_810 = arith.addf %add3A_773, %dot_general3A_809 : vector<99x136xf32>
    %ge3A_811 = arith.constant 102 : i32
    %ge3A_812 = vector.broadcast %ge3A_811 : i32 to vector<1x136xi32>
    %ge3A_813 = arith.cmpi sge, %iota3A, %ge3A_812 : vector<1x136xi32>
    %lt3A_814 = arith.constant 119 : i32
    %lt3A_815 = vector.broadcast %lt3A_814 : i32 to vector<1x136xi32>
    %lt3A_816 = arith.cmpi slt, %iota3A, %lt3A_815 : vector<1x136xi32>
    %and3A_817 = arith.andi %ge3A_813, %lt3A_816 : vector<1x136xi1>
    %convert_element_type3A_818 = arith.extui %and3A_817 : vector<1x136xi1> to vector<1x136xi32>
    %convert_element_type3A_819 = arith.sitofp %convert_element_type3A_818 : vector<1x136xi32> to vector<1x136xf32>
    %mul3A_820 = vector.broadcast %convert_element_type3A_819 : vector<1x136xf32> to vector<99x136xf32>
    %mul3A_821 = arith.mulf %dot_general3A_582, %mul3A_820 : vector<99x136xf32>
    %dot_general3A_822 = arith.constant dense<0.000000e+00> : vector<99x99xf32>
    %dot_general3A_823 = tpu.matmul %mul3A_821, %dot_general3A_584, %dot_general3A_822 {dimension_numbers = #tpu.dot_dimension_numbers<[1], [1], [0], [0], [0, 0, 1, 0], [], []>, transpose_lhs_hint = false} : vector<99x136xf32>, vector<99x136xf32>, vector<99x99xf32> -> vector<99x99xf32>
    %mul3A_824 = arith.constant 0.242535621 : f32
    %mul3A_825 = vector.broadcast %mul3A_824 : f32 to vector<99x99xf32>
    %mul3A_826 = arith.mulf %dot_general3A_823, %mul3A_825 : vector<99x99xf32>
    %jit3A_827 = arith.constant -1.000000e+09 : f32
    %broadcast_in_dim3A_828 = vector.shape_cast %eq3A_113 : vector<1x99xi1> to vector<1x99xi1>
    %broadcast_in_dim3A_829 = vector.broadcast %broadcast_in_dim3A_828 : vector<1x99xi1> to vector<99x99xi1>
    %broadcast_in_dim3A_830 = vector.broadcast %jit3A_827 : f32 to vector<99x99xf32>
    %select_n3A_831 = arith.select %broadcast_in_dim3A_829, %broadcast_in_dim3A_830, %mul3A_826 : vector<99x99xi1>, vector<99x99xf32>
    %reduce_max3A_832 = arith.constant dense<0xFF800000> : vector<99xf32>
    %reduce_max3A_833 = vector.multi_reduction <maximumf>, %select_n3A_831, %reduce_max3A_832 [1] : vector<99x99xf32> to vector<99xf32>
    %broadcast_in_dim3A_834 = vector.shape_cast %reduce_max3A_833 : vector<99xf32> to vector<99x1xf32>
    %sub3A_835 = vector.broadcast %broadcast_in_dim3A_834 : vector<99x1xf32> to vector<99x99xf32>
    %sub3A_836 = arith.subf %select_n3A_831, %sub3A_835 : vector<99x99xf32>
    %exp3A_837 = math.exp %sub3A_836 : vector<99x99xf32>
    %reduce_sum3A_838 = arith.constant dense<0.000000e+00> : vector<99xf32>
    %reduce_sum3A_839 = vector.multi_reduction <add>, %exp3A_837, %reduce_sum3A_838 [1] : vector<99x99xf32> to vector<99xf32>
    %broadcast_in_dim3A_840 = vector.shape_cast %reduce_sum3A_839 : vector<99xf32> to vector<99x1xf32>
    %div3A_841 = vector.broadcast %broadcast_in_dim3A_840 : vector<99x1xf32> to vector<99x99xf32>
    %div3A_842 = arith.divf %exp3A_837, %div3A_841 : vector<99x99xf32>
    %mul3A_843 = vector.broadcast %convert_element_type3A_819 : vector<1x136xf32> to vector<99x136xf32>
    %mul3A_844 = arith.mulf %dot_general3A_586, %mul3A_843 : vector<99x136xf32>
    %dot_general3A_845 = arith.constant dense<0.000000e+00> : vector<99x136xf32>
    %dot_general3A_846 = tpu.matmul %div3A_842, %mul3A_844, %dot_general3A_845 {dimension_numbers = #tpu.dot_dimension_numbers<[1], [0], [0], [1], [0, 0, 1, 1], [], []>, transpose_lhs_hint = false} : vector<99x99xf32>, vector<99x136xf32>, vector<99x136xf32> -> vector<99x136xf32>
    %add3A_847 = arith.addf %add3A_810, %dot_general3A_846 : vector<99x136xf32>
    %ge3A_848 = arith.constant 119 : i32
    %ge3A_849 = vector.broadcast %ge3A_848 : i32 to vector<1x136xi32>
    %ge3A_850 = arith.cmpi sge, %iota3A, %ge3A_849 : vector<1x136xi32>
    %lt3A_851 = arith.constant 136 : i32
    %lt3A_852 = vector.broadcast %lt3A_851 : i32 to vector<1x136xi32>
    %lt3A_853 = arith.cmpi slt, %iota3A, %lt3A_852 : vector<1x136xi32>
    %and3A_854 = arith.andi %ge3A_850, %lt3A_853 : vector<1x136xi1>
    %convert_element_type3A_855 = arith.extui %and3A_854 : vector<1x136xi1> to vector<1x136xi32>
    %convert_element_type3A_856 = arith.sitofp %convert_element_type3A_855 : vector<1x136xi32> to vector<1x136xf32>
    %mul3A_857 = vector.broadcast %convert_element_type3A_856 : vector<1x136xf32> to vector<99x136xf32>
    %mul3A_858 = arith.mulf %dot_general3A_582, %mul3A_857 : vector<99x136xf32>
    %dot_general3A_859 = arith.constant dense<0.000000e+00> : vector<99x99xf32>
    %dot_general3A_860 = tpu.matmul %mul3A_858, %dot_general3A_584, %dot_general3A_859 {dimension_numbers = #tpu.dot_dimension_numbers<[1], [1], [0], [0], [0, 0, 1, 0], [], []>, transpose_lhs_hint = false} : vector<99x136xf32>, vector<99x136xf32>, vector<99x99xf32> -> vector<99x99xf32>
    %mul3A_861 = arith.constant 0.242535621 : f32
    %mul3A_862 = vector.broadcast %mul3A_861 : f32 to vector<99x99xf32>
    %mul3A_863 = arith.mulf %dot_general3A_860, %mul3A_862 : vector<99x99xf32>
    %jit3A_864 = arith.constant -1.000000e+09 : f32
    %broadcast_in_dim3A_865 = vector.shape_cast %eq3A_113 : vector<1x99xi1> to vector<1x99xi1>
    %broadcast_in_dim3A_866 = vector.broadcast %broadcast_in_dim3A_865 : vector<1x99xi1> to vector<99x99xi1>
    %broadcast_in_dim3A_867 = vector.broadcast %jit3A_864 : f32 to vector<99x99xf32>
    %select_n3A_868 = arith.select %broadcast_in_dim3A_866, %broadcast_in_dim3A_867, %mul3A_863 : vector<99x99xi1>, vector<99x99xf32>
    %reduce_max3A_869 = arith.constant dense<0xFF800000> : vector<99xf32>
    %reduce_max3A_870 = vector.multi_reduction <maximumf>, %select_n3A_868, %reduce_max3A_869 [1] : vector<99x99xf32> to vector<99xf32>
    %broadcast_in_dim3A_871 = vector.shape_cast %reduce_max3A_870 : vector<99xf32> to vector<99x1xf32>
    %sub3A_872 = vector.broadcast %broadcast_in_dim3A_871 : vector<99x1xf32> to vector<99x99xf32>
    %sub3A_873 = arith.subf %select_n3A_868, %sub3A_872 : vector<99x99xf32>
    %exp3A_874 = math.exp %sub3A_873 : vector<99x99xf32>
    %reduce_sum3A_875 = arith.constant dense<0.000000e+00> : vector<99xf32>
    %reduce_sum3A_876 = vector.multi_reduction <add>, %exp3A_874, %reduce_sum3A_875 [1] : vector<99x99xf32> to vector<99xf32>
    %broadcast_in_dim3A_877 = vector.shape_cast %reduce_sum3A_876 : vector<99xf32> to vector<99x1xf32>
    %div3A_878 = vector.broadcast %broadcast_in_dim3A_877 : vector<99x1xf32> to vector<99x99xf32>
    %div3A_879 = arith.divf %exp3A_874, %div3A_878 : vector<99x99xf32>
    %mul3A_880 = vector.broadcast %convert_element_type3A_856 : vector<1x136xf32> to vector<99x136xf32>
    %mul3A_881 = arith.mulf %dot_general3A_586, %mul3A_880 : vector<99x136xf32>
    %dot_general3A_882 = arith.constant dense<0.000000e+00> : vector<99x136xf32>
    %dot_general3A_883 = tpu.matmul %div3A_879, %mul3A_881, %dot_general3A_882 {dimension_numbers = #tpu.dot_dimension_numbers<[1], [0], [0], [1], [0, 0, 1, 1], [], []>, transpose_lhs_hint = false} : vector<99x99xf32>, vector<99x136xf32>, vector<99x136xf32> -> vector<99x136xf32>
    %add3A_884 = arith.addf %add3A_847, %dot_general3A_883 : vector<99x136xf32>
    %dot_general3A_885 = arith.constant dense<0.000000e+00> : vector<99x136xf32>
    %dot_general3A_886 = tpu.matmul %add3A_884, %get3A_580, %dot_general3A_885 {dimension_numbers = #tpu.dot_dimension_numbers<[1], [0], [0], [1], [0, 0, 1, 1], [], []>, transpose_lhs_hint = false} : vector<99x136xf32>, vector<136x136xf32>, vector<99x136xf32> -> vector<99x136xf32>
    %add3A_887 = arith.addf %concatenate3A_105, %dot_general3A_886 : vector<99x136xf32>
    %get3A_888 = arith.constant 1 : index
    %get3A_889 = arith.constant 0 : index
    %get3A_890 = arith.constant 0 : index
    %get3A_891 = arith.constant 0 : index
    %get3A_892 = vector.load %arg16[%get3A_888, %get3A_889, %get3A_890, %get3A_891] : memref<2x2x2x136xf32, #tpu.memory_space<vmem>>, vector<1x1x1x136xf32>
    %get3A_893 = vector.shape_cast %get3A_892 : vector<1x1x1x136xf32> to vector<136xf32>
    %get3A_894 = arith.constant 1 : index
    %get3A_895 = arith.constant 0 : index
    %get3A_896 = arith.constant 1 : index
    %get3A_897 = arith.constant 0 : index
    %get3A_898 = vector.load %arg16[%get3A_894, %get3A_895, %get3A_896, %get3A_897] : memref<2x2x2x136xf32, #tpu.memory_space<vmem>>, vector<1x1x1x136xf32>
    %get3A_899 = vector.shape_cast %get3A_898 : vector<1x1x1x136xf32> to vector<136xf32>
    %reduce_sum3A_900 = arith.constant dense<0.000000e+00> : vector<99xf32>
    %reduce_sum3A_901 = vector.multi_reduction <add>, %add3A_887, %reduce_sum3A_900 [1] : vector<99x136xf32> to vector<99xf32>
    %broadcast_in_dim3A_902 = vector.shape_cast %reduce_sum3A_901 : vector<99xf32> to vector<99x1xf32>
    %div3A_903 = arith.constant 1.360000e+02 : f32
    %div3A_904 = vector.broadcast %div3A_903 : f32 to vector<99x1xf32>
    %div3A_905 = arith.divf %broadcast_in_dim3A_902, %div3A_904 : vector<99x1xf32>
    %sub3A_906 = vector.broadcast %div3A_905 : vector<99x1xf32> to vector<99x136xf32>
    %sub3A_907 = arith.subf %add3A_887, %sub3A_906 : vector<99x136xf32>
    %sub3A_908 = vector.broadcast %div3A_905 : vector<99x1xf32> to vector<99x136xf32>
    %sub3A_909 = arith.subf %add3A_887, %sub3A_908 : vector<99x136xf32>
    %mul3A_910 = arith.mulf %sub3A_907, %sub3A_909 : vector<99x136xf32>
    %reduce_sum3A_911 = arith.constant dense<0.000000e+00> : vector<99xf32>
    %reduce_sum3A_912 = vector.multi_reduction <add>, %mul3A_910, %reduce_sum3A_911 [1] : vector<99x136xf32> to vector<99xf32>
    %broadcast_in_dim3A_913 = vector.shape_cast %reduce_sum3A_912 : vector<99xf32> to vector<99x1xf32>
    %div3A_914 = arith.constant 1.360000e+02 : f32
    %div3A_915 = vector.broadcast %div3A_914 : f32 to vector<99x1xf32>
    %div3A_916 = arith.divf %broadcast_in_dim3A_913, %div3A_915 : vector<99x1xf32>
    %sub3A_917 = vector.broadcast %div3A_905 : vector<99x1xf32> to vector<99x136xf32>
    %sub3A_918 = arith.subf %add3A_887, %sub3A_917 : vector<99x136xf32>
    %add3A_919 = arith.constant 9.99999997E-7 : f32
    %add3A_920 = vector.broadcast %add3A_919 : f32 to vector<99x1xf32>
    %add3A_921 = arith.addf %div3A_916, %add3A_920 : vector<99x1xf32>
    %rsqrt3A_922 = math.rsqrt %add3A_921 : vector<99x1xf32>
    %mul3A_923 = vector.broadcast %rsqrt3A_922 : vector<99x1xf32> to vector<99x136xf32>
    %mul3A_924 = arith.mulf %sub3A_918, %mul3A_923 : vector<99x136xf32>
    %broadcast_in_dim3A_925 = vector.shape_cast %get3A_893 : vector<136xf32> to vector<1x136xf32>
    %mul3A_926 = vector.broadcast %broadcast_in_dim3A_925 : vector<1x136xf32> to vector<99x136xf32>
    %mul3A_927 = arith.mulf %mul3A_924, %mul3A_926 : vector<99x136xf32>
    %broadcast_in_dim3A_928 = vector.shape_cast %get3A_899 : vector<136xf32> to vector<1x136xf32>
    %add3A_929 = vector.broadcast %broadcast_in_dim3A_928 : vector<1x136xf32> to vector<99x136xf32>
    %add3A_930 = arith.addf %mul3A_927, %add3A_929 : vector<99x136xf32>
    %get3A_931 = arith.constant 1 : index
    %get3A_932 = arith.constant 0 : index
    %get3A_933 = arith.constant 0 : index
    %get3A_934 = vector.load %arg12[%get3A_931, %get3A_932, %get3A_933] : memref<2x136x544xf32, #tpu.memory_space<vmem>>, vector<1x136x544xf32>
    %get3A_935 = vector.shape_cast %get3A_934 : vector<1x136x544xf32> to vector<136x544xf32>
    %dot_general3A_936 = arith.constant dense<0.000000e+00> : vector<99x544xf32>
    %dot_general3A_937 = tpu.matmul %add3A_930, %get3A_935, %dot_general3A_936 {dimension_numbers = #tpu.dot_dimension_numbers<[1], [0], [0], [1], [0, 0, 1, 1], [], []>, transpose_lhs_hint = false} : vector<99x136xf32>, vector<136x544xf32>, vector<99x544xf32> -> vector<99x544xf32>
    %get3A_938 = arith.constant 1 : index
    %get3A_939 = arith.constant 0 : index
    %get3A_940 = vector.load %arg13[%get3A_938, %get3A_939] : memref<2x544xf32, #tpu.memory_space<vmem>>, vector<1x544xf32>
    %get3A_941 = vector.shape_cast %get3A_940 : vector<1x544xf32> to vector<544xf32>
    %broadcast_in_dim3A_942 = vector.shape_cast %get3A_941 : vector<544xf32> to vector<1x544xf32>
    %add3A_943 = vector.broadcast %broadcast_in_dim3A_942 : vector<1x544xf32> to vector<99x544xf32>
    %add3A_944 = arith.addf %dot_general3A_937, %add3A_943 : vector<99x544xf32>
    %max3A_945 = arith.constant 0.000000e+00 : f32
    %max3A_946 = vector.broadcast %max3A_945 : f32 to vector<99x544xf32>
    %max3A_947 = arith.maximumf %add3A_944, %max3A_946 : vector<99x544xf32>
    %get3A_948 = arith.constant 1 : index
    %get3A_949 = arith.constant 0 : index
    %get3A_950 = arith.constant 0 : index
    %get3A_951 = vector.load %arg14[%get3A_948, %get3A_949, %get3A_950] : memref<2x544x136xf32, #tpu.memory_space<vmem>>, vector<1x544x136xf32>
    %get3A_952 = vector.shape_cast %get3A_951 : vector<1x544x136xf32> to vector<544x136xf32>
    %dot_general3A_953 = arith.constant dense<0.000000e+00> : vector<99x136xf32>
    %dot_general3A_954 = tpu.matmul %max3A_947, %get3A_952, %dot_general3A_953 {dimension_numbers = #tpu.dot_dimension_numbers<[1], [0], [0], [1], [0, 0, 1, 1], [], []>, transpose_lhs_hint = false} : vector<99x544xf32>, vector<544x136xf32>, vector<99x136xf32> -> vector<99x136xf32>
    %get3A_955 = arith.constant 1 : index
    %get3A_956 = arith.constant 0 : index
    %get3A_957 = vector.load %arg15[%get3A_955, %get3A_956] : memref<2x136xf32, #tpu.memory_space<vmem>>, vector<1x136xf32>
    %get3A_958 = vector.shape_cast %get3A_957 : vector<1x136xf32> to vector<136xf32>
    %broadcast_in_dim3A_959 = vector.shape_cast %get3A_958 : vector<136xf32> to vector<1x136xf32>
    %add3A_960 = vector.broadcast %broadcast_in_dim3A_959 : vector<1x136xf32> to vector<99x136xf32>
    %add3A_961 = arith.addf %dot_general3A_954, %add3A_960 : vector<99x136xf32>
    %add3A_962 = arith.addf %add3A_930, %add3A_961 : vector<99x136xf32>
    %get3A_963 = arith.constant 1 : index
    %get3A_964 = arith.constant 1 : index
    %get3A_965 = arith.constant 0 : index
    %get3A_966 = arith.constant 0 : index
    %get3A_967 = vector.load %arg16[%get3A_963, %get3A_964, %get3A_965, %get3A_966] : memref<2x2x2x136xf32, #tpu.memory_space<vmem>>, vector<1x1x1x136xf32>
    %get3A_968 = vector.shape_cast %get3A_967 : vector<1x1x1x136xf32> to vector<136xf32>
    %get3A_969 = arith.constant 1 : index
    %get3A_970 = arith.constant 1 : index
    %get3A_971 = arith.constant 1 : index
    %get3A_972 = arith.constant 0 : index
    %get3A_973 = vector.load %arg16[%get3A_969, %get3A_970, %get3A_971, %get3A_972] : memref<2x2x2x136xf32, #tpu.memory_space<vmem>>, vector<1x1x1x136xf32>
    %get3A_974 = vector.shape_cast %get3A_973 : vector<1x1x1x136xf32> to vector<136xf32>
    %reduce_sum3A_975 = arith.constant dense<0.000000e+00> : vector<99xf32>
    %reduce_sum3A_976 = vector.multi_reduction <add>, %add3A_962, %reduce_sum3A_975 [1] : vector<99x136xf32> to vector<99xf32>
    %broadcast_in_dim3A_977 = vector.shape_cast %reduce_sum3A_976 : vector<99xf32> to vector<99x1xf32>
    %div3A_978 = arith.constant 1.360000e+02 : f32
    %div3A_979 = vector.broadcast %div3A_978 : f32 to vector<99x1xf32>
    %div3A_980 = arith.divf %broadcast_in_dim3A_977, %div3A_979 : vector<99x1xf32>
    %sub3A_981 = vector.broadcast %div3A_980 : vector<99x1xf32> to vector<99x136xf32>
    %sub3A_982 = arith.subf %add3A_962, %sub3A_981 : vector<99x136xf32>
    %sub3A_983 = vector.broadcast %div3A_980 : vector<99x1xf32> to vector<99x136xf32>
    %sub3A_984 = arith.subf %add3A_962, %sub3A_983 : vector<99x136xf32>
    %mul3A_985 = arith.mulf %sub3A_982, %sub3A_984 : vector<99x136xf32>
    %reduce_sum3A_986 = arith.constant dense<0.000000e+00> : vector<99xf32>
    %reduce_sum3A_987 = vector.multi_reduction <add>, %mul3A_985, %reduce_sum3A_986 [1] : vector<99x136xf32> to vector<99xf32>
    %broadcast_in_dim3A_988 = vector.shape_cast %reduce_sum3A_987 : vector<99xf32> to vector<99x1xf32>
    %div3A_989 = arith.constant 1.360000e+02 : f32
    %div3A_990 = vector.broadcast %div3A_989 : f32 to vector<99x1xf32>
    %div3A_991 = arith.divf %broadcast_in_dim3A_988, %div3A_990 : vector<99x1xf32>
    %sub3A_992 = vector.broadcast %div3A_980 : vector<99x1xf32> to vector<99x136xf32>
    %sub3A_993 = arith.subf %add3A_962, %sub3A_992 : vector<99x136xf32>
    %add3A_994 = arith.constant 9.99999997E-7 : f32
    %add3A_995 = vector.broadcast %add3A_994 : f32 to vector<99x1xf32>
    %add3A_996 = arith.addf %div3A_991, %add3A_995 : vector<99x1xf32>
    %rsqrt3A_997 = math.rsqrt %add3A_996 : vector<99x1xf32>
    %mul3A_998 = vector.broadcast %rsqrt3A_997 : vector<99x1xf32> to vector<99x136xf32>
    %mul3A_999 = arith.mulf %sub3A_993, %mul3A_998 : vector<99x136xf32>
    %broadcast_in_dim3A_1000 = vector.shape_cast %get3A_968 : vector<136xf32> to vector<1x136xf32>
    %mul3A_1001 = vector.broadcast %broadcast_in_dim3A_1000 : vector<1x136xf32> to vector<99x136xf32>
    %mul3A_1002 = arith.mulf %mul3A_999, %mul3A_1001 : vector<99x136xf32>
    %broadcast_in_dim3A_1003 = vector.shape_cast %get3A_974 : vector<136xf32> to vector<1x136xf32>
    %add3A_1004 = vector.broadcast %broadcast_in_dim3A_1003 : vector<1x136xf32> to vector<99x136xf32>
    %add3A_1005 = arith.addf %mul3A_1002, %add3A_1004 : vector<99x136xf32>
    %get3A_1006 = arith.constant 0 : index
    %get3A_1007 = arith.constant 0 : index
    %get3A_1008 = vector.load %arg21[%get3A_1006, %get3A_1007] : memref<136x136xf32, #tpu.memory_space<vmem>>, vector<136x136xf32>
    %get3A_1009 = arith.constant 0 : index
    %get3A_1010 = vector.load %arg22[%get3A_1009] : memref<136xf32, #tpu.memory_space<vmem>>, vector<136xf32>
    %get3A_1011 = arith.constant 0 : index
    %get3A_1012 = arith.constant 0 : index
    %get3A_1013 = vector.load %arg23[%get3A_1011, %get3A_1012] : memref<136x1xf32, #tpu.memory_space<vmem>>, vector<136x1xf32>
    %get3A_1014 = arith.constant 0 : index
    %get3A_1015 = arith.constant 0 : index
    %get3A_1016 = vector.load %arg24[%get3A_1014, %get3A_1015] : memref<1x1xf32, #tpu.memory_space<vmem>>, vector<1x1xf32>
    %dot_general3A_1017 = arith.constant dense<0.000000e+00> : vector<99x136xf32>
    %dot_general3A_1018 = tpu.matmul %add3A_556, %get3A_1008, %dot_general3A_1017 {dimension_numbers = #tpu.dot_dimension_numbers<[1], [0], [0], [1], [0, 0, 1, 1], [], []>, transpose_lhs_hint = false} : vector<99x136xf32>, vector<136x136xf32>, vector<99x136xf32> -> vector<99x136xf32>
    %broadcast_in_dim3A_1019 = vector.shape_cast %get3A_1010 : vector<136xf32> to vector<1x136xf32>
    %add3A_1020 = vector.broadcast %broadcast_in_dim3A_1019 : vector<1x136xf32> to vector<99x136xf32>
    %add3A_1021 = arith.addf %dot_general3A_1018, %add3A_1020 : vector<99x136xf32>
    %tanh3A_1022 = math.tanh %add3A_1021 : vector<99x136xf32>
    %dot_general3A_1023 = arith.constant dense<0.000000e+00> : vector<99x1xf32>
    %dot_general3A_1024 = tpu.matmul %tanh3A_1022, %get3A_1013, %dot_general3A_1023 {dimension_numbers = #tpu.dot_dimension_numbers<[1], [0], [0], [1], [0, 0, 1, 1], [], []>, transpose_lhs_hint = false} : vector<99x136xf32>, vector<136x1xf32>, vector<99x1xf32> -> vector<99x1xf32>
    %add3A_1025 = vector.broadcast %get3A_1016 : vector<1x1xf32> to vector<99x1xf32>
    %add3A_1026 = arith.addf %dot_general3A_1024, %add3A_1025 : vector<99x1xf32>
    %dot_general3A_1027 = arith.constant dense<0.000000e+00> : vector<99x136xf32>
    %dot_general3A_1028 = tpu.matmul %add3A_1005, %get3A_1008, %dot_general3A_1027 {dimension_numbers = #tpu.dot_dimension_numbers<[1], [0], [0], [1], [0, 0, 1, 1], [], []>, transpose_lhs_hint = false} : vector<99x136xf32>, vector<136x136xf32>, vector<99x136xf32> -> vector<99x136xf32>
    %broadcast_in_dim3A_1029 = vector.shape_cast %get3A_1010 : vector<136xf32> to vector<1x136xf32>
    %add3A_1030 = vector.broadcast %broadcast_in_dim3A_1029 : vector<1x136xf32> to vector<99x136xf32>
    %add3A_1031 = arith.addf %dot_general3A_1028, %add3A_1030 : vector<99x136xf32>
    %tanh3A_1032 = math.tanh %add3A_1031 : vector<99x136xf32>
    %dot_general3A_1033 = arith.constant dense<0.000000e+00> : vector<99x1xf32>
    %dot_general3A_1034 = tpu.matmul %tanh3A_1032, %get3A_1013, %dot_general3A_1033 {dimension_numbers = #tpu.dot_dimension_numbers<[1], [0], [0], [1], [0, 0, 1, 1], [], []>, transpose_lhs_hint = false} : vector<99x136xf32>, vector<136x1xf32>, vector<99x1xf32> -> vector<99x1xf32>
    %add3A_1035 = vector.broadcast %get3A_1016 : vector<1x1xf32> to vector<99x1xf32>
    %add3A_1036 = arith.addf %dot_general3A_1034, %add3A_1035 : vector<99x1xf32>
    %max3A_1037 = arith.maximumf %add3A_1026, %add3A_1036 : vector<99x1xf32>
    %sub3A_1038 = arith.subf %add3A_1026, %max3A_1037 : vector<99x1xf32>
    %exp3A_1039 = math.exp %sub3A_1038 : vector<99x1xf32>
    %sub3A_1040 = arith.subf %add3A_1036, %max3A_1037 : vector<99x1xf32>
    %exp3A_1041 = math.exp %sub3A_1040 : vector<99x1xf32>
    %add3A_1042 = arith.addf %exp3A_1039, %exp3A_1041 : vector<99x1xf32>
    %div3A_1043 = arith.divf %exp3A_1039, %add3A_1042 : vector<99x1xf32>
    %mul3A_1044 = vector.broadcast %div3A_1043 : vector<99x1xf32> to vector<99x136xf32>
    %mul3A_1045 = arith.mulf %mul3A_1044, %add3A_556 : vector<99x136xf32>
    %div3A_1046 = arith.divf %exp3A_1041, %add3A_1042 : vector<99x1xf32>
    %mul3A_1047 = vector.broadcast %div3A_1046 : vector<99x1xf32> to vector<99x136xf32>
    %mul3A_1048 = arith.mulf %mul3A_1047, %add3A_1005 : vector<99x136xf32>
    %add3A_1049 = arith.addf %mul3A_1045, %mul3A_1048 : vector<99x136xf32>
    %get3A_1050 = arith.constant 0 : index
    %get3A_1051 = arith.constant 0 : index
    %get3A_1052 = vector.load %arg25[%get3A_1050, %get3A_1051] : memref<136x10000xf32, #tpu.memory_space<vmem>>, vector<136x10000xf32>
    %dot_general3A_1053 = arith.constant dense<0.000000e+00> : vector<99x10000xf32>
    %dot_general3A_1054 = tpu.matmul %add3A_1049, %get3A_1052, %dot_general3A_1053 {dimension_numbers = #tpu.dot_dimension_numbers<[1], [0], [0], [1], [0, 0, 1, 1], [], []>, transpose_lhs_hint = false} : vector<99x136xf32>, vector<136x10000xf32>, vector<99x10000xf32> -> vector<99x10000xf32>
    %get3A_1055 = arith.constant 0 : index
    %get3A_1056 = arith.constant 0 : index
    %get3A_1057 = vector.load %arg26[%get3A_1055, %get3A_1056] : memref<1x10000xf32, #tpu.memory_space<vmem>>, vector<1x10000xf32>
    %add3A_1058 = vector.broadcast %get3A_1057 : vector<1x10000xf32> to vector<99x10000xf32>
    %add3A_1059 = arith.addf %dot_general3A_1054, %add3A_1058 : vector<99x10000xf32>
    %iota3A_1060 = tpu.iota {dimensions = array<i32: 1>} : vector<1x10000xi32>
    %eq3A_1061 = vector.broadcast %get3A_17 : vector<99x1xi32> to vector<99x10000xi32>
    %eq3A_1062 = vector.broadcast %iota3A_1060 : vector<1x10000xi32> to vector<99x10000xi32>
    %eq3A_1063 = arith.cmpi eq, %eq3A_1061, %eq3A_1062 : vector<99x10000xi32>
    %convert_element_type3A_1064 = arith.extui %eq3A_1063 : vector<99x10000xi1> to vector<99x10000xi32>
    %convert_element_type3A_1065 = arith.sitofp %convert_element_type3A_1064 : vector<99x10000xi32> to vector<99x10000xf32>
    %iota3A_1066 = tpu.iota {dimensions = array<i32: 0>} : vector<99x99xi32>
    %iota3A_1067 = tpu.iota {dimensions = array<i32: 1>} : vector<99x99xi32>
    %ge3A_1068 = arith.cmpi sge, %iota3A_1066, %iota3A_1067 : vector<99x99xi32>
    %convert_element_type3A_1069 = arith.extui %ge3A_1068 : vector<99x99xi1> to vector<99x99xi32>
    %convert_element_type3A_1070 = arith.sitofp %convert_element_type3A_1069 : vector<99x99xi32> to vector<99x99xf32>
    %dot_general3A_1071 = arith.constant dense<0.000000e+00> : vector<99x10000xf32>
    %dot_general3A_1072 = tpu.matmul %convert_element_type3A_1070, %convert_element_type3A_1065, %dot_general3A_1071 {dimension_numbers = #tpu.dot_dimension_numbers<[1], [0], [0], [1], [0, 0, 1, 1], [], []>, transpose_lhs_hint = false} : vector<99x99xf32>, vector<99x10000xf32>, vector<99x10000xf32> -> vector<99x10000xf32>
    %iota3A_1073 = tpu.iota {dimensions = array<i32: 0>} : vector<99x1xi32>
    %gt3A = arith.constant 0.000000e+00 : f32
    %gt3A_1074 = vector.broadcast %gt3A : f32 to vector<99x10000xf32>
    %gt3A_1075 = arith.cmpf ogt, %dot_general3A_1072, %gt3A_1074 : vector<99x10000xf32>
    %eq3A_1076 = arith.constant 0 : i32
    %eq3A_1077 = vector.broadcast %eq3A_1076 : i32 to vector<1x10000xi32>
    %eq3A_1078 = arith.cmpi eq, %iota3A_1060, %eq3A_1077 : vector<1x10000xi32>
    %lt3A_1079 = arith.constant 98 : i32
    %lt3A_1080 = vector.broadcast %lt3A_1079 : i32 to vector<99x1xi32>
    %lt3A_1081 = arith.cmpi slt, %iota3A_1073, %lt3A_1080 : vector<99x1xi32>
    %and3A_1082 = vector.broadcast %eq3A_1078 : vector<1x10000xi1> to vector<99x10000xi1>
    %and3A_1083 = vector.broadcast %lt3A_1081 : vector<99x1xi1> to vector<99x10000xi1>
    %and3A_1084 = arith.andi %and3A_1082, %and3A_1083 : vector<99x10000xi1>
    %or3A = arith.ori %gt3A_1075, %and3A_1084 : vector<99x10000xi1>
    %jit3A_1085 = arith.constant -1.000000e+03 : f32
    %jit3A_1086 = arith.constant 0.000000e+00 : f32
    %broadcast_in_dim3A_1087 = vector.broadcast %jit3A_1085 : f32 to vector<99x10000xf32>
    %broadcast_in_dim3A_1088 = vector.broadcast %jit3A_1086 : f32 to vector<99x10000xf32>
    %select_n3A_1089 = arith.select %or3A, %broadcast_in_dim3A_1087, %broadcast_in_dim3A_1088 : vector<99x10000xi1>, vector<99x10000xf32>
    %add3A_1090 = arith.addf %add3A_1059, %select_n3A_1089 : vector<99x10000xf32>
    %swap3A = arith.constant 0 : index
    %swap3A_1091 = arith.constant 0 : index
    %swap3A_1092 = arith.constant 0 : index
    %swap3A_1093 = vector.load %arg27[%swap3A, %swap3A_1091, %swap3A_1092] : memref<1x99x10000xf32, #tpu.memory_space<vmem>>, vector<1x99x10000xf32>
    %swap3A_1094 = vector.shape_cast %swap3A_1093 : vector<1x99x10000xf32> to vector<99x10000xf32>
    %swap3A_1095 = vector.shape_cast %add3A_1090 : vector<99x10000xf32> to vector<1x99x10000xf32>
    tpu.vector_store %arg27[%swap3A, %swap3A_1091, %swap3A_1092], %swap3A_1095 {strides = array<i32>} : memref<1x99x10000xf32, #tpu.memory_space<vmem>>, vector<1x99x10000xf32>,
    return
  }
  func.func @transform_0(%arg0: i32) -> (i32, i32, i32) {
    %c0_i32 = arith.constant 0 : i32
    %c0_i32_0 = arith.constant 0 : i32
    %c0_i32_1 = arith.constant 0 : i32
    return %arg0, %c0_i32, %c0_i32_0 : i32, i32, i32
  }
  func.func @transform_1(%arg0: i32) -> (i32, i32, i32) {
    %c0_i32 = arith.constant 0 : i32
    %c0_i32_0 = arith.constant 0 : i32
    %c0_i32_1 = arith.constant 0 : i32
    return %arg0, %c0_i32, %c0_i32_0 : i32, i32, i32
  }
  func.func @transform_2(%arg0: i32) -> (i32, i32, i32) {
    %c0_i32 = arith.constant 0 : i32
    %c0_i32_0 = arith.constant 0 : i32
    %c0_i32_1 = arith.constant 0 : i32
    return %arg0, %c0_i32, %c0_i32_0 : i32, i32, i32
  }
  func.func @transform_3(%arg0: i32) -> (i32, i32, i32) {
    %c0_i32 = arith.constant 0 : i32
    %c0_i32_0 = arith.constant 0 : i32
    %c0_i32_1 = arith.constant 0 : i32
    return %arg0, %c0_i32, %c0_i32_0 : i32, i32, i32
  }
  func.func @transform_4(%arg0: i32) -> (i32, i32, i32) {
    %c0_i32 = arith.constant 0 : i32
    %c0_i32_0 = arith.constant 0 : i32
    %c0_i32_1 = arith.constant 0 : i32
    return %arg0, %c0_i32, %c0_i32_0 : i32, i32, i32
  }
  func.func @transform_5(%arg0: i32) -> (i32, i32, i32) {
    %c0_i32 = arith.constant 0 : i32
    %c0_i32_0 = arith.constant 0 : i32
    %c0_i32_1 = arith.constant 0 : i32
    return %arg0, %c0_i32, %c0_i32_0 : i32, i32, i32
  }
  func.func @transform_6(%arg0: i32) -> (i32, i32, i32) {
    %c0_i32 = arith.constant 0 : i32
    %c0_i32_0 = arith.constant 0 : i32
    %c0_i32_1 = arith.constant 0 : i32
    return %arg0, %c0_i32, %c0_i32_0 : i32, i32, i32
  }
  func.func @transform_7(%arg0: i32) -> (i32, i32) {
    %c0_i32 = arith.constant 0 : i32
    %c0_i32_0 = arith.constant 0 : i32
    %c0_i32_1 = arith.constant 0 : i32
    return %c0_i32, %c0_i32_0 : i32, i32
  }
  func.func @transform_8(%arg0: i32) -> (i32, i32) {
    %c0_i32 = arith.constant 0 : i32
    %c0_i32_0 = arith.constant 0 : i32
    %c0_i32_1 = arith.constant 0 : i32
    return %c0_i32, %c0_i32_0 : i32, i32
  }
  func.func @transform_9(%arg0: i32) -> (i32, i32) {
    %c0_i32 = arith.constant 0 : i32
    %c0_i32_0 = arith.constant 0 : i32
    %c0_i32_1 = arith.constant 0 : i32
    return %c0_i32, %c0_i32_0 : i32, i32
  }
  func.func @transform_10(%arg0: i32) -> (i32, i32, i32, i32) {
    %c0_i32 = arith.constant 0 : i32
    %c0_i32_0 = arith.constant 0 : i32
    %c0_i32_1 = arith.constant 0 : i32
    %c0_i32_2 = arith.constant 0 : i32
    %c0_i32_3 = arith.constant 0 : i32
    return %c0_i32, %c0_i32_0, %c0_i32_1, %c0_i32_2 : i32, i32, i32, i32
  }
  func.func @transform_11(%arg0: i32) -> (i32, i32, i32) {
    %c0_i32 = arith.constant 0 : i32
    %c0_i32_0 = arith.constant 0 : i32
    %c0_i32_1 = arith.constant 0 : i32
    %c0_i32_2 = arith.constant 0 : i32
    return %c0_i32, %c0_i32_0, %c0_i32_1 : i32, i32, i32
  }
  func.func @transform_12(%arg0: i32) -> (i32, i32) {
    %c0_i32 = arith.constant 0 : i32
    %c0_i32_0 = arith.constant 0 : i32
    %c0_i32_1 = arith.constant 0 : i32
    return %c0_i32, %c0_i32_0 : i32, i32
  }
  func.func @transform_13(%arg0: i32) -> (i32, i32, i32) {
    %c0_i32 = arith.constant 0 : i32
    %c0_i32_0 = arith.constant 0 : i32
    %c0_i32_1 = arith.constant 0 : i32
    %c0_i32_2 = arith.constant 0 : i32
    return %c0_i32, %c0_i32_0, %c0_i32_1 : i32, i32, i32
  }
  func.func @transform_14(%arg0: i32) -> (i32, i32) {
    %c0_i32 = arith.constant 0 : i32
    %c0_i32_0 = arith.constant 0 : i32
    %c0_i32_1 = arith.constant 0 : i32
    return %c0_i32, %c0_i32_0 : i32, i32
  }
  func.func @transform_15(%arg0: i32) -> (i32, i32, i32, i32) {
    %c0_i32 = arith.constant 0 : i32
    %c0_i32_0 = arith.constant 0 : i32
    %c0_i32_1 = arith.constant 0 : i32
    %c0_i32_2 = arith.constant 0 : i32
    %c0_i32_3 = arith.constant 0 : i32
    return %c0_i32, %c0_i32_0, %c0_i32_1, %c0_i32_2 : i32, i32, i32, i32
  }
  func.func @transform_16(%arg0: i32) -> (i32, i32) {
    %c0_i32 = arith.constant 0 : i32
    %c0_i32_0 = arith.constant 0 : i32
    %c0_i32_1 = arith.constant 0 : i32
    return %c0_i32, %c0_i32_0 : i32, i32
  }
  func.func @transform_17(%arg0: i32) -> i32 {
    %c0_i32 = arith.constant 0 : i32
    %c0_i32_0 = arith.constant 0 : i32
    return %c0_i32 : i32
  }
  func.func @transform_18(%arg0: i32) -> (i32, i32) {
    %c0_i32 = arith.constant 0 : i32
    %c0_i32_0 = arith.constant 0 : i32
    %c0_i32_1 = arith.constant 0 : i32
    return %c0_i32, %c0_i32_0 : i32, i32
  }
  func.func @transform_19(%arg0: i32) -> (i32, i32) {
    %c0_i32 = arith.constant 0 : i32
    %c0_i32_0 = arith.constant 0 : i32
    %c0_i32_1 = arith.constant 0 : i32
    return %c0_i32, %c0_i32_0 : i32, i32
  }
  func.func @transform_20(%arg0: i32) -> (i32, i32) {
    %c0_i32 = arith.constant 0 : i32
    %c0_i32_0 = arith.constant 0 : i32
    %c0_i32_1 = arith.constant 0 : i32
    return %c0_i32, %c0_i32_0 : i32, i32
  }
  func.func @transform_21(%arg0: i32) -> i32 {
    %c0_i32 = arith.constant 0 : i32
    %c0_i32_0 = arith.constant 0 : i32
    return %c0_i32 : i32
  }
  func.func @transform_22(%arg0: i32) -> (i32, i32) {
    %c0_i32 = arith.constant 0 : i32
    %c0_i32_0 = arith.constant 0 : i32
    %c0_i32_1 = arith.constant 0 : i32
    return %c0_i32, %c0_i32_0 : i32, i32
  }
  func.func @transform_23(%arg0: i32) -> (i32, i32) {
    %c0_i32 = arith.constant 0 : i32
    %c0_i32_0 = arith.constant 0 : i32
    %c0_i32_1 = arith.constant 0 : i32
    return %c0_i32, %c0_i32_0 : i32, i32
  }
  func.func @transform_24(%arg0: i32) -> (i32, i32) {
    %c0_i32 = arith.constant 0 : i32
    %c0_i32_0 = arith.constant 0 : i32
    %c0_i32_1 = arith.constant 0 : i32
    return %c0_i32, %c0_i32_0 : i32, i32
  }
  func.func @transform_25(%arg0: i32) -> (i32, i32) {
    %c0_i32 = arith.constant 0 : i32
    %c0_i32_0 = arith.constant 0 : i32
    %c0_i32_1 = arith.constant 0 : i32
    return %c0_i32, %c0_i32_0 : i32, i32
  }
  func.func @transform_26(%arg0: i32) -> (i32, i32, i32) {
    %c0_i32 = arith.constant 0 : i32
    %c0_i32_0 = arith.constant 0 : i32
    %c0_i32_1 = arith.constant 0 : i32
    return %arg0, %c0_i32, %c0_i32_0 : i32, i32, i32
  }
}

</mosaic_0001>

<sc_bundles>
// kernel: gather_offload_async_start.1
scs
__scs_entry_jumppad:
0x0: {  	(pc) =	sbr.rel $0x88, $3  }
0x1: {  	(tag) =	ssettag $0x0;
	lr =	simm.s32 $0x1  }
0x2: {  	[smem:$0x3F87] =	sst lr;
	_ =	strace $0xD0000000  }
0x3: {  	_ = 	snop  }
0x4: {  	_ = 	snop  }
0x5: {  	_ = 	snop  }
0x6: {  	_ = 	snop  }
0x7: {  	_ = 	snop  }
__scs_overlays_trampoline_lowered:
0x8: {  	[smem:$0x3F96] =	sst s0  }
0x9: {  	[smem:$0x3F97] =	sst s1  }
0xa: {  	[smem:$0x3F98] =	sst s2  }
0xb: {  	[smem:$0x3F99] =	sst s3  }
0xc: {  	[smem:$0x3F9A] =	sst s4  }
0xd: {  	[smem:$0x3F9B] =	sst s5  }
0xe: {  	[smem:$0x3F9C] =	sst s6  }
0xf: {  	[smem:$0x3F9D] =	sst s7  }
0x10: {  	[smem:$0x3F9E] =	sst s8  }
0x11: {  	[smem:$0x3F9F] =	sst s9;
	s0 =	simm.s32 @!p0 $0x0  }
0x12: {  	s1 =	sld [smem:$0x3F85];
	s0 =	simm.s32 @p0 $0x1  }
0x13: {  	[smem:$0x3FA0] =	sst s0;
	s0 =	simm.s32 @!p1 $0x0  }
0x14: {  	s2 =	sld [smem:$0x3F84];
	s0 =	simm.s32 @p1 $0x1  }
0x15: {  	[smem:$0x3FA1] =	sst s0;
	s0 =	simm.s32 @!p2 $0x0  }
0x16: {  	s3 =	sld [smem:$0x3FDB];
	s0 =	simm.s32 @p2 $0x1  }
0x17: {  	s4 =	simm.s32 $0x1BF5;
	[smem:$0x3FA3] =	sst s0  }
0x18: {  	s0 =	sld [smem:$0x3F86];
	_ =	swait.ge [sflag:s4], $0x0  }
0x19: {  	s7 =	sld [smem:$0x3F87]  }
0x1a: {  	s8 =	sadd.s32 $0xFFFFE003, lr  }
0x1b: {  	s9 =	sadd.s32 $0xFFFFFEF7, lr;
	s5 =	simm.s32 $0xFFFFFFFF;
	p2 =	slt.u32 s8, $0xFFFFF086  }
0x1c: {  	p1 =	slt.u32 s9, $0xF7A;
	s5 =	simm.s32 @!p2 $0x0  }
0x1d: {  	s5 =	simm.s32 @p1 $0x1;
	p0 =	seq.s32 s7, s2  }
0x1e: {  	s7 =	smul.u32 @!p0 $0xF7A, s2;
	p2 =	seq.s32 @!p0 s5, $0x0  }
0x1f: {  	s9 =	smul.u32 $0xF7A, s1;
	s8 =	simm.s32 @!p0 $0x1BF5;
	p2 =	por !p2, p0  }
0x20: {  	[sflag:s8] =	ssyncset.s32 @!p0 $0xFFFFF086;
	s6 =	sadd.s32 @!p0 s3, s7;
	s7 =	simm.s32 @!p0 $0x108  }
0x21: {  	s3 =	sadd.s32 s3, s9;
	s6 =	sadd.s32 @!p0 $0x88, s6;
	s7 =	simm.s32 @p2 $0x1082  }
0x22: {  	[simem:s7], [sflag:s8] =	dma.local @!p0 [hbm:s6], $0xF7A  }
0x23: {  	s9 =	sor.u32 $0xD0000000, s2;
	s6 =	simm.s32 $0x108;
	_ =	swait.ge @!p0 [sflag:s8], $0x0  }
0x24: {  	s3 =	sadd.s32 $0x88, s3;
	s6 =	simm.s32 @!p1 $0x1082;
	[sflag:s4] =	ssyncset.s32 $0xFFFFF086  }
0x25: {  	[simem:s6], [sflag:s4] =	dma.local [hbm:s3], $0xF7A  }
0x26: {  	[smem:$0x3F87] =	sst s1;
	(tag) =	ssettag s2;
	_ =	strace s9  }
0x27: {  	s1 =	sld [smem:$0x3F97]  }
0x28: {  	s2 =	sld [smem:$0x3F98]  }
0x29: {  	s4 =	sld [smem:$0x3F9A]  }
0x2a: {  	p0 =	seq.s32 s5, $0x0;
	s5 =	sld [smem:$0x3F9B]  }
0x2b: {  	s6 =	sld [smem:$0x3F9C]  }
0x2c: {  	s7 =	sld [smem:$0x3F9D]  }
0x2d: {  	s3 =	simm.s32 $0x108;
	s8 =	sld [smem:$0x3F9E]  }
0x2e: {  	s3 =	simm.s32 @!p0 $0x1082;
	s9 =	sld [smem:$0x3F9F]  }
0x2f: {  	lr =	sadd.s32 s0, s3;
	s0 =	sld [smem:$0x3F96]  }
0x30: {  	s3 =	sld [smem:$0x3F99]  }
0x31: {  	[smem:$0x3FA2] =	sst s10  }
0x32: {  	s10 =	sld [smem:$0x3FA0];
	_ =	sdelay $0x3  }
0x33: {  	p0 =	seq.s32 s10, $0x1;
	s10 =	sld [smem:$0x3FA2];
	_ =	sdelay $0x3  }
0x34: {  	[smem:$0x3FA2] =	sst s10  }
0x35: {  	s10 =	sld [smem:$0x3FA1];
	_ =	sdelay $0x3  }
0x36: {  	p1 =	seq.s32 s10, $0x1;
	s10 =	sld [smem:$0x3FA2];
	_ =	sdelay $0x3  }
0x37: {  	[smem:$0x3FA2] =	sst s10  }
0x38: {  	s10 =	sld [smem:$0x3FA3]  }
0x39: {  	_ = 	snop;
	(pc) =	sbr.ind lr, $3  }
0x3a: {  	_ = 	snop  }
0x3b: {  	_ = 	snop  }
0x3c: {  	p2 =	seq.s32 s10, $0x1;
	s10 =	sld [smem:$0x3FA2]  }
0x3d: {  	_ =	shalt  }
0x3e: {  	_ =	shalt  }
0x3f: {  	_ =	shalt  }
0x40: {  	_ =	shalt  }
0x41: {  	_ =	shalt  }
0x42: {  	_ =	shalt  }
0x43: {  	_ =	shalt  }
0x44: {  	_ =	shalt  }
0x45: {  	_ =	shalt  }
0x46: {  	_ =	shalt  }
0x47: {  	_ =	shalt  }
0x48: {  	_ =	shalt  }
0x49: {  	_ =	shalt  }
0x4a: {  	_ =	shalt  }
0x4b: {  	_ =	shalt  }
0x4c: {  	_ =	shalt  }
0x4d: {  	_ =	shalt  }
0x4e: {  	_ =	shalt  }
0x4f: {  	_ =	shalt  }
0x50: {  	_ =	shalt  }
0x51: {  	_ =	shalt  }
0x52: {  	_ =	shalt  }
0x53: {  	_ =	shalt  }
0x54: {  	_ =	shalt  }
0x55: {  	_ =	shalt  }
0x56: {  	_ =	shalt  }
0x57: {  	_ =	shalt  }
0x58: {  	_ =	shalt  }
0x59: {  	_ =	shalt  }
0x5a: {  	_ =	shalt  }
0x5b: {  	_ =	shalt  }
0x5c: {  	_ =	shalt  }
0x5d: {  	_ =	shalt  }
0x5e: {  	_ =	shalt  }
0x5f: {  	_ =	shalt  }
0x60: {  	_ =	shalt  }
0x61: {  	_ =	shalt  }
0x62: {  	_ =	shalt  }
0x63: {  	_ =	shalt  }
0x64: {  	_ =	shalt  }
0x65: {  	_ =	shalt  }
0x66: {  	_ =	shalt  }
0x67: {  	_ =	shalt  }
0x68: {  	_ =	shalt  }
0x69: {  	_ =	shalt  }
0x6a: {  	_ =	shalt  }
0x6b: {  	_ =	shalt  }
0x6c: {  	_ =	shalt  }
0x6d: {  	_ =	shalt  }
0x6e: {  	_ =	shalt  }
0x6f: {  	_ =	shalt  }
0x70: {  	_ =	shalt  }
0x71: {  	_ =	shalt  }
0x72: {  	_ =	shalt  }
0x73: {  	_ =	shalt  }
0x74: {  	_ =	shalt  }
0x75: {  	_ =	shalt  }
0x76: {  	_ =	shalt  }
0x77: {  	_ =	shalt  }
0x78: {  	_ =	shalt  }
0x79: {  	_ =	shalt  }
0x7a: {  	_ =	shalt  }
0x7b: {  	_ =	shalt  }
0x7c: {  	_ =	shalt  }
0x7d: {  	_ =	shalt  }
0x7e: {  	_ =	shalt  }
0x7f: {  	_ =	shalt  }
0x80: {  	_ =	shalt  }
0x81: {  	_ =	shalt  }
0x82: {  	_ =	shalt  }
0x83: {  	_ =	shalt  }
0x84: {  	_ =	shalt  }
0x85: {  	_ =	shalt  }
0x86: {  	_ =	shalt  }
0x87: {  	_ =	shalt  }
.Lfunc_end0:
.L_simem_size_0:
called_computation.1_lowered:
.L_overlay_start_0:
0x88: {  	s0 =	sld [smem:$0x3FD9]  }
0x89: {  	s1 =	sld [smem:$0x3FFE];
	_ =	sdelay $0x3  }
0x8a: {  	s0 =	sadd.s32 s1, s0  }
0x8b: {  	[smem:$0x3FAE] =	sst s0  }
0x8c: {  	_ = 	snop  }
0x8d: {  	s0 =	sld [smem:$0x3FC2];
	(tm) =	ssettm $0x1  }
0x8e: {  	s16 =	sld [smem:$0x3FFB];
	_ =	sdelay $0x3  }
0x8f: {  	_ =	strace s16  }
0x90: {  	s1 =	sld [smem:$0x3FFC];
	_ =	sdelay $0x3  }
0x91: {  	_ =	strace s1  }
0x92: {  	s1 =	sld [smem:$0x3FFD];
	_ =	sdelay $0x3  }
0x93: {  	_ =	strace s1  }
0x94: {  	_ =	strace $0x8FFFFFFF  }
0x95: {  	s17 =	sld [smem:$0x3FDB];
	_ =	sdelay $0x1  }
0x96: {  	s2 =	simm.s32 $_scs_section_size  }
0x97: {  	s3 =	simm.s32 $_size__tile_overlayer_lowered;
	s4 =	simm.s32 $_tile_overlayer_lowered  }
0x98: {  	s20 =	simm.s32 $0x1BFF;
	s19 =	sshll.u32 s4, $0x1;
	s1 =	sadd.s32 s2, s17  }
0x99: {  	s5 =	simm.s32 $0x0;
	s18 =	sshll.u32 s3, $0x1;
	s3 =	sadd.s32 s19, s1  }
0x9a: {  	[timem:s5], [sflag:s20] =	dma.local [hbm:s3], s18  }
0x9b: {  	_ =	swait.ge [sflag:s20], s18  }
0x9c: {  	s2 =	ssub.s32 $0x0, s18;
	[sflag:s20] =	ssyncset.done $0x0  }
0x9d: {  	[sflag:s20] =	ssyncadd.s32 s2;
	_ =	sdelay $0x1  }
0x9e: {  	s21 =	simm.s32 $0x1B8B  }
0x9f: {  	_ =	swait.ge [sflag:s21], $0x1  }
0xa0: {  	[sflag:s21] =	ssyncset.done $0x0  }
0xa1: {  	s23 =	simm.s32 $0x1B8E;
	s22 =	sld [smem:$0x3FFE];
	[sflag:s21] =	ssyncadd.s32 $0xFFFFFFFF  }
0xa2: {  	s24 =	simm.s32 $execute0_lowered;
	[smem:$0x3FD2] =	sst s23  }
0xa3: {  	s3 =	sshll.u32 s24, $0x1;
	_ =	strace $0x8000004F;
	[dreg:$0x1] =	wrdreg $0xFFFFFFFF  }
0xa4: {  	s25 =	simm.s32 $_size_execute0_lowered;
	s1 =	sadd.s32 s1, s3;
	[dreg:$0x0] =	wrdreg $0x0  }
0xa5: {  	s3 =	sshll.u32 s25, $0x1;
	[dreg:$0x2] =	wrdreg s1  }
0xa6: {  	[dreg:$0x3] =	wrdreg s3  }
0xa7: {  	[dreg:$0x4] =	wrdreg $0xC0  }
0xa8: {  	_ =	task [dreg:s5], $0x5FFFF  }
0xa9: {  	[dreg:$0x1] =	wrdreg $0xFFFFFFFF  }
0xaa: {  	[dreg:$0x0] =	wrdreg $0x60  }
0xab: {  	[dreg:$0x2] =	wrdreg s0  }
0xac: {  	[dreg:$0x3] =	wrdreg s22  }
0xad: {  	[dreg:$0x4] =	wrdreg $0x9  }
0xae: {  	_ =	task.clear_ibuf [dreg:s5], $0x5FFFF;
	_ =	strace $0x9000004F  }
0xaf: {  	s26 =	simm.s32 $0x9;
	_ =	strace $0x80000051  }
0xb0: {  	_ =	swait.ge [sflag:s26], $0x1  }
0xb1: {  	[sflag:s26] =	ssyncadd.s32 $0xFFFFFFFF  }
0xb2: {  	_ =	strace $0x90000051  }
0xb3: {  	_ =	sfence  }
0xb4: {  	s28 =	sld [smem:$0x0];
	_ =	sdelay $0x1  }
0xb5: {  	s29 =	srdreg.scid  }
0xb6: {  	s30 =	sshll.u32 s29, $0xD;
	s31 =	sshrl.u32 s29, $0x2  }
0xb7: {  	s2 =	sand.u32 $0x4000, s30;
	s1 =	sand.u32 $0x1, s29;
	s0 =	sadd.s32 s31, s28  }
0xb8: {  	s1 =	sor.u32 s2, s1;
	s0 =	sshll.u32 s0, $0x11  }
0xb9: {  	s0 =	sor.u32 s0, s1  }
0xba: {  	s0 =	sadd.s32 $0x8F2B, s0  }
0xbb: {  	[sflag:s0] =	ssyncadd.remote.s32 $0x1  }
0xbc: {  	_ =	sfence.sel $0xFFFF  }
0xbd: {  	[dreg:$0x0] =	wrdreg $0xFFFFFFFF;
	(pc) =	sbr.abs _section_cstart, $3  }
0xbe: {  	[dreg:$0x1] =	wrdreg $0xFFFFFFFF  }
0xbf: {  	_ =	task.clear_ibuf [dreg:s5], $0x2FFFF;
	_ =	strace $0x9FFFFFFF  }
0xc0: {  	(tm) =	ssettm $0x7FFFFFFF  }
0xc1: {  	_ =	shalt  }
tec
execute0_lowered:
.L_overlay_start_1:
0x0: {  	(tag) =	ssettag $0x1  }
0x1: {  	s0 =	stileid.u32  }
0x2: {  	s1 =	smin.u32 s0, $0x6  }
0x3: {  	s1 =	sadd.s32 s0, s1  }
0x4: {  	s2 =	simm.s32 $0x90;
	p0 =	slt.u32 s0, $0x6;
	s1 =	smul.u32 $0x48, s1  }
0x5: {  	s2 =	simm.s32 @!p0 $0x48  }
0x6: {  	s2 =	sadd.s32 s2, s1  }
0x7: {  	s3 =	smin.u32 s2, $0x630  }
0x8: {  	s7 =	ssub.s32 s3, s1  }
0x9: {  	p0 =	sgt.s32 s7, $0x0  }
0xa: {  	s7 =	simm.s32 @!p0 $0x0  }
0xb: {  	s4 =	rddreg [dreg:$0x0];
	s31 =	smul.u32 $0xE38F, s7  }
0xc: {  	s9 =	rddreg [dreg:$0x1];
	s6 =	simm.s32 $0x1  }
0xd: {  	s11 =	simm.s32 $0x3;
	s13 =	simm.s32 $0x0;
	s8 =	sshrl.u32 s31, $0x16  }
0xe: {  	s12 =	simm.s32 $0x0;
	s5 =	sadd.s32 $0x5DC00, s9;
	s10 =	smul.u32 $0x48, s8  }
.Ltmp0:
0xf: {  	s9 =	sadd.s32 $0x5E000, s9;
	s2 =	rddreg [dreg:$0x2];
	(pc) =	sbr.rel .LBB2_1-.Ltmp0, $4  }
0x10: {  	_ =	strace $0x80000050;
	p0 =	sne.s32 s7, s10;
	s10 =	simm.s32 $0x1  }
0x11: {  	[sflag:s6] =	ssyncpa.u1 $0x0;
	s7 =	simm.s32 $0x2;
	s10 =	simm.s32 @!p0 $0x0  }
0x12: {  	[sflag:s7] =	ssyncpa.u1 $0x0;
	p0 =	por $0x0, $0x0;
	s8 =	sadd.s32 s8, s10  }
0x13: {  	vm0 =	vmmov $0xff;
	vm1 =	vcmask $0x3F20;
	[sflag:s11] =	ssyncpa.u1 $0x0;
	s11 =	smov.u32 s1;
	s10 =	sadd.s32 $0x1, s8  }
.LBB2_6:
0x14: {  	[hbm:s17] =	stream.linear.scatter [tilespmem:s14], [sflag:$0x3], $0x400, $0x38;
	[tilespmem:$0x4890] =	vst v63  }
.LBB2_7:
0x15: {  	s13 =	sadd.s32 $0x48, s11  }
0x16: {  	s15 =	smov.u32 s1;
	p2 =	slt.s32 s13, s3  }
0x17: {  	s15 =	smov.u32 @p2 s13;
	p2 =	sne.s32 s12, s10  }
.Ltmp1:
0x18: {  	p1 =	slt.u32 s12, $0x2;
	(pc) =	sbr.rel @!p2 .LBB2_8-.Ltmp1, $4  }
0x19: {  	s14 =	simm.s32 @!p1 $0x3  }
0x1a: {  	s16 =	sadd.s32 $0x1, s12;
	_ =	swait.ge @!p1 [sflag:s14], $0x2400  }
0x1b: {  	p0 =	por !p0, !p0;
	s13 =	smov.u32 s11;
	[sflag:s14] =	ssyncset.done @!p1 $0x0  }
0x1c: {  	s12 =	smov.u32 s16;
	s11 =	smov.u32 s15;
	[sflag:s14] =	ssyncadd.s32 @!p1 $0xFFFFDC00  }
.LBB2_1:
0x1d: {  	p1 =	sge.u32 s12, s8  }
0x1e: {  	s14 =	sxor.u32 @!p1 $0xFFFFFFFF, s12  }
0x1f: {  	s14 =	sand.u32 @!p1 $0x1, s14  }
0x20: {  	s14 =	smul.u32 @!p1 $0x120, s14  }
0x21: {  	s31 =	sadd.s32 $0xFFFFFFFF, s12;
	s15 =	sshrl.u32 @!p1 s11, $0x3  }
0x22: {  	s16 =	sand.u32 @!p1 $0x7, s11;
	s15 =	sadd.s32 @!p1 s5, s15;
	s14 =	sshrl.u32 @!p1 s14, $0x2  }
0x23: {  	[tilespmem:s14], [sflag:$0x2] =	stream.linear.gather @!p1 [hbm4b:s15+s16], $0x48, $0x38;
	[tilespmem:$0x4890] =	vst v63  }
0x24: {  	p1 =	sge.u32 s31, s8  }
.Ltmp2:
0x25: {  	_ = 	snop;
	(pc) =	sbr.rel @p1 .LBB2_7-.Ltmp2, $1  }
0x26: {  	_ =	sdelay $0x3  }
0x27: {  	s14 =	simm.s32 $0x1  }
0x28: {  	s14 =	simm.s32 @!p0 $0x0  }
0x29: {  	s15 =	smul.u32 $0x120, s14  }
0x2a: {  	_ =	swait.ge [sflag:s7], $0x48  }
0x2b: {  	[sflag:s7] =	ssyncset.done $0x0;
	s16 =	sshrl.u32 s15, $0x2  }
0x2c: {  	[sflag:s7] =	ssyncadd.s32 $0xFFFFFFB8;
	s15 =	sadd.s32 $0x0, s16  }
0x2d: {  	v0 =	vld.msk [tilespmem:s15+$0x0 ss:$0x1], $0xffff;
	_ =	sdelay $0x4  }
0x2e: {  	vm2 =	vgt.s32 v0, $0x0  }
0x2f: {  	v0 =	vnsel vm2, $0x0, v0  }
0x30: {  	v0 =	vmin.u32 v0, $0x752F  }
0x31: {  	v0 =	vshll.u32 v0, $0x4  }
0x32: {  	s14 =	smul.u32 $0x9000, s14  }
0x33: {  	s31 =	sand.u32 $0x1, s12  }
0x34: {  	s17 =	smul.u32 $0x120, s31;
	s14 =	sshrl.u32 s14, $0x2  }
0x35: {  	s19 =	smul.u32 $0x9000, s31;
	s14 =	sor.u32 $0x90, s14  }
0x36: {  	[tilespmem:s14], [sflag:$0x1] =	stream.indirect_vreg.gather [hbm:s4], $0x80, v0, vm0, $0x38;
	[tilespmem:$0x4890] =	vst v63  }
0x37: {  	s18 =	sshrl.u32 s17, $0x2;
	s20 =	sadd.s32 $0x10, s16;
	s15 =	sadd.s32 $0x400, s14  }
0x38: {  	[tilespmem:s15], [sflag:$0x1] =	stream.indirect_vreg.gather [hbm:s4], $0x80, v0, vm1, $0x38;
	[tilespmem:$0x4890] =	vst v63  }
0x39: {  	s17 =	sshrl.u32 s19, $0x2;
	s19 =	smov.u32 s14;
	v0 =	vld.msk [tilespmem:s20+$0x0 ss:$0x1], $0xffff;
	s20 =	simm.s32 $0x80  }
.LBB2_3:
0x3a: {  	p1 =	sne.s32 s20, $0xC0;
	_ =	sdelay $0x4  }
0x3b: {  	vm2 =	vgt.s32 v0, $0x0  }
0x3c: {  	v0 =	vnsel vm2, $0x0, v0  }
0x3d: {  	v0 =	vmin.u32 v0, $0x752F  }
0x3e: {  	v0 =	vshll.u32 v0, $0x4;
	_ =	sdelay $0x3  }
.Ltmp3:
0x3f: {  	s21 =	sshra.s32 s20, $0x2;
	s19 =	sadd.s32 $0x800, s19;
	(pc) =	sbr.rel @p1 .LBB2_3-.Ltmp3, $4  }
0x40: {  	[tilespmem:s19], [sflag:$0x1] =	stream.indirect_vreg.gather [hbm:s4], $0x80, v0, vm0, $0x38;
	[tilespmem:$0x4890] =	vst v63  }
0x41: {  	s21 =	sadd.s32 s21, s16;
	s22 =	sadd.s32 $0x400, s19  }
0x42: {  	[tilespmem:s22], [sflag:$0x1] =	stream.indirect_vreg.gather [hbm:s4], $0x80, v0, vm1, $0x38;
	[tilespmem:$0x4890] =	vst v63  }
0x43: {  	s20 =	sadd.s32 $0x40, s20;
	v0 =	vld.msk [tilespmem:s21+$0x0 ss:$0x1], $0xffff  }
0x44: {  	_ =	sdelay $0x3  }
0x45: {  	vm2 =	vgt.s32 v0, $0x0  }
0x46: {  	v0 =	vnsel vm2, $0x0, v0  }
0x47: {  	v0 =	vmin.u32 v0, $0x752F  }
0x48: {  	v0 =	vshll.u32 v0, $0x4;
	_ =	sdelay $0x3  }
0x49: {  	s16 =	sadd.s32 $0x800, s19  }
0x4a: {  	[tilespmem:s16], [sflag:$0x1] =	stream.indirect_vreg.gather [hbm:s4], $0x80, v0, vm0, $0x38;
	[tilespmem:$0x4890] =	vst v63  }
0x4b: {  	s16 =	sadd.s32 $0x400, s16  }
0x4c: {  	[tilespmem:s16], [sflag:$0x1] =	stream.indirect_vreg.gather [hbm:s4], $0x80, v0, vm1, $0x38;
	[tilespmem:$0x4890] =	vst v63  }
0x4d: {  	v0 =	vld.msk [tilespmem:s18+$0x40 ss:$0x1], $0xff;
	_ =	sdelay $0x4  }
0x4e: {  	vm2 =	vgt.s32 v0, $0x0  }
0x4f: {  	v0 =	vnsel vm2, $0x0, v0  }
0x50: {  	v0 =	vmin.u32 v0, $0x752F  }
0x51: {  	v0 =	vshll.u32 v0, $0x4;
	_ =	sdelay $0x3  }
0x52: {  	s31 =	sadd.s32 $0x2090, s17  }
0x53: {  	[tilespmem:s31], [sflag:$0x1] =	stream.indirect_vreg.gather [hbm:s4], $0x80, v0, vm0, $0x38;
	[tilespmem:$0x4890] =	vst v63  }
0x54: {  	s13 =	sshll.u32 s13, $0x4;
	_ =	swait.ge [sflag:s6], $0x2400  }
0x55: {  	s13 =	sadd.s32 s13, s9;
	[sflag:s6] =	ssyncset.done $0x0  }
0x56: {  	s17 =	sadd.s32 $0x0, s13;
	s16 =	simm.s32 $0x80;
	[sflag:s6] =	ssyncadd.s32 $0xFFFFDC00  }
.LBB2_5:
0x57: {  	[hbm:s17] =	stream.linear.scatter [tilespmem:s14], [sflag:$0x3], $0x400, $0x38;
	[tilespmem:$0x4890] =	vst v63  }
0x58: {  	s17 =	smov.u32 s16;
	s14 =	smov.u32 s15;
	p1 =	sne.s32 s16, $0x400  }
.Ltmp4:
0x59: {  	s16 =	sadd.s32 $0x80, s16;
	(pc) =	sbr.rel @p1 .LBB2_5-.Ltmp4, $2  }
0x5a: {  	_ =	sdelay $0x2  }
0x5b: {  	s15 =	sadd.s32 $0x400, s15;
	s17 =	sadd.s32 s17, s13  }
.Ltmp5:
0x5c: {  	_ = 	snop;
	(pc) =	sbr.rel .LBB2_6-.Ltmp5, $1  }
0x5d: {  	_ =	sdelay $0x3  }
.LBB2_8:
0x5e: {  	_ =	sfence.sel $0x180000  }
0x5f: {  	s1 =	simm.s32 $0x2;
	[bflag:$0x0] =	sbarrier.arrive $0xFFFF  }
0x60: {  	s30 =	simm.s32 $0x3;
	[sflag:s1] =	ssyncpa.u1 $0x1  }
0x61: {  	s31 =	simm.s32 $0x1;
	[sflag:s30] =	ssyncpa.u1 $0x1  }
0x62: {  	[sflag:s31] =	ssyncpa.u1 $0x1  }
0x63: {  	p0 =	sne.s32 s0, $0x0;
	_ =	strace $0x90000050  }
0x64: {  	s0 =	sadd.s32 @!p0 $0x100000, s2;
	[bflag:$0x2] =	sbarrier.arrive $0xFFFF  }
0x65: {  	[sflag:s0] =	ssyncadd.tile.s32 @!p0 $0x1;
	_ =	shalt  }
.Lfunc_end2:
_tile_overlayer_lowered:
.L_overlay_start_2:
0x66: {  	(tag) =	ssettag $0x2  }
0x67: {  	s0 =	rddreg [dreg:$0x0];
	s2 =	stileid.u32  }
0x68: {  	s1 =	rddreg [dreg:$0x1];
	p0 =	sne.s32 s2, $0x0  }
0x69: {  	s3 =	rddreg [dreg:$0x2];
	[bflag:$0x3] =	sbarrier.arrive $0xFFFF;
	s2 =	simm.s32 @!p0 $0x1C01  }
0x6a: {  	[timem:s3], [sflag:s2] =	dma.local @!p0 [hbm:s0], s1  }
0x6b: {  	s0 =	simm.s32 @!p0 $0x1  }
0x6c: {  	_ =	swait.ge @!p0 [sflag:s0], s1  }
0x6d: {  	s1 =	ssub.s32 @!p0 $0x0, s1;
	[sflag:s0] =	ssyncset.done @!p0 $0x0  }
0x6e: {  	[sflag:s0] =	ssyncadd.s32 @!p0 s1  }
0x6f: {  	[bflag:$0x3] =	sbarrier.arrive $0xFFFF  }
0x70: {  	_ =	shalt  }

// kernel: gather_offload_async_start
scs
__scs_entry_jumppad:
0x0: {  	(pc) =	sbr.rel $0x88, $3  }
0x1: {  	(tag) =	ssettag $0x0;
	lr =	simm.s32 $0x1  }
0x2: {  	[smem:$0x3F87] =	sst lr;
	_ =	strace $0xD0000000  }
0x3: {  	_ = 	snop  }
0x4: {  	_ = 	snop  }
0x5: {  	_ = 	snop  }
0x6: {  	_ = 	snop  }
0x7: {  	_ = 	snop  }
__scs_overlays_trampoline_lowered:
0x8: {  	[smem:$0x3F96] =	sst s0  }
0x9: {  	[smem:$0x3F97] =	sst s1  }
0xa: {  	[smem:$0x3F98] =	sst s2  }
0xb: {  	[smem:$0x3F99] =	sst s3  }
0xc: {  	[smem:$0x3F9A] =	sst s4  }
0xd: {  	[smem:$0x3F9B] =	sst s5  }
0xe: {  	[smem:$0x3F9C] =	sst s6  }
0xf: {  	[smem:$0x3F9D] =	sst s7  }
0x10: {  	[smem:$0x3F9E] =	sst s8  }
0x11: {  	[smem:$0x3F9F] =	sst s9;
	s0 =	simm.s32 @!p0 $0x0  }
0x12: {  	s1 =	sld [smem:$0x3F85];
	s0 =	simm.s32 @p0 $0x1  }
0x13: {  	[smem:$0x3FA0] =	sst s0;
	s0 =	simm.s32 @!p1 $0x0  }
0x14: {  	s2 =	sld [smem:$0x3F84];
	s0 =	simm.s32 @p1 $0x1  }
0x15: {  	[smem:$0x3FA1] =	sst s0;
	s0 =	simm.s32 @!p2 $0x0  }
0x16: {  	s3 =	sld [smem:$0x3FDB];
	s0 =	simm.s32 @p2 $0x1  }
0x17: {  	s4 =	simm.s32 $0x1BF5;
	[smem:$0x3FA3] =	sst s0  }
0x18: {  	s0 =	sld [smem:$0x3F86];
	_ =	swait.ge [sflag:s4], $0x0  }
0x19: {  	s7 =	sld [smem:$0x3F87]  }
0x1a: {  	s8 =	sadd.s32 $0xFFFFE003, lr  }
0x1b: {  	s9 =	sadd.s32 $0xFFFFFEF7, lr;
	s5 =	simm.s32 $0xFFFFFFFF;
	p2 =	slt.u32 s8, $0xFFFFF086  }
0x1c: {  	p1 =	slt.u32 s9, $0xF7A;
	s5 =	simm.s32 @!p2 $0x0  }
0x1d: {  	s5 =	simm.s32 @p1 $0x1;
	p0 =	seq.s32 s7, s2  }
0x1e: {  	s7 =	smul.u32 @!p0 $0xF7A, s2;
	p2 =	seq.s32 @!p0 s5, $0x0  }
0x1f: {  	s9 =	smul.u32 $0xF7A, s1;
	s8 =	simm.s32 @!p0 $0x1BF5;
	p2 =	por !p2, p0  }
0x20: {  	[sflag:s8] =	ssyncset.s32 @!p0 $0xFFFFF086;
	s6 =	sadd.s32 @!p0 s3, s7;
	s7 =	simm.s32 @!p0 $0x108  }
0x21: {  	s3 =	sadd.s32 s3, s9;
	s6 =	sadd.s32 @!p0 $0x88, s6;
	s7 =	simm.s32 @p2 $0x1082  }
0x22: {  	[simem:s7], [sflag:s8] =	dma.local @!p0 [hbm:s6], $0xF7A  }
0x23: {  	s9 =	sor.u32 $0xD0000000, s2;
	s6 =	simm.s32 $0x108;
	_ =	swait.ge @!p0 [sflag:s8], $0x0  }
0x24: {  	s3 =	sadd.s32 $0x88, s3;
	s6 =	simm.s32 @!p1 $0x1082;
	[sflag:s4] =	ssyncset.s32 $0xFFFFF086  }
0x25: {  	[simem:s6], [sflag:s4] =	dma.local [hbm:s3], $0xF7A  }
0x26: {  	[smem:$0x3F87] =	sst s1;
	(tag) =	ssettag s2;
	_ =	strace s9  }
0x27: {  	s1 =	sld [smem:$0x3F97]  }
0x28: {  	s2 =	sld [smem:$0x3F98]  }
0x29: {  	s4 =	sld [smem:$0x3F9A]  }
0x2a: {  	p0 =	seq.s32 s5, $0x0;
	s5 =	sld [smem:$0x3F9B]  }
0x2b: {  	s6 =	sld [smem:$0x3F9C]  }
0x2c: {  	s7 =	sld [smem:$0x3F9D]  }
0x2d: {  	s3 =	simm.s32 $0x108;
	s8 =	sld [smem:$0x3F9E]  }
0x2e: {  	s3 =	simm.s32 @!p0 $0x1082;
	s9 =	sld [smem:$0x3F9F]  }
0x2f: {  	lr =	sadd.s32 s0, s3;
	s0 =	sld [smem:$0x3F96]  }
0x30: {  	s3 =	sld [smem:$0x3F99]  }
0x31: {  	[smem:$0x3FA2] =	sst s10  }
0x32: {  	s10 =	sld [smem:$0x3FA0];
	_ =	sdelay $0x3  }
0x33: {  	p0 =	seq.s32 s10, $0x1;
	s10 =	sld [smem:$0x3FA2];
	_ =	sdelay $0x3  }
0x34: {  	[smem:$0x3FA2] =	sst s10  }
0x35: {  	s10 =	sld [smem:$0x3FA1];
	_ =	sdelay $0x3  }
0x36: {  	p1 =	seq.s32 s10, $0x1;
	s10 =	sld [smem:$0x3FA2];
	_ =	sdelay $0x3  }
0x37: {  	[smem:$0x3FA2] =	sst s10  }
0x38: {  	s10 =	sld [smem:$0x3FA3]  }
0x39: {  	_ = 	snop;
	(pc) =	sbr.ind lr, $3  }
0x3a: {  	_ = 	snop  }
0x3b: {  	_ = 	snop  }
0x3c: {  	p2 =	seq.s32 s10, $0x1;
	s10 =	sld [smem:$0x3FA2]  }
0x3d: {  	_ =	shalt  }
0x3e: {  	_ =	shalt  }
0x3f: {  	_ =	shalt  }
0x40: {  	_ =	shalt  }
0x41: {  	_ =	shalt  }
0x42: {  	_ =	shalt  }
0x43: {  	_ =	shalt  }
0x44: {  	_ =	shalt  }
0x45: {  	_ =	shalt  }
0x46: {  	_ =	shalt  }
0x47: {  	_ =	shalt  }
0x48: {  	_ =	shalt  }
0x49: {  	_ =	shalt  }
0x4a: {  	_ =	shalt  }
0x4b: {  	_ =	shalt  }
0x4c: {  	_ =	shalt  }
0x4d: {  	_ =	shalt  }
0x4e: {  	_ =	shalt  }
0x4f: {  	_ =	shalt  }
0x50: {  	_ =	shalt  }
0x51: {  	_ =	shalt  }
0x52: {  	_ =	shalt  }
0x53: {  	_ =	shalt  }
0x54: {  	_ =	shalt  }
0x55: {  	_ =	shalt  }
0x56: {  	_ =	shalt  }
0x57: {  	_ =	shalt  }
0x58: {  	_ =	shalt  }
0x59: {  	_ =	shalt  }
0x5a: {  	_ =	shalt  }
0x5b: {  	_ =	shalt  }
0x5c: {  	_ =	shalt  }
0x5d: {  	_ =	shalt  }
0x5e: {  	_ =	shalt  }
0x5f: {  	_ =	shalt  }
0x60: {  	_ =	shalt  }
0x61: {  	_ =	shalt  }
0x62: {  	_ =	shalt  }
0x63: {  	_ =	shalt  }
0x64: {  	_ =	shalt  }
0x65: {  	_ =	shalt  }
0x66: {  	_ =	shalt  }
0x67: {  	_ =	shalt  }
0x68: {  	_ =	shalt  }
0x69: {  	_ =	shalt  }
0x6a: {  	_ =	shalt  }
0x6b: {  	_ =	shalt  }
0x6c: {  	_ =	shalt  }
0x6d: {  	_ =	shalt  }
0x6e: {  	_ =	shalt  }
0x6f: {  	_ =	shalt  }
0x70: {  	_ =	shalt  }
0x71: {  	_ =	shalt  }
0x72: {  	_ =	shalt  }
0x73: {  	_ =	shalt  }
0x74: {  	_ =	shalt  }
0x75: {  	_ =	shalt  }
0x76: {  	_ =	shalt  }
0x77: {  	_ =	shalt  }
0x78: {  	_ =	shalt  }
0x79: {  	_ =	shalt  }
0x7a: {  	_ =	shalt  }
0x7b: {  	_ =	shalt  }
0x7c: {  	_ =	shalt  }
0x7d: {  	_ =	shalt  }
0x7e: {  	_ =	shalt  }
0x7f: {  	_ =	shalt  }
0x80: {  	_ =	shalt  }
0x81: {  	_ =	shalt  }
0x82: {  	_ =	shalt  }
0x83: {  	_ =	shalt  }
0x84: {  	_ =	shalt  }
0x85: {  	_ =	shalt  }
0x86: {  	_ =	shalt  }
0x87: {  	_ =	shalt  }
.Lfunc_end0:
.L_simem_size_0:
called_computation_lowered:
.L_overlay_start_0:
0x88: {  	s0 =	sld [smem:$0x3FD9]  }
0x89: {  	s1 =	sld [smem:$0x3FFE];
	_ =	sdelay $0x3  }
0x8a: {  	s0 =	sadd.s32 s1, s0  }
0x8b: {  	[smem:$0x3FAE] =	sst s0  }
0x8c: {  	_ = 	snop  }
0x8d: {  	s0 =	sld [smem:$0x3FD0];
	(tm) =	ssettm $0x1  }
0x8e: {  	s16 =	sld [smem:$0x3FFB];
	_ =	sdelay $0x3  }
0x8f: {  	_ =	strace s16  }
0x90: {  	s1 =	sld [smem:$0x3FFC];
	_ =	sdelay $0x3  }
0x91: {  	_ =	strace s1  }
0x92: {  	s1 =	sld [smem:$0x3FFD];
	_ =	sdelay $0x3  }
0x93: {  	_ =	strace s1  }
0x94: {  	_ =	strace $0x8FFFFFFF  }
0x95: {  	s17 =	sld [smem:$0x3FDB];
	_ =	sdelay $0x1  }
0x96: {  	s2 =	simm.s32 $_scs_section_size  }
0x97: {  	s3 =	simm.s32 $_size__tile_overlayer_lowered;
	s4 =	simm.s32 $_tile_overlayer_lowered  }
0x98: {  	s20 =	simm.s32 $0x1BFF;
	s19 =	sshll.u32 s4, $0x1;
	s1 =	sadd.s32 s2, s17  }
0x99: {  	s5 =	simm.s32 $0x0;
	s18 =	sshll.u32 s3, $0x1;
	s3 =	sadd.s32 s19, s1  }
0x9a: {  	[timem:s5], [sflag:s20] =	dma.local [hbm:s3], s18  }
0x9b: {  	_ =	swait.ge [sflag:s20], s18  }
0x9c: {  	s2 =	ssub.s32 $0x0, s18;
	[sflag:s20] =	ssyncset.done $0x0  }
0x9d: {  	[sflag:s20] =	ssyncadd.s32 s2;
	_ =	sdelay $0x1  }
0x9e: {  	s21 =	simm.s32 $0x1B8B  }
0x9f: {  	_ =	swait.ge [sflag:s21], $0x1  }
0xa0: {  	[sflag:s21] =	ssyncset.done $0x0  }
0xa1: {  	s23 =	simm.s32 $0x1B8E;
	s22 =	sld [smem:$0x3FFE];
	[sflag:s21] =	ssyncadd.s32 $0xFFFFFFFF  }
0xa2: {  	s24 =	simm.s32 $execute0_lowered;
	[smem:$0x3FD2] =	sst s23  }
0xa3: {  	s3 =	sshll.u32 s24, $0x1;
	_ =	strace $0x80000052;
	[dreg:$0x1] =	wrdreg $0xFFFFFFFF  }
0xa4: {  	s25 =	simm.s32 $_size_execute0_lowered;
	s1 =	sadd.s32 s1, s3;
	[dreg:$0x0] =	wrdreg $0x0  }
0xa5: {  	s3 =	sshll.u32 s25, $0x1;
	[dreg:$0x2] =	wrdreg s1  }
0xa6: {  	[dreg:$0x3] =	wrdreg s3  }
0xa7: {  	[dreg:$0x4] =	wrdreg $0xC0  }
0xa8: {  	_ =	task [dreg:s5], $0x5FFFF  }
0xa9: {  	[dreg:$0x1] =	wrdreg $0xFFFFFFFF  }
0xaa: {  	[dreg:$0x0] =	wrdreg $0x60  }
0xab: {  	[dreg:$0x2] =	wrdreg s22  }
0xac: {  	[dreg:$0x3] =	wrdreg s0  }
0xad: {  	[dreg:$0x4] =	wrdreg $0xA  }
0xae: {  	_ =	task.clear_ibuf [dreg:s5], $0x5FFFF;
	_ =	strace $0x90000052  }
0xaf: {  	s26 =	simm.s32 $0xA;
	_ =	strace $0x80000054  }
0xb0: {  	_ =	swait.ge [sflag:s26], $0x1  }
0xb1: {  	[sflag:s26] =	ssyncadd.s32 $0xFFFFFFFF  }
0xb2: {  	_ =	strace $0x90000054  }
0xb3: {  	_ =	sfence  }
0xb4: {  	s28 =	sld [smem:$0x0];
	_ =	sdelay $0x1  }
0xb5: {  	s29 =	srdreg.scid  }
0xb6: {  	s30 =	sshll.u32 s29, $0xD;
	s31 =	sshrl.u32 s29, $0x2  }
0xb7: {  	s2 =	sand.u32 $0x4000, s30;
	s1 =	sand.u32 $0x1, s29;
	s0 =	sadd.s32 s31, s28  }
0xb8: {  	s1 =	sor.u32 s2, s1;
	s0 =	sshll.u32 s0, $0x11  }
0xb9: {  	s0 =	sor.u32 s0, s1  }
0xba: {  	s0 =	sadd.s32 $0x8F2B, s0  }
0xbb: {  	[sflag:s0] =	ssyncadd.remote.s32 $0x1  }
0xbc: {  	_ =	sfence.sel $0xFFFF  }
0xbd: {  	[dreg:$0x0] =	wrdreg $0xFFFFFFFF;
	(pc) =	sbr.abs _section_cstart, $3  }
0xbe: {  	[dreg:$0x1] =	wrdreg $0xFFFFFFFF  }
0xbf: {  	_ =	task.clear_ibuf [dreg:s5], $0x2FFFF;
	_ =	strace $0x9FFFFFFF  }
0xc0: {  	(tm) =	ssettm $0x7FFFFFFF  }
0xc1: {  	_ =	shalt  }
tec
execute0_lowered:
.L_overlay_start_1:
0x0: {  	(tag) =	ssettag $0x1  }
0x1: {  	s0 =	stileid.u32  }
0x2: {  	s1 =	smin.u32 s0, $0x6  }
0x3: {  	s1 =	sadd.s32 s0, s1  }
0x4: {  	s2 =	simm.s32 $0x90;
	p0 =	slt.u32 s0, $0x6;
	s1 =	smul.u32 $0x48, s1  }
0x5: {  	s2 =	simm.s32 @!p0 $0x48  }
0x6: {  	s2 =	sadd.s32 s2, s1  }
0x7: {  	s3 =	smin.u32 s2, $0x630  }
0x8: {  	s7 =	ssub.s32 s3, s1  }
0x9: {  	p0 =	sgt.s32 s7, $0x0  }
0xa: {  	s7 =	simm.s32 @!p0 $0x0  }
0xb: {  	s9 =	rddreg [dreg:$0x0];
	s31 =	smul.u32 $0xE38F, s7  }
0xc: {  	s4 =	rddreg [dreg:$0x1];
	s6 =	simm.s32 $0x1  }
0xd: {  	s11 =	simm.s32 $0x3;
	s13 =	simm.s32 $0x0;
	s8 =	sshrl.u32 s31, $0x16  }
0xe: {  	s12 =	simm.s32 $0x0;
	s5 =	sadd.s32 $0x4600, s9;
	s10 =	smul.u32 $0x48, s8  }
.Ltmp0:
0xf: {  	s9 =	sadd.s32 $0x5DE00, s9;
	s2 =	rddreg [dreg:$0x2];
	(pc) =	sbr.rel .LBB2_1-.Ltmp0, $4  }
0x10: {  	_ =	strace $0x80000053;
	p0 =	sne.s32 s7, s10;
	s10 =	simm.s32 $0x1  }
0x11: {  	[sflag:s6] =	ssyncpa.u1 $0x0;
	s7 =	simm.s32 $0x2;
	s10 =	simm.s32 @!p0 $0x0  }
0x12: {  	[sflag:s7] =	ssyncpa.u1 $0x0;
	p0 =	por $0x0, $0x0;
	s8 =	sadd.s32 s8, s10  }
0x13: {  	vm0 =	vmmov $0xff;
	vm1 =	vcmask $0x3F20;
	[sflag:s11] =	ssyncpa.u1 $0x0;
	s11 =	smov.u32 s1;
	s10 =	sadd.s32 $0x1, s8  }
.LBB2_6:
0x14: {  	[hbm:s17] =	stream.linear.scatter [tilespmem:s14], [sflag:$0x3], $0x400, $0x38;
	[tilespmem:$0x4890] =	vst v63  }
.LBB2_7:
0x15: {  	s13 =	sadd.s32 $0x48, s11  }
0x16: {  	s15 =	smov.u32 s1;
	p2 =	slt.s32 s13, s3  }
0x17: {  	s15 =	smov.u32 @p2 s13;
	p2 =	sne.s32 s12, s10  }
.Ltmp1:
0x18: {  	p1 =	slt.u32 s12, $0x2;
	(pc) =	sbr.rel @!p2 .LBB2_8-.Ltmp1, $4  }
0x19: {  	s14 =	simm.s32 @!p1 $0x3  }
0x1a: {  	s16 =	sadd.s32 $0x1, s12;
	_ =	swait.ge @!p1 [sflag:s14], $0x2400  }
0x1b: {  	p0 =	por !p0, !p0;
	s13 =	smov.u32 s11;
	[sflag:s14] =	ssyncset.done @!p1 $0x0  }
0x1c: {  	s12 =	smov.u32 s16;
	s11 =	smov.u32 s15;
	[sflag:s14] =	ssyncadd.s32 @!p1 $0xFFFFDC00  }
.LBB2_1:
0x1d: {  	p1 =	sge.u32 s12, s8  }
0x1e: {  	s14 =	sxor.u32 @!p1 $0xFFFFFFFF, s12  }
0x1f: {  	s14 =	sand.u32 @!p1 $0x1, s14  }
0x20: {  	s14 =	smul.u32 @!p1 $0x120, s14  }
0x21: {  	s31 =	sadd.s32 $0xFFFFFFFF, s12;
	s15 =	sshrl.u32 @!p1 s11, $0x3  }
0x22: {  	s16 =	sand.u32 @!p1 $0x7, s11;
	s15 =	sadd.s32 @!p1 s9, s15;
	s14 =	sshrl.u32 @!p1 s14, $0x2  }
0x23: {  	[tilespmem:s14], [sflag:$0x2] =	stream.linear.gather @!p1 [hbm4b:s15+s16], $0x48, $0x38;
	[tilespmem:$0x4890] =	vst v63  }
0x24: {  	p1 =	sge.u32 s31, s8  }
.Ltmp2:
0x25: {  	_ = 	snop;
	(pc) =	sbr.rel @p1 .LBB2_7-.Ltmp2, $1  }
0x26: {  	_ =	sdelay $0x3  }
0x27: {  	s14 =	simm.s32 $0x1  }
0x28: {  	s14 =	simm.s32 @!p0 $0x0  }
0x29: {  	s15 =	smul.u32 $0x120, s14  }
0x2a: {  	_ =	swait.ge [sflag:s7], $0x48  }
0x2b: {  	[sflag:s7] =	ssyncset.done $0x0;
	s16 =	sshrl.u32 s15, $0x2  }
0x2c: {  	[sflag:s7] =	ssyncadd.s32 $0xFFFFFFB8;
	s15 =	sadd.s32 $0x0, s16  }
0x2d: {  	v0 =	vld.msk [tilespmem:s15+$0x0 ss:$0x1], $0xffff;
	_ =	sdelay $0x4  }
0x2e: {  	vm2 =	vgt.s32 v0, $0x0  }
0x2f: {  	v0 =	vnsel vm2, $0x0, v0  }
0x30: {  	v0 =	vmin.u32 v0, $0x270F  }
0x31: {  	v0 =	vshll.u32 v0, $0x4  }
0x32: {  	s14 =	smul.u32 $0x9000, s14  }
0x33: {  	s31 =	sand.u32 $0x1, s12  }
0x34: {  	s17 =	smul.u32 $0x120, s31;
	s14 =	sshrl.u32 s14, $0x2  }
0x35: {  	s19 =	smul.u32 $0x9000, s31;
	s14 =	sor.u32 $0x90, s14  }
0x36: {  	[tilespmem:s14], [sflag:$0x1] =	stream.indirect_vreg.gather [hbm:s5], $0x80, v0, vm0, $0x38;
	[tilespmem:$0x4890] =	vst v63  }
0x37: {  	s18 =	sshrl.u32 s17, $0x2;
	s20 =	sadd.s32 $0x10, s16;
	s15 =	sadd.s32 $0x400, s14  }
0x38: {  	[tilespmem:s15], [sflag:$0x1] =	stream.indirect_vreg.gather [hbm:s5], $0x80, v0, vm1, $0x38;
	[tilespmem:$0x4890] =	vst v63  }
0x39: {  	s17 =	sshrl.u32 s19, $0x2;
	s19 =	smov.u32 s14;
	v0 =	vld.msk [tilespmem:s20+$0x0 ss:$0x1], $0xffff;
	s20 =	simm.s32 $0x80  }
.LBB2_3:
0x3a: {  	p1 =	sne.s32 s20, $0xC0;
	_ =	sdelay $0x4  }
0x3b: {  	vm2 =	vgt.s32 v0, $0x0  }
0x3c: {  	v0 =	vnsel vm2, $0x0, v0  }
0x3d: {  	v0 =	vmin.u32 v0, $0x270F  }
0x3e: {  	v0 =	vshll.u32 v0, $0x4;
	_ =	sdelay $0x3  }
.Ltmp3:
0x3f: {  	s21 =	sshra.s32 s20, $0x2;
	s19 =	sadd.s32 $0x800, s19;
	(pc) =	sbr.rel @p1 .LBB2_3-.Ltmp3, $4  }
0x40: {  	[tilespmem:s19], [sflag:$0x1] =	stream.indirect_vreg.gather [hbm:s5], $0x80, v0, vm0, $0x38;
	[tilespmem:$0x4890] =	vst v63  }
0x41: {  	s21 =	sadd.s32 s21, s16;
	s22 =	sadd.s32 $0x400, s19  }
0x42: {  	[tilespmem:s22], [sflag:$0x1] =	stream.indirect_vreg.gather [hbm:s5], $0x80, v0, vm1, $0x38;
	[tilespmem:$0x4890] =	vst v63  }
0x43: {  	s20 =	sadd.s32 $0x40, s20;
	v0 =	vld.msk [tilespmem:s21+$0x0 ss:$0x1], $0xffff  }
0x44: {  	_ =	sdelay $0x3  }
0x45: {  	vm2 =	vgt.s32 v0, $0x0  }
0x46: {  	v0 =	vnsel vm2, $0x0, v0  }
0x47: {  	v0 =	vmin.u32 v0, $0x270F  }
0x48: {  	v0 =	vshll.u32 v0, $0x4;
	_ =	sdelay $0x3  }
0x49: {  	s16 =	sadd.s32 $0x800, s19  }
0x4a: {  	[tilespmem:s16], [sflag:$0x1] =	stream.indirect_vreg.gather [hbm:s5], $0x80, v0, vm0, $0x38;
	[tilespmem:$0x4890] =	vst v63  }
0x4b: {  	s16 =	sadd.s32 $0x400, s16  }
0x4c: {  	[tilespmem:s16], [sflag:$0x1] =	stream.indirect_vreg.gather [hbm:s5], $0x80, v0, vm1, $0x38;
	[tilespmem:$0x4890] =	vst v63  }
0x4d: {  	v0 =	vld.msk [tilespmem:s18+$0x40 ss:$0x1], $0xff;
	_ =	sdelay $0x4  }
0x4e: {  	vm2 =	vgt.s32 v0, $0x0  }
0x4f: {  	v0 =	vnsel vm2, $0x0, v0  }
0x50: {  	v0 =	vmin.u32 v0, $0x270F  }
0x51: {  	v0 =	vshll.u32 v0, $0x4;
	_ =	sdelay $0x3  }
0x52: {  	s31 =	sadd.s32 $0x2090, s17  }
0x53: {  	[tilespmem:s31], [sflag:$0x1] =	stream.indirect_vreg.gather [hbm:s5], $0x80, v0, vm0, $0x38;
	[tilespmem:$0x4890] =	vst v63  }
0x54: {  	s13 =	sshll.u32 s13, $0x4;
	_ =	swait.ge [sflag:s6], $0x2400  }
0x55: {  	s13 =	sadd.s32 s13, s4;
	[sflag:s6] =	ssyncset.done $0x0  }
0x56: {  	s17 =	sadd.s32 $0x0, s13;
	s16 =	simm.s32 $0x80;
	[sflag:s6] =	ssyncadd.s32 $0xFFFFDC00  }
.LBB2_5:
0x57: {  	[hbm:s17] =	stream.linear.scatter [tilespmem:s14], [sflag:$0x3], $0x400, $0x38;
	[tilespmem:$0x4890] =	vst v63  }
0x58: {  	s17 =	smov.u32 s16;
	s14 =	smov.u32 s15;
	p1 =	sne.s32 s16, $0x400  }
.Ltmp4:
0x59: {  	s16 =	sadd.s32 $0x80, s16;
	(pc) =	sbr.rel @p1 .LBB2_5-.Ltmp4, $2  }
0x5a: {  	_ =	sdelay $0x2  }
0x5b: {  	s15 =	sadd.s32 $0x400, s15;
	s17 =	sadd.s32 s17, s13  }
.Ltmp5:
0x5c: {  	_ = 	snop;
	(pc) =	sbr.rel .LBB2_6-.Ltmp5, $1  }
0x5d: {  	_ =	sdelay $0x3  }
.LBB2_8:
0x5e: {  	_ =	sfence.sel $0x180000  }
0x5f: {  	s1 =	simm.s32 $0x2;
	[bflag:$0x0] =	sbarrier.arrive $0xFFFF  }
0x60: {  	s30 =	simm.s32 $0x3;
	[sflag:s1] =	ssyncpa.u1 $0x1  }
0x61: {  	s31 =	simm.s32 $0x1;
	[sflag:s30] =	ssyncpa.u1 $0x1  }
0x62: {  	[sflag:s31] =	ssyncpa.u1 $0x1  }
0x63: {  	p0 =	sne.s32 s0, $0x0;
	_ =	strace $0x90000053  }
0x64: {  	s0 =	sadd.s32 @!p0 $0x100000, s2;
	[bflag:$0x2] =	sbarrier.arrive $0xFFFF  }
0x65: {  	[sflag:s0] =	ssyncadd.tile.s32 @!p0 $0x1;
	_ =	shalt  }
.Lfunc_end2:
_tile_overlayer_lowered:
.L_overlay_start_2:
0x66: {  	(tag) =	ssettag $0x2  }
0x67: {  	s0 =	rddreg [dreg:$0x0];
	s2 =	stileid.u32  }
0x68: {  	s1 =	rddreg [dreg:$0x1];
	p0 =	sne.s32 s2, $0x0  }
0x69: {  	s3 =	rddreg [dreg:$0x2];
	[bflag:$0x3] =	sbarrier.arrive $0xFFFF;
	s2 =	simm.s32 @!p0 $0x1C01  }
0x6a: {  	[timem:s3], [sflag:s2] =	dma.local @!p0 [hbm:s0], s1  }
0x6b: {  	s0 =	simm.s32 @!p0 $0x1  }
0x6c: {  	_ =	swait.ge @!p0 [sflag:s0], s1  }
0x6d: {  	s1 =	ssub.s32 @!p0 $0x0, s1;
	[sflag:s0] =	ssyncset.done @!p0 $0x0  }
0x6e: {  	[sflag:s0] =	ssyncadd.s32 @!p0 s1  }
0x6f: {  	[bflag:$0x3] =	sbarrier.arrive $0xFFFF  }
0x70: {  	_ =	shalt  }

// kernel: kernel.12.cloned.1.call-start
scs
__scs_entry_jumppad:
0x0: {  	(pc) =	sbr.rel $0x88, $3  }
0x1: {  	(tag) =	ssettag $0x0;
	lr =	simm.s32 $0x1  }
0x2: {  	[smem:$0x3F87] =	sst lr;
	_ =	strace $0xD0000000  }
0x3: {  	_ = 	snop  }
0x4: {  	_ = 	snop  }
0x5: {  	_ = 	snop  }
0x6: {  	_ = 	snop  }
0x7: {  	_ = 	snop  }
__scs_overlays_trampoline_lowered:
0x8: {  	[smem:$0x3F96] =	sst s0  }
0x9: {  	[smem:$0x3F97] =	sst s1  }
0xa: {  	[smem:$0x3F98] =	sst s2  }
0xb: {  	[smem:$0x3F99] =	sst s3  }
0xc: {  	[smem:$0x3F9A] =	sst s4  }
0xd: {  	[smem:$0x3F9B] =	sst s5  }
0xe: {  	[smem:$0x3F9C] =	sst s6  }
0xf: {  	[smem:$0x3F9D] =	sst s7  }
0x10: {  	[smem:$0x3F9E] =	sst s8  }
0x11: {  	[smem:$0x3F9F] =	sst s9;
	s0 =	simm.s32 @!p0 $0x0  }
0x12: {  	s1 =	sld [smem:$0x3F85];
	s0 =	simm.s32 @p0 $0x1  }
0x13: {  	[smem:$0x3FA0] =	sst s0;
	s0 =	simm.s32 @!p1 $0x0  }
0x14: {  	s2 =	sld [smem:$0x3F84];
	s0 =	simm.s32 @p1 $0x1  }
0x15: {  	[smem:$0x3FA1] =	sst s0;
	s0 =	simm.s32 @!p2 $0x0  }
0x16: {  	s3 =	sld [smem:$0x3FDB];
	s0 =	simm.s32 @p2 $0x1  }
0x17: {  	s4 =	simm.s32 $0x1BF5;
	[smem:$0x3FA3] =	sst s0  }
0x18: {  	s0 =	sld [smem:$0x3F86];
	_ =	swait.ge [sflag:s4], $0x0  }
0x19: {  	s7 =	sld [smem:$0x3F87]  }
0x1a: {  	s8 =	sadd.s32 $0xFFFFE003, lr  }
0x1b: {  	s9 =	sadd.s32 $0xFFFFFEF7, lr;
	s5 =	simm.s32 $0xFFFFFFFF;
	p2 =	slt.u32 s8, $0xFFFFF086  }
0x1c: {  	p1 =	slt.u32 s9, $0xF7A;
	s5 =	simm.s32 @!p2 $0x0  }
0x1d: {  	s5 =	simm.s32 @p1 $0x1;
	p0 =	seq.s32 s7, s2  }
0x1e: {  	s7 =	smul.u32 @!p0 $0xF7A, s2;
	p2 =	seq.s32 @!p0 s5, $0x0  }
0x1f: {  	s9 =	smul.u32 $0xF7A, s1;
	s8 =	simm.s32 @!p0 $0x1BF5;
	p2 =	por !p2, p0  }
0x20: {  	[sflag:s8] =	ssyncset.s32 @!p0 $0xFFFFF086;
	s6 =	sadd.s32 @!p0 s3, s7;
	s7 =	simm.s32 @!p0 $0x108  }
0x21: {  	s3 =	sadd.s32 s3, s9;
	s6 =	sadd.s32 @!p0 $0x88, s6;
	s7 =	simm.s32 @p2 $0x1082  }
0x22: {  	[simem:s7], [sflag:s8] =	dma.local @!p0 [hbm:s6], $0xF7A  }
0x23: {  	s9 =	sor.u32 $0xD0000000, s2;
	s6 =	simm.s32 $0x108;
	_ =	swait.ge @!p0 [sflag:s8], $0x0  }
0x24: {  	s3 =	sadd.s32 $0x88, s3;
	s6 =	simm.s32 @!p1 $0x1082;
	[sflag:s4] =	ssyncset.s32 $0xFFFFF086  }
0x25: {  	[simem:s6], [sflag:s4] =	dma.local [hbm:s3], $0xF7A  }
0x26: {  	[smem:$0x3F87] =	sst s1;
	(tag) =	ssettag s2;
	_ =	strace s9  }
0x27: {  	s1 =	sld [smem:$0x3F97]  }
0x28: {  	s2 =	sld [smem:$0x3F98]  }
0x29: {  	s4 =	sld [smem:$0x3F9A]  }
0x2a: {  	p0 =	seq.s32 s5, $0x0;
	s5 =	sld [smem:$0x3F9B]  }
0x2b: {  	s6 =	sld [smem:$0x3F9C]  }
0x2c: {  	s7 =	sld [smem:$0x3F9D]  }
0x2d: {  	s3 =	simm.s32 $0x108;
	s8 =	sld [smem:$0x3F9E]  }
0x2e: {  	s3 =	simm.s32 @!p0 $0x1082;
	s9 =	sld [smem:$0x3F9F]  }
0x2f: {  	lr =	sadd.s32 s0, s3;
	s0 =	sld [smem:$0x3F96]  }
0x30: {  	s3 =	sld [smem:$0x3F99]  }
0x31: {  	[smem:$0x3FA2] =	sst s10  }
0x32: {  	s10 =	sld [smem:$0x3FA0];
	_ =	sdelay $0x3  }
0x33: {  	p0 =	seq.s32 s10, $0x1;
	s10 =	sld [smem:$0x3FA2];
	_ =	sdelay $0x3  }
0x34: {  	[smem:$0x3FA2] =	sst s10  }
0x35: {  	s10 =	sld [smem:$0x3FA1];
	_ =	sdelay $0x3  }
0x36: {  	p1 =	seq.s32 s10, $0x1;
	s10 =	sld [smem:$0x3FA2];
	_ =	sdelay $0x3  }
0x37: {  	[smem:$0x3FA2] =	sst s10  }
0x38: {  	s10 =	sld [smem:$0x3FA3]  }
0x39: {  	_ = 	snop;
	(pc) =	sbr.ind lr, $3  }
0x3a: {  	_ = 	snop  }
0x3b: {  	_ = 	snop  }
0x3c: {  	p2 =	seq.s32 s10, $0x1;
	s10 =	sld [smem:$0x3FA2]  }
0x3d: {  	_ =	shalt  }
0x3e: {  	_ =	shalt  }
0x3f: {  	_ =	shalt  }
0x40: {  	_ =	shalt  }
0x41: {  	_ =	shalt  }
0x42: {  	_ =	shalt  }
0x43: {  	_ =	shalt  }
0x44: {  	_ =	shalt  }
0x45: {  	_ =	shalt  }
0x46: {  	_ =	shalt  }
0x47: {  	_ =	shalt  }
0x48: {  	_ =	shalt  }
0x49: {  	_ =	shalt  }
0x4a: {  	_ =	shalt  }
0x4b: {  	_ =	shalt  }
0x4c: {  	_ =	shalt  }
0x4d: {  	_ =	shalt  }
0x4e: {  	_ =	shalt  }
0x4f: {  	_ =	shalt  }
0x50: {  	_ =	shalt  }
0x51: {  	_ =	shalt  }
0x52: {  	_ =	shalt  }
0x53: {  	_ =	shalt  }
0x54: {  	_ =	shalt  }
0x55: {  	_ =	shalt  }
0x56: {  	_ =	shalt  }
0x57: {  	_ =	shalt  }
0x58: {  	_ =	shalt  }
0x59: {  	_ =	shalt  }
0x5a: {  	_ =	shalt  }
0x5b: {  	_ =	shalt  }
0x5c: {  	_ =	shalt  }
0x5d: {  	_ =	shalt  }
0x5e: {  	_ =	shalt  }
0x5f: {  	_ =	shalt  }
0x60: {  	_ =	shalt  }
0x61: {  	_ =	shalt  }
0x62: {  	_ =	shalt  }
0x63: {  	_ =	shalt  }
0x64: {  	_ =	shalt  }
0x65: {  	_ =	shalt  }
0x66: {  	_ =	shalt  }
0x67: {  	_ =	shalt  }
0x68: {  	_ =	shalt  }
0x69: {  	_ =	shalt  }
0x6a: {  	_ =	shalt  }
0x6b: {  	_ =	shalt  }
0x6c: {  	_ =	shalt  }
0x6d: {  	_ =	shalt  }
0x6e: {  	_ =	shalt  }
0x6f: {  	_ =	shalt  }
0x70: {  	_ =	shalt  }
0x71: {  	_ =	shalt  }
0x72: {  	_ =	shalt  }
0x73: {  	_ =	shalt  }
0x74: {  	_ =	shalt  }
0x75: {  	_ =	shalt  }
0x76: {  	_ =	shalt  }
0x77: {  	_ =	shalt  }
0x78: {  	_ =	shalt  }
0x79: {  	_ =	shalt  }
0x7a: {  	_ =	shalt  }
0x7b: {  	_ =	shalt  }
0x7c: {  	_ =	shalt  }
0x7d: {  	_ =	shalt  }
0x7e: {  	_ =	shalt  }
0x7f: {  	_ =	shalt  }
0x80: {  	_ =	shalt  }
0x81: {  	_ =	shalt  }
0x82: {  	_ =	shalt  }
0x83: {  	_ =	shalt  }
0x84: {  	_ =	shalt  }
0x85: {  	_ =	shalt  }
0x86: {  	_ =	shalt  }
0x87: {  	_ =	shalt  }
.Lfunc_end0:
.L_simem_size_0:
called_computation.4_lowered:
.L_overlay_start_0:
0x88: {  	s2 =	sld [smem:$0x3FD9]  }
0x89: {  	s3 =	sld [smem:$0x3FFE];
	_ =	sdelay $0x1  }
0x8a: {  	s1 =	srdreg.scid  }
0x8b: {  	s0 =	sand.u32 $0x1, s1  }
0x8c: {  	s17 =	sshll.u32 s0, $0xA;
	s2 =	sadd.s32 s3, s2  }
0x8d: {  	s2 =	sadd.s32 s2, s17  }
0x8e: {  	[smem:$0x3FAE] =	sst s2  }
0x8f: {  	_ = 	snop  }
0x90: {  	s2 =	sld [smem:$0x3FD0];
	(tm) =	ssettm $0x1  }
0x91: {  	s18 =	sld [smem:$0x3FFB];
	_ =	sdelay $0x3  }
0x92: {  	_ =	strace s18  }
0x93: {  	s3 =	sld [smem:$0x3FFC];
	_ =	sdelay $0x3  }
0x94: {  	_ =	strace s3  }
0x95: {  	s3 =	sld [smem:$0x3FFD];
	_ =	sdelay $0x3  }
0x96: {  	_ =	strace s3  }
0x97: {  	_ =	strace $0x8FFFFFFF  }
0x98: {  	s19 =	sld [smem:$0x3FDB];
	_ =	sdelay $0x1  }
0x99: {  	s4 =	simm.s32 $_scs_section_size  }
0x9a: {  	s5 =	simm.s32 $_size__tile_overlayer_lowered;
	s6 =	simm.s32 $_tile_overlayer_lowered  }
0x9b: {  	s22 =	simm.s32 $0x1BFF;
	s21 =	sshll.u32 s6, $0x1;
	s3 =	sadd.s32 s4, s19  }
0x9c: {  	s7 =	simm.s32 $0x0;
	s20 =	sshll.u32 s5, $0x1;
	s5 =	sadd.s32 s21, s3  }
0x9d: {  	[timem:s7], [sflag:s22] =	dma.local [hbm:s5], s20  }
0x9e: {  	_ =	swait.ge [sflag:s22], s20  }
0x9f: {  	s4 =	ssub.s32 $0x0, s20;
	[sflag:s22] =	ssyncset.done $0x0  }
0xa0: {  	[sflag:s22] =	ssyncadd.s32 s4;
	_ =	sdelay $0x1  }
0xa1: {  	s23 =	simm.s32 $0x1B8B  }
0xa2: {  	_ =	swait.ge [sflag:s23], $0x1  }
0xa3: {  	[sflag:s23] =	ssyncset.done $0x0  }
0xa4: {  	s25 =	simm.s32 $0x1B8E;
	s24 =	sld [smem:$0x3FFE];
	[sflag:s23] =	ssyncadd.s32 $0xFFFFFFFF  }
0xa5: {  	s26 =	simm.s32 $execute0_lowered;
	[smem:$0x3FD2] =	sst s25  }
0xa6: {  	s5 =	sshll.u32 s26, $0x1;
	_ =	strace $0x8000004C;
	[dreg:$0x1] =	wrdreg $0xFFFFFFFF  }
0xa7: {  	s28 =	simm.s32 $_size_execute0_lowered;
	s3 =	sadd.s32 s3, s5;
	[dreg:$0x0] =	wrdreg $0x0  }
0xa8: {  	s5 =	sshll.u32 s28, $0x1;
	[dreg:$0x2] =	wrdreg s3  }
0xa9: {  	[dreg:$0x3] =	wrdreg s5  }
0xaa: {  	[dreg:$0x4] =	wrdreg $0xC0  }
0xab: {  	_ =	task [dreg:s7], $0x5FFFF  }
0xac: {  	[dreg:$0x1] =	wrdreg $0xFFFFFFFF  }
0xad: {  	[dreg:$0x0] =	wrdreg $0x60  }
0xae: {  	[dreg:$0x2] =	wrdreg s24  }
0xaf: {  	[dreg:$0x3] =	wrdreg s2  }
0xb0: {  	[dreg:$0x4] =	wrdreg $0xB9000  }
0xb1: {  	[dreg:$0x5] =	wrdreg $0xA  }
0xb2: {  	_ =	task.clear_ibuf [dreg:s7], $0x6FFFF;
	_ =	strace $0x9000004C  }
0xb3: {  	s29 =	simm.s32 $0xA;
	_ =	strace $0x8000004E  }
0xb4: {  	_ =	swait.ge [sflag:s29], $0x1  }
0xb5: {  	[sflag:s29] =	ssyncadd.s32 $0xFFFFFFFF  }
0xb6: {  	_ =	strace $0x9000004E  }
0xb7: {  	_ =	sfence  }
0xb8: {  	s30 =	sld [smem:$0x0];
	_ =	sdelay $0x2  }
0xb9: {  	s31 =	sshll.u32 s1, $0xD;
	s1 =	sshrl.u32 s1, $0x2  }
0xba: {  	s3 =	sand.u32 $0x4000, s31;
	s1 =	sadd.s32 s1, s30  }
0xbb: {  	s0 =	sor.u32 s3, s0;
	s1 =	sshll.u32 s1, $0x11  }
0xbc: {  	s0 =	sor.u32 s1, s0  }
0xbd: {  	s0 =	sadd.s32 $0x8F2B, s0  }
0xbe: {  	[sflag:s0] =	ssyncadd.remote.s32 $0x1  }
0xbf: {  	_ =	sfence.sel $0xFFFF  }
0xc0: {  	[dreg:$0x0] =	wrdreg $0xFFFFFFFF;
	(pc) =	sbr.abs _section_cstart, $3  }
0xc1: {  	[dreg:$0x1] =	wrdreg $0xFFFFFFFF  }
0xc2: {  	_ =	task.clear_ibuf [dreg:s7], $0x2FFFF;
	_ =	strace $0x9FFFFFFF  }
0xc3: {  	(tm) =	ssettm $0x7FFFFFFF  }
tec
execute0_lowered:
.L_overlay_start_1:
0x0: {  	(tag) =	ssettag $0x1  }
0x1: {  	s0 =	rddreg [dreg:$0x0]  }
0x2: {  	s1 =	rddreg [dreg:$0x1]  }
0x3: {  	s2 =	rddreg [dreg:$0x2];
	s3 =	simm.s32 $0x0  }
0x4: {  	s13 =	stileid.u32;
	s9 =	srdreg.scid;
	s28 =	simm.s32 $0x2  }
0x5: {  	s29 =	simm.s32 $0xA400;
	s30 =	simm.s32 $0xA480;
	s31 =	simm.s32 $0x28  }
0x6: {  	[smem:$0x7FF] =	sst s3;
	s7 =	smul.u32 $0x14000, s13;
	s4 =	sadd.s32 $0xE600, s0  }
0x7: {  	s5 =	sadd.s32 $0x4600, s0;
	s9 =	sand.u32 $0x1, s9;
	s11 =	smul.u32 $0x50000, s13  }
0x8: {  	s10 =	sshll.u32 s13, $0x1;
	s20 =	sshll.u32 s13, $0x6;
	s13 =	smul.u32 $0x2710, s13  }
0x9: {  	s6 =	sadd.s32 $0x9600, s0;
	_ =	strace $0x8000004D;
	s19 =	smul.u32 $0x140000, s9  }
0xa: {  	s18 =	ssub.s32 $0x2, s9;
	s10 =	sor.u32 s9, s10;
	s9 =	smul.u32 $0x1388, s9  }
0xb: {  	s8 =	sshrl.u32 s7, $0x3;
	s12 =	sshrl.u32 s18, $0x1;
	s10 =	smul.u32 $0x1388, s10  }
0xc: {  	s11 =	sshrl.u32 s11, $0x2;
	s0 =	sadd.s32 s8, s0;
	s14 =	ssub.s32 s18, s12  }
0xd: {  	s11 =	sadd.s32 s11, s2;
	s8 =	sor.u32 $0x1C03, s20;
	s7 =	sadd.s32 s7, s19  }
0xe: {  	s9 =	sadd.s32 s9, s13;
	s19 =	simm.s32 $0x3;
	s20 =	simm.s32 $0x100  }
0xf: {  	s0 =	sadd.s32 $0x35800, s0;
	s21 =	sshrl.u32 s10, $0x3;
	s24 =	sshrl.u32 s7, $0x3  }
0x10: {  	s25 =	sadd.s32 $0xA0, s9;
	s14 =	smax.u32 s14, $0x1;
	s15 =	sadd.s32 $0x140, s9  }
0x11: {  	s18 =	sshrl.u32 s11, $0x3;
	[dreg:$0x4] =	wrdreg s0;
	s10 =	sadd.s32 s5, s21  }
0x12: {  	s22 =	sadd.s32 s6, s21;
	s0 =	sadd.s32 $0x26C, s21;
	s26 =	sshrl.u32 s25, $0x3  }
0x13: {  	s21 =	simm.s32 $0xA0;
	s25 =	simm.s32 $0x5400;
	[dreg:$0x5] =	wrdreg s10  }
0x14: {  	[dreg:$0x6] =	wrdreg s22;
	s23 =	sadd.s32 s5, s0;
	s0 =	sadd.s32 s6, s0  }
0x15: {  	s16 =	sadd.s32 s26, s6;
	s17 =	sadd.s32 s26, s5;
	[dreg:$0x7] =	wrdreg s23  }
0x16: {  	s22 =	simm.s32 $0x200;
	s26 =	simm.s32 $0x1;
	[dreg:$0x8] =	wrdreg s0  }
0x17: {  	s0 =	sadd.s32 s1, s24;
	s23 =	simm.s32 $0x5200;
	s24 =	simm.s32 $0x5300  }
0x18: {  	s1 =	simm.s32 $0x0;
	[dreg:$0x9] =	wrdreg s0;
	s0 =	simm.s32 $0xA500  }
.LBB2_1:
0x19: {  	s7 =	rddreg [dreg:$0x4]  }
0x1a: {  	[spmem:s18], [sflag:s8] =	dma.local [hbm:s7], $0x2800  }
0x1b: {  	_ =	swait.ge [sflag:s19], $0x2800  }
0x1c: {  	[sflag:s19] =	ssyncset.done $0x0  }
0x1d: {  	[sflag:s19] =	ssyncadd.s32 $0xFFFFD800  }
0x1e: {  	[bflag:$0x0] =	sbarrier.arrive $0xFFFF  }
0x1f: {  	s9 =	rddreg [dreg:$0x5]  }
0x20: {  	[tilespmem:s3], [sflag:$0x3] =	stream.linear.gather [hbm4b:s9+s3], $0xA0, $0x38;
	[tilespmem:$0x1F900] =	vst v63  }
0x21: {  	_ =	swait.ge [sflag:s19], $0xA0  }
0x22: {  	[sflag:s19] =	ssyncset.done $0x0  }
0x23: {  	s10 =	rddreg [dreg:$0x6];
	[sflag:s19] =	ssyncadd.s32 $0xFFFFFF60  }
0x24: {  	[tilespmem:s20], [sflag:$0x3] =	stream.linear.gather [hbm4b:s10+s3], $0xA0, $0x38;
	[tilespmem:$0x1F900] =	vst v63  }
0x25: {  	_ =	swait.ge [sflag:s19], $0xA0  }
0x26: {  	[sflag:s19] =	ssyncset.done $0x0  }
0x27: {  	[sflag:s19] =	ssyncadd.s32 $0xFFFFFF60  }
0x28: {  	[tilespmem:s22], [sflag:$0x1] =	stream.indirect.gather [hbm4b:s4+s21], $0x80, s3, s21, $0xb8;
	[tilespmem:$0x1F900] =	vst v63  }
0x29: {  	s11 =	sadd.s32 $0x0, s17  }
0x2a: {  	[tilespmem:s23], [sflag:$0x3] =	stream.linear.gather [hbm4b:s11+s3], $0xA0, $0x38;
	[tilespmem:$0x1F900] =	vst v63  }
0x2b: {  	_ =	swait.ge [sflag:s19], $0xA0  }
0x2c: {  	[sflag:s19] =	ssyncset.done $0x0  }
0x2d: {  	s12 =	sadd.s32 $0x0, s16;
	[sflag:s19] =	ssyncadd.s32 $0xFFFFFF60  }
0x2e: {  	[tilespmem:s24], [sflag:$0x3] =	stream.linear.gather [hbm4b:s12+s3], $0xA0, $0x38;
	[tilespmem:$0x1F900] =	vst v63  }
0x2f: {  	_ =	swait.ge [sflag:s19], $0xA0  }
0x30: {  	[sflag:s19] =	ssyncset.done $0x0  }
0x31: {  	[sflag:s19] =	ssyncadd.s32 $0xFFFFFF60  }
0x32: {  	[tilespmem:s25], [sflag:$0x2] =	stream.indirect.gather [hbm4b:s4+s21], $0x80, s23, s21, $0xb8;
	[tilespmem:$0x1F900] =	vst v63  }
0x33: {  	_ =	swait.ge [sflag:s26], $0x5000  }
0x34: {  	[sflag:s26] =	ssyncset.done $0x0  }
0x35: {  	[sflag:s26] =	ssyncadd.s32 $0xFFFFB000  }
0x36: {  	[spmem:s2] =	stream.indirect.scatter.add.f32 [tilespmem:s22], [sflag:$0x3], $0x80, s20, s21, $0xb8;
	[tilespmem:$0x1F900] =	vst v63  }
0x37: {  	_ =	swait.ge [sflag:s19], $0x5000  }
0x38: {  	s13 =	sshrl.u32 s15, $0x3;
	[sflag:s19] =	ssyncset.done $0x0  }
0x39: {  	s9 =	sadd.s32 s5, s13;
	[sflag:s19] =	ssyncadd.s32 $0xFFFFB000  }
0x3a: {  	[tilespmem:s3], [sflag:$0x3] =	stream.linear.gather [hbm4b:s9+s3], $0xA0, $0x38;
	[tilespmem:$0x1F900] =	vst v63  }
0x3b: {  	_ =	swait.ge [sflag:s19], $0xA0  }
0x3c: {  	[sflag:s19] =	ssyncset.done $0x0  }
0x3d: {  	s7 =	sadd.s32 s6, s13;
	[sflag:s19] =	ssyncadd.s32 $0xFFFFFF60  }
0x3e: {  	[tilespmem:s20], [sflag:$0x3] =	stream.linear.gather [hbm4b:s7+s3], $0xA0, $0x38;
	[tilespmem:$0x1F900] =	vst v63  }
0x3f: {  	_ =	swait.ge [sflag:s19], $0xA0  }
0x40: {  	[sflag:s19] =	ssyncset.done $0x0  }
0x41: {  	[sflag:s19] =	ssyncadd.s32 $0xFFFFFF60  }
0x42: {  	[tilespmem:s22], [sflag:$0x1] =	stream.indirect.gather [hbm4b:s4+s21], $0x80, s3, s21, $0xb8;
	[tilespmem:$0x1F900] =	vst v63  }
0x43: {  	_ =	swait.ge [sflag:s28], $0x5000  }
0x44: {  	[sflag:s28] =	ssyncset.done $0x0  }
0x45: {  	[sflag:s28] =	ssyncadd.s32 $0xFFFFB000  }
0x46: {  	[spmem:s2] =	stream.indirect.scatter.add.f32 [tilespmem:s25], [sflag:$0x3], $0x80, s24, s21, $0xb8;
	[tilespmem:$0x1F900] =	vst v63  }
0x47: {  	s10 =	simm.s32 $0x50;
	_ =	swait.ge [sflag:s19], $0x5000  }
0x48: {  	s9 =	simm.s32 $0x28;
	s7 =	sadd.s32 $0x140, s15;
	[sflag:s19] =	ssyncset.done $0x0  }
.LBB2_2:
0x49: {  	s12 =	sadd.s32 s9, s17  }
0x4a: {  	[sflag:s19] =	ssyncadd.s32 $0xFFFFB000;
	s13 =	smov.u32 s10;
	s11 =	sadd.s32 $0x28, s10  }
0x4b: {  	[tilespmem:s23], [sflag:$0x3] =	stream.linear.gather [hbm4b:s12+s3], $0xA0, $0x38;
	[tilespmem:$0x1F900] =	vst v63  }
0x4c: {  	p0 =	sne.s32 s10, $0x230;
	_ =	swait.ge [sflag:s19], $0xA0  }
0x4d: {  	[sflag:s19] =	ssyncset.done $0x0  }
0x4e: {  	s10 =	sadd.s32 s9, s16;
	s9 =	smov.u32 s13;
	[sflag:s19] =	ssyncadd.s32 $0xFFFFFF60  }
0x4f: {  	[tilespmem:s24], [sflag:$0x3] =	stream.linear.gather [hbm4b:s10+s3], $0xA0, $0x38;
	[tilespmem:$0x1F900] =	vst v63  }
0x50: {  	_ =	swait.ge [sflag:s19], $0xA0  }
0x51: {  	[sflag:s19] =	ssyncset.done $0x0  }
0x52: {  	[sflag:s19] =	ssyncadd.s32 $0xFFFFFF60  }
0x53: {  	[tilespmem:s25], [sflag:$0x2] =	stream.indirect.gather [hbm4b:s4+s21], $0x80, s23, s21, $0xb8;
	[tilespmem:$0x1F900] =	vst v63  }
0x54: {  	_ =	swait.ge [sflag:s26], $0x5000  }
0x55: {  	[sflag:s26] =	ssyncset.done $0x0  }
0x56: {  	[sflag:s26] =	ssyncadd.s32 $0xFFFFB000  }
0x57: {  	[spmem:s2] =	stream.indirect.scatter.add.f32 [tilespmem:s22], [sflag:$0x3], $0x80, s20, s21, $0xb8;
	[tilespmem:$0x1F900] =	vst v63  }
0x58: {  	_ =	swait.ge [sflag:s19], $0x5000  }
0x59: {  	s10 =	sshrl.u32 s7, $0x3;
	[sflag:s19] =	ssyncset.done $0x0  }
0x5a: {  	s12 =	sadd.s32 s5, s10;
	[sflag:s19] =	ssyncadd.s32 $0xFFFFB000  }
0x5b: {  	[tilespmem:s3], [sflag:$0x3] =	stream.linear.gather [hbm4b:s12+s3], $0xA0, $0x38;
	[tilespmem:$0x1F900] =	vst v63  }
0x5c: {  	_ =	swait.ge [sflag:s19], $0xA0  }
0x5d: {  	[sflag:s19] =	ssyncset.done $0x0  }
0x5e: {  	s10 =	sadd.s32 s6, s10;
	[sflag:s19] =	ssyncadd.s32 $0xFFFFFF60  }
0x5f: {  	[tilespmem:s20], [sflag:$0x3] =	stream.linear.gather [hbm4b:s10+s3], $0xA0, $0x38;
	[tilespmem:$0x1F900] =	vst v63  }
0x60: {  	_ =	swait.ge [sflag:s19], $0xA0  }
0x61: {  	[sflag:s19] =	ssyncset.done $0x0  }
0x62: {  	[sflag:s19] =	ssyncadd.s32 $0xFFFFFF60  }
0x63: {  	[tilespmem:s22], [sflag:$0x1] =	stream.indirect.gather [hbm4b:s4+s21], $0x80, s3, s21, $0xb8;
	[tilespmem:$0x1F900] =	vst v63  }
0x64: {  	_ =	swait.ge [sflag:s28], $0x5000  }
.Ltmp0:
0x65: {  	[sflag:s28] =	ssyncset.done $0x0;
	(pc) =	sbr.rel @p0 .LBB2_2-.Ltmp0, $4  }
0x66: {  	[sflag:s28] =	ssyncadd.s32 $0xFFFFB000  }
0x67: {  	[spmem:s2] =	stream.indirect.scatter.add.f32 [tilespmem:s25], [sflag:$0x3], $0x80, s24, s21, $0xb8;
	[tilespmem:$0x1F900] =	vst v63  }
0x68: {  	_ =	swait.ge [sflag:s19], $0x5000  }
0x69: {  	s7 =	sadd.s32 $0x140, s7;
	s10 =	smov.u32 s11;
	[sflag:s19] =	ssyncset.done $0x0  }
0x6a: {  	s10 =	sadd.s32 s9, s17;
	[sflag:s19] =	ssyncadd.s32 $0xFFFFB000  }
0x6b: {  	[tilespmem:s23], [sflag:$0x3] =	stream.linear.gather [hbm4b:s10+s3], $0xA0, $0x38;
	[tilespmem:$0x1F900] =	vst v63  }
0x6c: {  	_ =	swait.ge [sflag:s19], $0xA0  }
0x6d: {  	[sflag:s19] =	ssyncset.done $0x0  }
0x6e: {  	s13 =	sadd.s32 s9, s16;
	[sflag:s19] =	ssyncadd.s32 $0xFFFFFF60  }
0x6f: {  	[tilespmem:s24], [sflag:$0x3] =	stream.linear.gather [hbm4b:s13+s3], $0xA0, $0x38;
	[tilespmem:$0x1F900] =	vst v63  }
0x70: {  	_ =	swait.ge [sflag:s19], $0xA0  }
0x71: {  	[sflag:s19] =	ssyncset.done $0x0  }
0x72: {  	[sflag:s19] =	ssyncadd.s32 $0xFFFFFF60  }
0x73: {  	[tilespmem:s25], [sflag:$0x2] =	stream.indirect.gather [hbm4b:s4+s21], $0x80, s23, s21, $0xb8;
	[tilespmem:$0x1F900] =	vst v63  }
0x74: {  	_ =	swait.ge [sflag:s26], $0x5000  }
0x75: {  	[sflag:s26] =	ssyncset.done $0x0  }
0x76: {  	[sflag:s26] =	ssyncadd.s32 $0xFFFFB000  }
0x77: {  	[spmem:s2] =	stream.indirect.scatter.add.f32 [tilespmem:s22], [sflag:$0x3], $0x80, s20, s21, $0xb8;
	[tilespmem:$0x1F900] =	vst v63  }
0x78: {  	_ =	swait.ge [sflag:s19], $0x5000  }
0x79: {  	s7 =	sshrl.u32 s7, $0x3;
	[sflag:s19] =	ssyncset.done $0x0  }
0x7a: {  	s10 =	sadd.s32 s5, s7;
	[sflag:s19] =	ssyncadd.s32 $0xFFFFB000  }
0x7b: {  	[tilespmem:s3], [sflag:$0x3] =	stream.linear.gather [hbm4b:s10+s3], $0xA0, $0x38;
	[tilespmem:$0x1F900] =	vst v63  }
0x7c: {  	_ =	swait.ge [sflag:s19], $0xA0  }
0x7d: {  	[sflag:s19] =	ssyncset.done $0x0  }
0x7e: {  	s7 =	sadd.s32 s6, s7;
	[sflag:s19] =	ssyncadd.s32 $0xFFFFFF60  }
0x7f: {  	[tilespmem:s20], [sflag:$0x3] =	stream.linear.gather [hbm4b:s7+s3], $0xA0, $0x38;
	[tilespmem:$0x1F900] =	vst v63  }
0x80: {  	_ =	swait.ge [sflag:s19], $0xA0  }
0x81: {  	[sflag:s19] =	ssyncset.done $0x0  }
0x82: {  	[sflag:s19] =	ssyncadd.s32 $0xFFFFFF60  }
0x83: {  	[tilespmem:s22], [sflag:$0x1] =	stream.indirect.gather [hbm4b:s4+s21], $0x80, s3, s21, $0xb8;
	[tilespmem:$0x1F900] =	vst v63  }
0x84: {  	_ =	swait.ge [sflag:s28], $0x5000  }
0x85: {  	[sflag:s28] =	ssyncset.done $0x0  }
0x86: {  	[sflag:s28] =	ssyncadd.s32 $0xFFFFB000  }
0x87: {  	[spmem:s2] =	stream.indirect.scatter.add.f32 [tilespmem:s25], [sflag:$0x3], $0x80, s24, s21, $0xb8;
	[tilespmem:$0x1F900] =	vst v63  }
0x88: {  	_ =	swait.ge [sflag:s19], $0x5000  }
0x89: {  	[sflag:s19] =	ssyncset.done $0x0  }
0x8a: {  	[sflag:s19] =	ssyncadd.s32 $0xFFFFB000  }
0x8b: {  	_ =	swait.ge [sflag:s26], $0x5000  }
0x8c: {  	[sflag:s26] =	ssyncset.done $0x0  }
0x8d: {  	[sflag:s26] =	ssyncadd.s32 $0xFFFFB000  }
0x8e: {  	[spmem:s2] =	stream.indirect.scatter.add.f32 [tilespmem:s22], [sflag:$0x3], $0x80, s20, s21, $0xb8;
	[tilespmem:$0x1F900] =	vst v63  }
0x8f: {  	_ =	swait.ge [sflag:s19], $0x5000  }
0x90: {  	[sflag:s19] =	ssyncset.done $0x0  }
0x91: {  	s11 =	rddreg [dreg:$0x7];
	[sflag:s19] =	ssyncadd.s32 $0xFFFFB000  }
0x92: {  	[tilespmem:s29], [sflag:$0x3] =	stream.linear.gather [hbm4b:s11+s3], $0x28, $0x38;
	[tilespmem:$0x1F900] =	vst v63  }
0x93: {  	_ =	swait.ge [sflag:s19], $0x28  }
0x94: {  	[sflag:s19] =	ssyncset.done $0x0  }
0x95: {  	s12 =	rddreg [dreg:$0x8];
	[sflag:s19] =	ssyncadd.s32 $0xFFFFFFD8  }
0x96: {  	[tilespmem:s30], [sflag:$0x3] =	stream.linear.gather [hbm4b:s12+s3], $0x28, $0x38;
	[tilespmem:$0x1F900] =	vst v63  }
0x97: {  	_ =	swait.ge [sflag:s19], $0x28  }
0x98: {  	[sflag:s19] =	ssyncset.done $0x0  }
0x99: {  	[sflag:s19] =	ssyncadd.s32 $0xFFFFFFD8  }
0x9a: {  	[tilespmem:s0], [sflag:$0x1] =	stream.indirect.gather [hbm4b:s4+s31], $0x80, s29, s31, $0xb8;
	[tilespmem:$0x1F900] =	vst v63  }
0x9b: {  	_ =	swait.ge [sflag:s26], $0x1400  }
0x9c: {  	[sflag:s26] =	ssyncset.done $0x0  }
0x9d: {  	[sflag:s26] =	ssyncadd.s32 $0xFFFFEC00  }
0x9e: {  	[spmem:s2] =	stream.indirect.scatter.add.f32 [tilespmem:s0], [sflag:$0x3], $0x80, s30, s31, $0xb8;
	[tilespmem:$0x1F900] =	vst v63  }
0x9f: {  	_ =	swait.ge [sflag:s19], $0x1400  }
0xa0: {  	[sflag:s19] =	ssyncset.done $0x0  }
0xa1: {  	s1 =	sadd.s32 $0x1, s1;
	[sflag:s19] =	ssyncadd.s32 $0xFFFFEC00  }
0xa2: {  	p0 =	sne.s32 s1, s14;
	[bflag:$0x0] =	sbarrier.arrive $0xFFFF  }
.Ltmp1:
0xa3: {  	s13 =	rddreg [dreg:$0x9];
	(pc) =	sbr.rel @p0 .LBB2_1-.Ltmp1, $4  }
0xa4: {  	[hbm:s13], [sflag:s8] =	dma.local [spmem:s18], $0x2800  }
0xa5: {  	_ =	swait.ge [sflag:s19], $0x2800  }
0xa6: {  	[sflag:s19] =	ssyncset.done $0x0  }
0xa7: {  	[sflag:s19] =	ssyncadd.s32 $0xFFFFD800  }
0xa8: {  	_ =	sfence.sel $0x180000  }
0xa9: {  	[bflag:$0x0] =	sbarrier.arrive $0xFFFF  }
0xaa: {  	_ =	strace $0x9000004D  }
0xab: {  	s0 =	stileid.u32;
	[bflag:$0x2] =	sbarrier.arrive $0xFFFF  }
0xac: {  	p0 =	sne.s32 s0, $0x0;
	s0 =	rddreg [dreg:$0x3]  }
0xad: {  	s0 =	sadd.s32 @!p0 $0x100000, s0  }
0xae: {  	[sflag:s0] =	ssyncadd.tile.s32 @!p0 $0x1;
	_ =	shalt  }
.Lfunc_end2:
_tile_overlayer_lowered:
.L_overlay_start_2:
0xaf: {  	(tag) =	ssettag $0x2  }
0xb0: {  	s0 =	rddreg [dreg:$0x0];
	s2 =	stileid.u32  }
0xb1: {  	s1 =	rddreg [dreg:$0x1];
	p0 =	sne.s32 s2, $0x0  }
0xb2: {  	s3 =	rddreg [dreg:$0x2];
	[bflag:$0x3] =	sbarrier.arrive $0xFFFF;
	s2 =	simm.s32 @!p0 $0x1C03  }
0xb3: {  	[timem:s3], [sflag:s2] =	dma.local @!p0 [hbm:s0], s1  }
0xb4: {  	s0 =	simm.s32 @!p0 $0x3  }
0xb5: {  	_ =	swait.ge @!p0 [sflag:s0], s1  }
0xb6: {  	s1 =	ssub.s32 @!p0 $0x0, s1;
	[sflag:s0] =	ssyncset.done @!p0 $0x0  }
0xb7: {  	[sflag:s0] =	ssyncadd.s32 @!p0 s1  }
0xb8: {  	[bflag:$0x3] =	sbarrier.arrive $0xFFFF  }
0xb9: {  	_ =	shalt  }

// kernel: kernel.6.cloned.1.call-start
scs
__scs_entry_jumppad:
0x0: {  	(pc) =	sbr.rel $0x88, $3  }
0x1: {  	(tag) =	ssettag $0x0;
	lr =	simm.s32 $0x1  }
0x2: {  	[smem:$0x3F87] =	sst lr;
	_ =	strace $0xD0000000  }
0x3: {  	_ = 	snop  }
0x4: {  	_ = 	snop  }
0x5: {  	_ = 	snop  }
0x6: {  	_ = 	snop  }
0x7: {  	_ = 	snop  }
__scs_overlays_trampoline_lowered:
0x8: {  	[smem:$0x3F96] =	sst s0  }
0x9: {  	[smem:$0x3F97] =	sst s1  }
0xa: {  	[smem:$0x3F98] =	sst s2  }
0xb: {  	[smem:$0x3F99] =	sst s3  }
0xc: {  	[smem:$0x3F9A] =	sst s4  }
0xd: {  	[smem:$0x3F9B] =	sst s5  }
0xe: {  	[smem:$0x3F9C] =	sst s6  }
0xf: {  	[smem:$0x3F9D] =	sst s7  }
0x10: {  	[smem:$0x3F9E] =	sst s8  }
0x11: {  	[smem:$0x3F9F] =	sst s9;
	s0 =	simm.s32 @!p0 $0x0  }
0x12: {  	s1 =	sld [smem:$0x3F85];
	s0 =	simm.s32 @p0 $0x1  }
0x13: {  	[smem:$0x3FA0] =	sst s0;
	s0 =	simm.s32 @!p1 $0x0  }
0x14: {  	s2 =	sld [smem:$0x3F84];
	s0 =	simm.s32 @p1 $0x1  }
0x15: {  	[smem:$0x3FA1] =	sst s0;
	s0 =	simm.s32 @!p2 $0x0  }
0x16: {  	s3 =	sld [smem:$0x3FDB];
	s0 =	simm.s32 @p2 $0x1  }
0x17: {  	s4 =	simm.s32 $0x1BF5;
	[smem:$0x3FA3] =	sst s0  }
0x18: {  	s0 =	sld [smem:$0x3F86];
	_ =	swait.ge [sflag:s4], $0x0  }
0x19: {  	s7 =	sld [smem:$0x3F87]  }
0x1a: {  	s8 =	sadd.s32 $0xFFFFE003, lr  }
0x1b: {  	s9 =	sadd.s32 $0xFFFFFEF7, lr;
	s5 =	simm.s32 $0xFFFFFFFF;
	p2 =	slt.u32 s8, $0xFFFFF086  }
0x1c: {  	p1 =	slt.u32 s9, $0xF7A;
	s5 =	simm.s32 @!p2 $0x0  }
0x1d: {  	s5 =	simm.s32 @p1 $0x1;
	p0 =	seq.s32 s7, s2  }
0x1e: {  	s7 =	smul.u32 @!p0 $0xF7A, s2;
	p2 =	seq.s32 @!p0 s5, $0x0  }
0x1f: {  	s9 =	smul.u32 $0xF7A, s1;
	s8 =	simm.s32 @!p0 $0x1BF5;
	p2 =	por !p2, p0  }
0x20: {  	[sflag:s8] =	ssyncset.s32 @!p0 $0xFFFFF086;
	s6 =	sadd.s32 @!p0 s3, s7;
	s7 =	simm.s32 @!p0 $0x108  }
0x21: {  	s3 =	sadd.s32 s3, s9;
	s6 =	sadd.s32 @!p0 $0x88, s6;
	s7 =	simm.s32 @p2 $0x1082  }
0x22: {  	[simem:s7], [sflag:s8] =	dma.local @!p0 [hbm:s6], $0xF7A  }
0x23: {  	s9 =	sor.u32 $0xD0000000, s2;
	s6 =	simm.s32 $0x108;
	_ =	swait.ge @!p0 [sflag:s8], $0x0  }
0x24: {  	s3 =	sadd.s32 $0x88, s3;
	s6 =	simm.s32 @!p1 $0x1082;
	[sflag:s4] =	ssyncset.s32 $0xFFFFF086  }
0x25: {  	[simem:s6], [sflag:s4] =	dma.local [hbm:s3], $0xF7A  }
0x26: {  	[smem:$0x3F87] =	sst s1;
	(tag) =	ssettag s2;
	_ =	strace s9  }
0x27: {  	s1 =	sld [smem:$0x3F97]  }
0x28: {  	s2 =	sld [smem:$0x3F98]  }
0x29: {  	s4 =	sld [smem:$0x3F9A]  }
0x2a: {  	p0 =	seq.s32 s5, $0x0;
	s5 =	sld [smem:$0x3F9B]  }
0x2b: {  	s6 =	sld [smem:$0x3F9C]  }
0x2c: {  	s7 =	sld [smem:$0x3F9D]  }
0x2d: {  	s3 =	simm.s32 $0x108;
	s8 =	sld [smem:$0x3F9E]  }
0x2e: {  	s3 =	simm.s32 @!p0 $0x1082;
	s9 =	sld [smem:$0x3F9F]  }
0x2f: {  	lr =	sadd.s32 s0, s3;
	s0 =	sld [smem:$0x3F96]  }
0x30: {  	s3 =	sld [smem:$0x3F99]  }
0x31: {  	[smem:$0x3FA2] =	sst s10  }
0x32: {  	s10 =	sld [smem:$0x3FA0];
	_ =	sdelay $0x3  }
0x33: {  	p0 =	seq.s32 s10, $0x1;
	s10 =	sld [smem:$0x3FA2];
	_ =	sdelay $0x3  }
0x34: {  	[smem:$0x3FA2] =	sst s10  }
0x35: {  	s10 =	sld [smem:$0x3FA1];
	_ =	sdelay $0x3  }
0x36: {  	p1 =	seq.s32 s10, $0x1;
	s10 =	sld [smem:$0x3FA2];
	_ =	sdelay $0x3  }
0x37: {  	[smem:$0x3FA2] =	sst s10  }
0x38: {  	s10 =	sld [smem:$0x3FA3]  }
0x39: {  	_ = 	snop;
	(pc) =	sbr.ind lr, $3  }
0x3a: {  	_ = 	snop  }
0x3b: {  	_ = 	snop  }
0x3c: {  	p2 =	seq.s32 s10, $0x1;
	s10 =	sld [smem:$0x3FA2]  }
0x3d: {  	_ =	shalt  }
0x3e: {  	_ =	shalt  }
0x3f: {  	_ =	shalt  }
0x40: {  	_ =	shalt  }
0x41: {  	_ =	shalt  }
0x42: {  	_ =	shalt  }
0x43: {  	_ =	shalt  }
0x44: {  	_ =	shalt  }
0x45: {  	_ =	shalt  }
0x46: {  	_ =	shalt  }
0x47: {  	_ =	shalt  }
0x48: {  	_ =	shalt  }
0x49: {  	_ =	shalt  }
0x4a: {  	_ =	shalt  }
0x4b: {  	_ =	shalt  }
0x4c: {  	_ =	shalt  }
0x4d: {  	_ =	shalt  }
0x4e: {  	_ =	shalt  }
0x4f: {  	_ =	shalt  }
0x50: {  	_ =	shalt  }
0x51: {  	_ =	shalt  }
0x52: {  	_ =	shalt  }
0x53: {  	_ =	shalt  }
0x54: {  	_ =	shalt  }
0x55: {  	_ =	shalt  }
0x56: {  	_ =	shalt  }
0x57: {  	_ =	shalt  }
0x58: {  	_ =	shalt  }
0x59: {  	_ =	shalt  }
0x5a: {  	_ =	shalt  }
0x5b: {  	_ =	shalt  }
0x5c: {  	_ =	shalt  }
0x5d: {  	_ =	shalt  }
0x5e: {  	_ =	shalt  }
0x5f: {  	_ =	shalt  }
0x60: {  	_ =	shalt  }
0x61: {  	_ =	shalt  }
0x62: {  	_ =	shalt  }
0x63: {  	_ =	shalt  }
0x64: {  	_ =	shalt  }
0x65: {  	_ =	shalt  }
0x66: {  	_ =	shalt  }
0x67: {  	_ =	shalt  }
0x68: {  	_ =	shalt  }
0x69: {  	_ =	shalt  }
0x6a: {  	_ =	shalt  }
0x6b: {  	_ =	shalt  }
0x6c: {  	_ =	shalt  }
0x6d: {  	_ =	shalt  }
0x6e: {  	_ =	shalt  }
0x6f: {  	_ =	shalt  }
0x70: {  	_ =	shalt  }
0x71: {  	_ =	shalt  }
0x72: {  	_ =	shalt  }
0x73: {  	_ =	shalt  }
0x74: {  	_ =	shalt  }
0x75: {  	_ =	shalt  }
0x76: {  	_ =	shalt  }
0x77: {  	_ =	shalt  }
0x78: {  	_ =	shalt  }
0x79: {  	_ =	shalt  }
0x7a: {  	_ =	shalt  }
0x7b: {  	_ =	shalt  }
0x7c: {  	_ =	shalt  }
0x7d: {  	_ =	shalt  }
0x7e: {  	_ =	shalt  }
0x7f: {  	_ =	shalt  }
0x80: {  	_ =	shalt  }
0x81: {  	_ =	shalt  }
0x82: {  	_ =	shalt  }
0x83: {  	_ =	shalt  }
0x84: {  	_ =	shalt  }
0x85: {  	_ =	shalt  }
0x86: {  	_ =	shalt  }
0x87: {  	_ =	shalt  }
.Lfunc_end0:
.L_simem_size_0:
called_computation.2_lowered:
.L_overlay_start_0:
0x88: {  	s2 =	sld [smem:$0x3FD9]  }
0x89: {  	s3 =	sld [smem:$0x3FFE];
	_ =	sdelay $0x1  }
0x8a: {  	s1 =	srdreg.scid  }
0x8b: {  	s0 =	sand.u32 $0x1, s1  }
0x8c: {  	s17 =	sshll.u32 s0, $0xA;
	s2 =	sadd.s32 s3, s2  }
0x8d: {  	s2 =	sadd.s32 s2, s17  }
0x8e: {  	[smem:$0x3FAE] =	sst s2  }
0x8f: {  	_ = 	snop  }
0x90: {  	s2 =	sld [smem:$0x3FD0];
	(tm) =	ssettm $0x1  }
0x91: {  	s18 =	sld [smem:$0x3FFB];
	_ =	sdelay $0x3  }
0x92: {  	_ =	strace s18  }
0x93: {  	s3 =	sld [smem:$0x3FFC];
	_ =	sdelay $0x3  }
0x94: {  	_ =	strace s3  }
0x95: {  	s3 =	sld [smem:$0x3FFD];
	_ =	sdelay $0x3  }
0x96: {  	_ =	strace s3  }
0x97: {  	_ =	strace $0x8FFFFFFF  }
0x98: {  	s19 =	sld [smem:$0x3FDB];
	_ =	sdelay $0x1  }
0x99: {  	s4 =	simm.s32 $_scs_section_size  }
0x9a: {  	s5 =	simm.s32 $_size__tile_overlayer_lowered;
	s6 =	simm.s32 $_tile_overlayer_lowered  }
0x9b: {  	s22 =	simm.s32 $0x1BFF;
	s21 =	sshll.u32 s6, $0x1;
	s3 =	sadd.s32 s4, s19  }
0x9c: {  	s7 =	simm.s32 $0x0;
	s20 =	sshll.u32 s5, $0x1;
	s5 =	sadd.s32 s21, s3  }
0x9d: {  	[timem:s7], [sflag:s22] =	dma.local [hbm:s5], s20  }
0x9e: {  	_ =	swait.ge [sflag:s22], s20  }
0x9f: {  	s4 =	ssub.s32 $0x0, s20;
	[sflag:s22] =	ssyncset.done $0x0  }
0xa0: {  	[sflag:s22] =	ssyncadd.s32 s4;
	_ =	sdelay $0x1  }
0xa1: {  	s23 =	simm.s32 $0x1B8B  }
0xa2: {  	_ =	swait.ge [sflag:s23], $0x1  }
0xa3: {  	[sflag:s23] =	ssyncset.done $0x0  }
0xa4: {  	s25 =	simm.s32 $0x1B8E;
	s24 =	sld [smem:$0x3FFE];
	[sflag:s23] =	ssyncadd.s32 $0xFFFFFFFF  }
0xa5: {  	s26 =	simm.s32 $execute0_lowered;
	[smem:$0x3FD2] =	sst s25  }
0xa6: {  	s5 =	sshll.u32 s26, $0x1;
	_ =	strace $0x80000046;
	[dreg:$0x1] =	wrdreg $0xFFFFFFFF  }
0xa7: {  	s28 =	simm.s32 $_size_execute0_lowered;
	s3 =	sadd.s32 s3, s5;
	[dreg:$0x0] =	wrdreg $0x0  }
0xa8: {  	s5 =	sshll.u32 s28, $0x1;
	[dreg:$0x2] =	wrdreg s3  }
0xa9: {  	[dreg:$0x3] =	wrdreg s5  }
0xaa: {  	[dreg:$0x4] =	wrdreg $0xC0  }
0xab: {  	_ =	task [dreg:s7], $0x5FFFF  }
0xac: {  	[dreg:$0x1] =	wrdreg $0xFFFFFFFF  }
0xad: {  	[dreg:$0x0] =	wrdreg $0x60  }
0xae: {  	[dreg:$0x2] =	wrdreg s24  }
0xaf: {  	[dreg:$0x3] =	wrdreg s2  }
0xb0: {  	[dreg:$0x4] =	wrdreg $0x4000  }
0xb1: {  	[dreg:$0x5] =	wrdreg $0x9  }
0xb2: {  	_ =	task.clear_ibuf [dreg:s7], $0x6FFFF;
	_ =	strace $0x90000046  }
0xb3: {  	s29 =	simm.s32 $0x9;
	_ =	strace $0x80000048  }
0xb4: {  	_ =	swait.ge [sflag:s29], $0x1  }
0xb5: {  	[sflag:s29] =	ssyncadd.s32 $0xFFFFFFFF  }
0xb6: {  	_ =	strace $0x90000048  }
0xb7: {  	_ =	sfence  }
0xb8: {  	s30 =	sld [smem:$0x0];
	_ =	sdelay $0x2  }
0xb9: {  	s31 =	sshll.u32 s1, $0xD;
	s1 =	sshrl.u32 s1, $0x2  }
0xba: {  	s3 =	sand.u32 $0x4000, s31;
	s1 =	sadd.s32 s1, s30  }
0xbb: {  	s0 =	sor.u32 s3, s0;
	s1 =	sshll.u32 s1, $0x11  }
0xbc: {  	s0 =	sor.u32 s1, s0  }
0xbd: {  	s0 =	sadd.s32 $0x8F2B, s0  }
0xbe: {  	[sflag:s0] =	ssyncadd.remote.s32 $0x1  }
0xbf: {  	_ =	sfence.sel $0xFFFF  }
0xc0: {  	[dreg:$0x0] =	wrdreg $0xFFFFFFFF;
	(pc) =	sbr.abs _section_cstart, $3  }
0xc1: {  	[dreg:$0x1] =	wrdreg $0xFFFFFFFF  }
0xc2: {  	_ =	task.clear_ibuf [dreg:s7], $0x2FFFF;
	_ =	strace $0x9FFFFFFF  }
0xc3: {  	(tm) =	ssettm $0x7FFFFFFF  }
tec
execute0_lowered:
.L_overlay_start_1:
0x0: {  	(tag) =	ssettag $0x1  }
0x1: {  	s4 =	rddreg [dreg:$0x0]  }
0x2: {  	s8 =	rddreg [dreg:$0x1]  }
0x3: {  	s2 =	rddreg [dreg:$0x2]  }
0x4: {  	s0 =	rddreg [dreg:$0x3]  }
0x5: {  	s3 =	simm.s32 $0x0;
	s1 =	stileid.u32;
	s6 =	srdreg.scid  }
0x6: {  	s17 =	simm.s32 $0x8;
	s18 =	simm.s32 $0x20;
	s19 =	simm.s32 $0x10  }
0x7: {  	s20 =	simm.s32 $0x0;
	[smem:$0x7FF] =	sst s3;
	s5 =	smul.u32 $0x280, s1  }
0x8: {  	s10 =	sadd.s32 $0x9600, s4;
	s6 =	sand.u32 $0x1, s6;
	s29 =	smul.u32 $0x500, s1  }
0x9: {  	s7 =	sshll.u32 s1, $0x1;
	s30 =	smul.u32 $0x2710, s1;
	s14 =	sshll.u32 s1, $0x6  }
0xa: {  	_ =	strace $0x80000047;
	s11 =	ssub.s32 $0x2, s6;
	s7 =	sor.u32 s6, s7  }
0xb: {  	s15 =	sshll.u32 s6, $0x7;
	s16 =	smul.u32 $0x1388, s6;
	s6 =	sor.u32 $0x1C01, s14  }
0xc: {  	s14 =	simm.s32 $0x380;
	s9 =	sshrl.u32 s5, $0x3;
	s12 =	sshrl.u32 s11, $0x1  }
0xd: {  	s7 =	smul.u32 $0x1388, s7;
	s13 =	sadd.s32 s5, s2;
	s9 =	sadd.s32 s9, s4  }
0xe: {  	s4 =	sadd.s32 $0xE600, s4;
	s11 =	ssub.s32 s11, s12;
	s12 =	sor.u32 s15, s29  }
0xf: {  	s15 =	simm.s32 $0x138;
	s5 =	sadd.s32 $0xE800, s9;
	s7 =	sshrl.u32 s7, $0x3  }
0x10: {  	s12 =	sshrl.u32 s12, $0x3;
	s9 =	sadd.s32 s16, s30;
	s16 =	simm.s32 $0x300  }
0x11: {  	s7 =	sadd.s32 s10, s7;
	s8 =	sadd.s32 s8, s12;
	s31 =	sshrl.u32 s9, $0x3  }
0x12: {  	s9 =	smax.u32 s11, $0x1;
	s11 =	sshrl.u32 s13, $0x3;
	s12 =	simm.s32 $0x1  }
0x13: {  	s13 =	simm.s32 $0x180;
	s7 =	sadd.s32 $0x270, s7;
	s10 =	sadd.s32 s31, s10  }
.LBB2_1:
0x14: {  	[spmem:s11], [sflag:s6] =	dma.local [hbm:s5], $0x50  }
0x15: {  	_ =	swait.ge [sflag:s12], $0x50  }
0x16: {  	[sflag:s12] =	ssyncset.done $0x0  }
0x17: {  	[sflag:s12] =	ssyncadd.s32 $0xFFFFFFB0  }
0x18: {  	[tilespmem:s13], [sflag:$0x1] =	stream.linear.gather [hbm4b:s4+s3], $0x180, $0x38;
	[tilespmem:$0x680] =	vst v63  }
0x19: {  	_ =	swait.ge [sflag:s12], $0x180  }
0x1a: {  	[sflag:s12] =	ssyncset.done $0x0  }
0x1b: {  	[sflag:s12] =	ssyncadd.s32 $0xFFFFFE80  }
0x1c: {  	[tilespmem:s14], [sflag:$0x1] =	stream.linear.gather [hbm4b:s4+s3], $0x8, $0x38;
	[tilespmem:$0x680] =	vst v63  }
0x1d: {  	_ =	swait.ge [sflag:s12], $0x8  }
0x1e: {  	[sflag:s12] =	ssyncset.done $0x0  }
0x1f: {  	[sflag:s12] =	ssyncadd.s32 $0xFFFFFFF8  }
0x20: {  	s21 =	sadd.s32 $0x0, s10;
	[bflag:$0x0] =	sbarrier.arrive $0xFFFF  }
0x21: {  	[tilespmem:s3], [sflag:$0x1] =	stream.linear.gather [hbm4b:s21+s3], $0x138, $0x38;
	[tilespmem:$0x680] =	vst v63  }
0x22: {  	_ =	swait.ge [sflag:s12], $0x138  }
0x23: {  	[sflag:s12] =	ssyncset.done $0x0  }
0x24: {  	[sflag:s12] =	ssyncadd.s32 $0xFFFFFEC8  }
0x25: {  	[spmem:s2] =	stream.indirect.scatter.add.f32 [tilespmem:s13], [sflag:$0x1], $0x1, s3, s15, $0xb8;
	[tilespmem:$0x680] =	vst v63  }
0x26: {  	_ =	swait.ge [sflag:s12], $0x138  }
0x27: {  	s22 =	simm.s32 $0x4E;
	s21 =	simm.s32 $0x27;
	[sflag:s12] =	ssyncset.done $0x0  }
.LBB2_2:
0x28: {  	s23 =	sadd.s32 s21, s10  }
0x29: {  	[sflag:s12] =	ssyncadd.s32 $0xFFFFFEC8;
	s21 =	smov.u32 s22;
	s24 =	sadd.s32 $0x27, s22  }
0x2a: {  	[tilespmem:s3], [sflag:$0x1] =	stream.linear.gather [hbm4b:s23+s3], $0x138, $0x38;
	[tilespmem:$0x680] =	vst v63  }
0x2b: {  	p0 =	sne.s32 s22, $0x249;
	_ =	swait.ge [sflag:s12], $0x138  }
.Ltmp0:
0x2c: {  	[sflag:s12] =	ssyncset.done $0x0;
	(pc) =	sbr.rel @p0 .LBB2_2-.Ltmp0, $4  }
0x2d: {  	[sflag:s12] =	ssyncadd.s32 $0xFFFFFEC8  }
0x2e: {  	[spmem:s2] =	stream.indirect.scatter.add.f32 [tilespmem:s13], [sflag:$0x1], $0x1, s3, s15, $0xb8;
	[tilespmem:$0x680] =	vst v63  }
0x2f: {  	_ =	swait.ge [sflag:s12], $0x138  }
0x30: {  	s22 =	smov.u32 s24;
	[sflag:s12] =	ssyncset.done $0x0  }
0x31: {  	s21 =	sadd.s32 s21, s10;
	[sflag:s12] =	ssyncadd.s32 $0xFFFFFEC8  }
0x32: {  	[tilespmem:s3], [sflag:$0x1] =	stream.linear.gather [hbm4b:s21+s3], $0x138, $0x38;
	[tilespmem:$0x680] =	vst v63  }
0x33: {  	_ =	swait.ge [sflag:s12], $0x138  }
0x34: {  	[sflag:s12] =	ssyncset.done $0x0  }
0x35: {  	[sflag:s12] =	ssyncadd.s32 $0xFFFFFEC8  }
0x36: {  	[spmem:s2] =	stream.indirect.scatter.add.f32 [tilespmem:s13], [sflag:$0x1], $0x1, s3, s15, $0xb8;
	[tilespmem:$0x680] =	vst v63  }
0x37: {  	_ =	swait.ge [sflag:s12], $0x138  }
0x38: {  	[sflag:s12] =	ssyncset.done $0x0  }
0x39: {  	[sflag:s12] =	ssyncadd.s32 $0xFFFFFEC8  }
0x3a: {  	[tilespmem:s16], [sflag:$0x1] =	stream.linear.gather [hbm4b:s7+s3], $0x8, $0x38;
	[tilespmem:$0x680] =	vst v63  }
0x3b: {  	_ =	swait.ge [sflag:s12], $0x8  }
0x3c: {  	[sflag:s12] =	ssyncset.done $0x0  }
0x3d: {  	[sflag:s12] =	ssyncadd.s32 $0xFFFFFFF8  }
0x3e: {  	[spmem:s2] =	stream.indirect.scatter.add.f32 [tilespmem:s14], [sflag:$0x1], $0x1, s16, s17, $0xb8;
	[tilespmem:$0x680] =	vst v63  }
0x3f: {  	_ =	swait.ge [sflag:s12], $0x8  }
0x40: {  	s20 =	sadd.s32 $0x1, s20;
	[sflag:s12] =	ssyncset.done $0x0  }
0x41: {  	p0 =	sne.s32 s20, s9;
	[sflag:s12] =	ssyncadd.s32 $0xFFFFFFF8  }
.Ltmp1:
0x42: {  	[bflag:$0x0] =	sbarrier.arrive $0xFFFF;
	(pc) =	sbr.rel @p0 .LBB2_1-.Ltmp1, $4  }
0x43: {  	[hbm:s8@s18], [sflag:s6] =	dma.strided [spmem:s11@s19], $0x50, s12, $0x10   }
0x44: {  	_ =	swait.ge [sflag:s12], $0x50  }
0x45: {  	[sflag:s12] =	ssyncset.done $0x0  }
0x46: {  	[sflag:s12] =	ssyncadd.s32 $0xFFFFFFB0  }
0x47: {  	_ =	sfence.sel $0x180000  }
0x48: {  	[bflag:$0x0] =	sbarrier.arrive $0xFFFF  }
0x49: {  	p0 =	sne.s32 s1, $0x0;
	_ =	strace $0x90000047  }
0x4a: {  	s0 =	sadd.s32 @!p0 $0x100000, s0;
	[bflag:$0x2] =	sbarrier.arrive $0xFFFF  }
0x4b: {  	[sflag:s0] =	ssyncadd.tile.s32 @!p0 $0x1;
	_ =	shalt  }
.Lfunc_end2:
_tile_overlayer_lowered:
.L_overlay_start_2:
0x4c: {  	(tag) =	ssettag $0x2  }
0x4d: {  	s0 =	rddreg [dreg:$0x0];
	s2 =	stileid.u32  }
0x4e: {  	s1 =	rddreg [dreg:$0x1];
	p0 =	sne.s32 s2, $0x0  }
0x4f: {  	s3 =	rddreg [dreg:$0x2];
	[bflag:$0x3] =	sbarrier.arrive $0xFFFF;
	s2 =	simm.s32 @!p0 $0x1C01  }
0x50: {  	[timem:s3], [sflag:s2] =	dma.local @!p0 [hbm:s0], s1  }
0x51: {  	s0 =	simm.s32 @!p0 $0x1  }
0x52: {  	_ =	swait.ge @!p0 [sflag:s0], s1  }
0x53: {  	s1 =	ssub.s32 @!p0 $0x0, s1;
	[sflag:s0] =	ssyncset.done @!p0 $0x0  }
0x54: {  	[sflag:s0] =	ssyncadd.s32 @!p0 s1  }
0x55: {  	[bflag:$0x3] =	sbarrier.arrive $0xFFFF  }
0x56: {  	_ =	shalt  }

// kernel: kernel.9.cloned.1.call-start
scs
__scs_entry_jumppad:
0x0: {  	(pc) =	sbr.rel $0x88, $3  }
0x1: {  	(tag) =	ssettag $0x0;
	lr =	simm.s32 $0x1  }
0x2: {  	[smem:$0x3F87] =	sst lr;
	_ =	strace $0xD0000000  }
0x3: {  	_ = 	snop  }
0x4: {  	_ = 	snop  }
0x5: {  	_ = 	snop  }
0x6: {  	_ = 	snop  }
0x7: {  	_ = 	snop  }
__scs_overlays_trampoline_lowered:
0x8: {  	[smem:$0x3F96] =	sst s0  }
0x9: {  	[smem:$0x3F97] =	sst s1  }
0xa: {  	[smem:$0x3F98] =	sst s2  }
0xb: {  	[smem:$0x3F99] =	sst s3  }
0xc: {  	[smem:$0x3F9A] =	sst s4  }
0xd: {  	[smem:$0x3F9B] =	sst s5  }
0xe: {  	[smem:$0x3F9C] =	sst s6  }
0xf: {  	[smem:$0x3F9D] =	sst s7  }
0x10: {  	[smem:$0x3F9E] =	sst s8  }
0x11: {  	[smem:$0x3F9F] =	sst s9;
	s0 =	simm.s32 @!p0 $0x0  }
0x12: {  	s1 =	sld [smem:$0x3F85];
	s0 =	simm.s32 @p0 $0x1  }
0x13: {  	[smem:$0x3FA0] =	sst s0;
	s0 =	simm.s32 @!p1 $0x0  }
0x14: {  	s2 =	sld [smem:$0x3F84];
	s0 =	simm.s32 @p1 $0x1  }
0x15: {  	[smem:$0x3FA1] =	sst s0;
	s0 =	simm.s32 @!p2 $0x0  }
0x16: {  	s3 =	sld [smem:$0x3FDB];
	s0 =	simm.s32 @p2 $0x1  }
0x17: {  	s4 =	simm.s32 $0x1BF5;
	[smem:$0x3FA3] =	sst s0  }
0x18: {  	s0 =	sld [smem:$0x3F86];
	_ =	swait.ge [sflag:s4], $0x0  }
0x19: {  	s7 =	sld [smem:$0x3F87]  }
0x1a: {  	s8 =	sadd.s32 $0xFFFFE003, lr  }
0x1b: {  	s9 =	sadd.s32 $0xFFFFFEF7, lr;
	s5 =	simm.s32 $0xFFFFFFFF;
	p2 =	slt.u32 s8, $0xFFFFF086  }
0x1c: {  	p1 =	slt.u32 s9, $0xF7A;
	s5 =	simm.s32 @!p2 $0x0  }
0x1d: {  	s5 =	simm.s32 @p1 $0x1;
	p0 =	seq.s32 s7, s2  }
0x1e: {  	s7 =	smul.u32 @!p0 $0xF7A, s2;
	p2 =	seq.s32 @!p0 s5, $0x0  }
0x1f: {  	s9 =	smul.u32 $0xF7A, s1;
	s8 =	simm.s32 @!p0 $0x1BF5;
	p2 =	por !p2, p0  }
0x20: {  	[sflag:s8] =	ssyncset.s32 @!p0 $0xFFFFF086;
	s6 =	sadd.s32 @!p0 s3, s7;
	s7 =	simm.s32 @!p0 $0x108  }
0x21: {  	s3 =	sadd.s32 s3, s9;
	s6 =	sadd.s32 @!p0 $0x88, s6;
	s7 =	simm.s32 @p2 $0x1082  }
0x22: {  	[simem:s7], [sflag:s8] =	dma.local @!p0 [hbm:s6], $0xF7A  }
0x23: {  	s9 =	sor.u32 $0xD0000000, s2;
	s6 =	simm.s32 $0x108;
	_ =	swait.ge @!p0 [sflag:s8], $0x0  }
0x24: {  	s3 =	sadd.s32 $0x88, s3;
	s6 =	simm.s32 @!p1 $0x1082;
	[sflag:s4] =	ssyncset.s32 $0xFFFFF086  }
0x25: {  	[simem:s6], [sflag:s4] =	dma.local [hbm:s3], $0xF7A  }
0x26: {  	[smem:$0x3F87] =	sst s1;
	(tag) =	ssettag s2;
	_ =	strace s9  }
0x27: {  	s1 =	sld [smem:$0x3F97]  }
0x28: {  	s2 =	sld [smem:$0x3F98]  }
0x29: {  	s4 =	sld [smem:$0x3F9A]  }
0x2a: {  	p0 =	seq.s32 s5, $0x0;
	s5 =	sld [smem:$0x3F9B]  }
0x2b: {  	s6 =	sld [smem:$0x3F9C]  }
0x2c: {  	s7 =	sld [smem:$0x3F9D]  }
0x2d: {  	s3 =	simm.s32 $0x108;
	s8 =	sld [smem:$0x3F9E]  }
0x2e: {  	s3 =	simm.s32 @!p0 $0x1082;
	s9 =	sld [smem:$0x3F9F]  }
0x2f: {  	lr =	sadd.s32 s0, s3;
	s0 =	sld [smem:$0x3F96]  }
0x30: {  	s3 =	sld [smem:$0x3F99]  }
0x31: {  	[smem:$0x3FA2] =	sst s10  }
0x32: {  	s10 =	sld [smem:$0x3FA0];
	_ =	sdelay $0x3  }
0x33: {  	p0 =	seq.s32 s10, $0x1;
	s10 =	sld [smem:$0x3FA2];
	_ =	sdelay $0x3  }
0x34: {  	[smem:$0x3FA2] =	sst s10  }
0x35: {  	s10 =	sld [smem:$0x3FA1];
	_ =	sdelay $0x3  }
0x36: {  	p1 =	seq.s32 s10, $0x1;
	s10 =	sld [smem:$0x3FA2];
	_ =	sdelay $0x3  }
0x37: {  	[smem:$0x3FA2] =	sst s10  }
0x38: {  	s10 =	sld [smem:$0x3FA3]  }
0x39: {  	_ = 	snop;
	(pc) =	sbr.ind lr, $3  }
0x3a: {  	_ = 	snop  }
0x3b: {  	_ = 	snop  }
0x3c: {  	p2 =	seq.s32 s10, $0x1;
	s10 =	sld [smem:$0x3FA2]  }
0x3d: {  	_ =	shalt  }
0x3e: {  	_ =	shalt  }
0x3f: {  	_ =	shalt  }
0x40: {  	_ =	shalt  }
0x41: {  	_ =	shalt  }
0x42: {  	_ =	shalt  }
0x43: {  	_ =	shalt  }
0x44: {  	_ =	shalt  }
0x45: {  	_ =	shalt  }
0x46: {  	_ =	shalt  }
0x47: {  	_ =	shalt  }
0x48: {  	_ =	shalt  }
0x49: {  	_ =	shalt  }
0x4a: {  	_ =	shalt  }
0x4b: {  	_ =	shalt  }
0x4c: {  	_ =	shalt  }
0x4d: {  	_ =	shalt  }
0x4e: {  	_ =	shalt  }
0x4f: {  	_ =	shalt  }
0x50: {  	_ =	shalt  }
0x51: {  	_ =	shalt  }
0x52: {  	_ =	shalt  }
0x53: {  	_ =	shalt  }
0x54: {  	_ =	shalt  }
0x55: {  	_ =	shalt  }
0x56: {  	_ =	shalt  }
0x57: {  	_ =	shalt  }
0x58: {  	_ =	shalt  }
0x59: {  	_ =	shalt  }
0x5a: {  	_ =	shalt  }
0x5b: {  	_ =	shalt  }
0x5c: {  	_ =	shalt  }
0x5d: {  	_ =	shalt  }
0x5e: {  	_ =	shalt  }
0x5f: {  	_ =	shalt  }
0x60: {  	_ =	shalt  }
0x61: {  	_ =	shalt  }
0x62: {  	_ =	shalt  }
0x63: {  	_ =	shalt  }
0x64: {  	_ =	shalt  }
0x65: {  	_ =	shalt  }
0x66: {  	_ =	shalt  }
0x67: {  	_ =	shalt  }
0x68: {  	_ =	shalt  }
0x69: {  	_ =	shalt  }
0x6a: {  	_ =	shalt  }
0x6b: {  	_ =	shalt  }
0x6c: {  	_ =	shalt  }
0x6d: {  	_ =	shalt  }
0x6e: {  	_ =	shalt  }
0x6f: {  	_ =	shalt  }
0x70: {  	_ =	shalt  }
0x71: {  	_ =	shalt  }
0x72: {  	_ =	shalt  }
0x73: {  	_ =	shalt  }
0x74: {  	_ =	shalt  }
0x75: {  	_ =	shalt  }
0x76: {  	_ =	shalt  }
0x77: {  	_ =	shalt  }
0x78: {  	_ =	shalt  }
0x79: {  	_ =	shalt  }
0x7a: {  	_ =	shalt  }
0x7b: {  	_ =	shalt  }
0x7c: {  	_ =	shalt  }
0x7d: {  	_ =	shalt  }
0x7e: {  	_ =	shalt  }
0x7f: {  	_ =	shalt  }
0x80: {  	_ =	shalt  }
0x81: {  	_ =	shalt  }
0x82: {  	_ =	shalt  }
0x83: {  	_ =	shalt  }
0x84: {  	_ =	shalt  }
0x85: {  	_ =	shalt  }
0x86: {  	_ =	shalt  }
0x87: {  	_ =	shalt  }
.Lfunc_end0:
.L_simem_size_0:
called_computation.3_lowered:
.L_overlay_start_0:
0x88: {  	s2 =	sld [smem:$0x3FD9]  }
0x89: {  	s3 =	sld [smem:$0x3FFE];
	_ =	sdelay $0x1  }
0x8a: {  	s1 =	srdreg.scid  }
0x8b: {  	s0 =	sand.u32 $0x1, s1  }
0x8c: {  	s17 =	sshll.u32 s0, $0xA;
	s2 =	sadd.s32 s3, s2  }
0x8d: {  	s2 =	sadd.s32 s2, s17  }
0x8e: {  	[smem:$0x3FAE] =	sst s2  }
0x8f: {  	_ = 	snop  }
0x90: {  	s2 =	sld [smem:$0x3FD0];
	(tm) =	ssettm $0x1  }
0x91: {  	s18 =	sld [smem:$0x3FFB];
	_ =	sdelay $0x3  }
0x92: {  	_ =	strace s18  }
0x93: {  	s3 =	sld [smem:$0x3FFC];
	_ =	sdelay $0x3  }
0x94: {  	_ =	strace s3  }
0x95: {  	s3 =	sld [smem:$0x3FFD];
	_ =	sdelay $0x3  }
0x96: {  	_ =	strace s3  }
0x97: {  	_ =	strace $0x8FFFFFFF  }
0x98: {  	s19 =	sld [smem:$0x3FDB];
	_ =	sdelay $0x1  }
0x99: {  	s4 =	simm.s32 $_scs_section_size  }
0x9a: {  	s5 =	simm.s32 $_size__tile_overlayer_lowered;
	s6 =	simm.s32 $_tile_overlayer_lowered  }
0x9b: {  	s22 =	simm.s32 $0x1BFF;
	s21 =	sshll.u32 s6, $0x1;
	s3 =	sadd.s32 s4, s19  }
0x9c: {  	s7 =	simm.s32 $0x0;
	s20 =	sshll.u32 s5, $0x1;
	s5 =	sadd.s32 s21, s3  }
0x9d: {  	[timem:s7], [sflag:s22] =	dma.local [hbm:s5], s20  }
0x9e: {  	_ =	swait.ge [sflag:s22], s20  }
0x9f: {  	s4 =	ssub.s32 $0x0, s20;
	[sflag:s22] =	ssyncset.done $0x0  }
0xa0: {  	[sflag:s22] =	ssyncadd.s32 s4;
	_ =	sdelay $0x1  }
0xa1: {  	s23 =	simm.s32 $0x1B8B  }
0xa2: {  	_ =	swait.ge [sflag:s23], $0x1  }
0xa3: {  	[sflag:s23] =	ssyncset.done $0x0  }
0xa4: {  	s25 =	simm.s32 $0x1B8E;
	s24 =	sld [smem:$0x3FFE];
	[sflag:s23] =	ssyncadd.s32 $0xFFFFFFFF  }
0xa5: {  	s26 =	simm.s32 $execute0_lowered;
	[smem:$0x3FD2] =	sst s25  }
0xa6: {  	s5 =	sshll.u32 s26, $0x1;
	_ =	strace $0x80000049;
	[dreg:$0x1] =	wrdreg $0xFFFFFFFF  }
0xa7: {  	s28 =	simm.s32 $_size_execute0_lowered;
	s3 =	sadd.s32 s3, s5;
	[dreg:$0x0] =	wrdreg $0x0  }
0xa8: {  	s5 =	sshll.u32 s28, $0x1;
	[dreg:$0x2] =	wrdreg s3  }
0xa9: {  	[dreg:$0x3] =	wrdreg s5  }
0xaa: {  	[dreg:$0x4] =	wrdreg $0xC0  }
0xab: {  	_ =	task [dreg:s7], $0x5FFFF  }
0xac: {  	[dreg:$0x1] =	wrdreg $0xFFFFFFFF  }
0xad: {  	[dreg:$0x0] =	wrdreg $0x60  }
0xae: {  	[dreg:$0x2] =	wrdreg s24  }
0xaf: {  	[dreg:$0x3] =	wrdreg s2  }
0xb0: {  	[dreg:$0x4] =	wrdreg $0xB9000  }
0xb1: {  	[dreg:$0x5] =	wrdreg $0x9  }
0xb2: {  	_ =	task.clear_ibuf [dreg:s7], $0x6FFFF;
	_ =	strace $0x90000049  }
0xb3: {  	s29 =	simm.s32 $0x9;
	_ =	strace $0x8000004B  }
0xb4: {  	_ =	swait.ge [sflag:s29], $0x1  }
0xb5: {  	[sflag:s29] =	ssyncadd.s32 $0xFFFFFFFF  }
0xb6: {  	_ =	strace $0x9000004B  }
0xb7: {  	_ =	sfence  }
0xb8: {  	s30 =	sld [smem:$0x0];
	_ =	sdelay $0x2  }
0xb9: {  	s31 =	sshll.u32 s1, $0xD;
	s1 =	sshrl.u32 s1, $0x2  }
0xba: {  	s3 =	sand.u32 $0x4000, s31;
	s1 =	sadd.s32 s1, s30  }
0xbb: {  	s0 =	sor.u32 s3, s0;
	s1 =	sshll.u32 s1, $0x11  }
0xbc: {  	s0 =	sor.u32 s1, s0  }
0xbd: {  	s0 =	sadd.s32 $0x8F2B, s0  }
0xbe: {  	[sflag:s0] =	ssyncadd.remote.s32 $0x1  }
0xbf: {  	_ =	sfence.sel $0xFFFF  }
0xc0: {  	[dreg:$0x0] =	wrdreg $0xFFFFFFFF;
	(pc) =	sbr.abs _section_cstart, $3  }
0xc1: {  	[dreg:$0x1] =	wrdreg $0xFFFFFFFF  }
0xc2: {  	_ =	task.clear_ibuf [dreg:s7], $0x2FFFF;
	_ =	strace $0x9FFFFFFF  }
0xc3: {  	(tm) =	ssettm $0x7FFFFFFF  }
tec
execute0_lowered:
.L_overlay_start_1:
0x0: {  	(tag) =	ssettag $0x1  }
0x1: {  	s0 =	rddreg [dreg:$0x0]  }
0x2: {  	s1 =	rddreg [dreg:$0x1]  }
0x3: {  	s2 =	rddreg [dreg:$0x2];
	s3 =	simm.s32 $0x0  }
0x4: {  	s13 =	stileid.u32;
	s9 =	srdreg.scid;
	s28 =	simm.s32 $0x2  }
0x5: {  	s29 =	simm.s32 $0xA400;
	s30 =	simm.s32 $0xA480;
	s31 =	simm.s32 $0x28  }
0x6: {  	[smem:$0x7FF] =	sst s3;
	s7 =	smul.u32 $0x14000, s13;
	s4 =	sadd.s32 $0xE600, s0  }
0x7: {  	s5 =	sadd.s32 $0x4600, s0;
	s9 =	sand.u32 $0x1, s9;
	s11 =	smul.u32 $0x50000, s13  }
0x8: {  	s10 =	sshll.u32 s13, $0x1;
	s20 =	sshll.u32 s13, $0x6;
	s13 =	smul.u32 $0x2710, s13  }
0x9: {  	s6 =	sadd.s32 $0x9600, s0;
	_ =	strace $0x8000004A;
	s19 =	smul.u32 $0x140000, s9  }
0xa: {  	s18 =	ssub.s32 $0x2, s9;
	s10 =	sor.u32 s9, s10;
	s9 =	smul.u32 $0x1388, s9  }
0xb: {  	s8 =	sshrl.u32 s7, $0x3;
	s12 =	sshrl.u32 s18, $0x1;
	s10 =	smul.u32 $0x1388, s10  }
0xc: {  	s11 =	sshrl.u32 s11, $0x2;
	s0 =	sadd.s32 s8, s0;
	s14 =	ssub.s32 s18, s12  }
0xd: {  	s11 =	sadd.s32 s11, s2;
	s8 =	sor.u32 $0x1C03, s20;
	s7 =	sadd.s32 s7, s19  }
0xe: {  	s9 =	sadd.s32 s9, s13;
	s19 =	simm.s32 $0x3;
	s20 =	simm.s32 $0x100  }
0xf: {  	s0 =	sadd.s32 $0x35800, s0;
	s21 =	sshrl.u32 s10, $0x3;
	s24 =	sshrl.u32 s7, $0x3  }
0x10: {  	s25 =	sadd.s32 $0xA0, s9;
	s14 =	smax.u32 s14, $0x1;
	s15 =	sadd.s32 $0x140, s9  }
0x11: {  	s18 =	sshrl.u32 s11, $0x3;
	[dreg:$0x4] =	wrdreg s0;
	s10 =	sadd.s32 s5, s21  }
0x12: {  	s22 =	sadd.s32 s6, s21;
	s0 =	sadd.s32 $0x26C, s21;
	s26 =	sshrl.u32 s25, $0x3  }
0x13: {  	s21 =	simm.s32 $0xA0;
	s25 =	simm.s32 $0x5400;
	[dreg:$0x5] =	wrdreg s10  }
0x14: {  	[dreg:$0x6] =	wrdreg s22;
	s23 =	sadd.s32 s5, s0;
	s0 =	sadd.s32 s6, s0  }
0x15: {  	s16 =	sadd.s32 s26, s6;
	s17 =	sadd.s32 s26, s5;
	[dreg:$0x7] =	wrdreg s23  }
0x16: {  	s22 =	simm.s32 $0x200;
	s26 =	simm.s32 $0x1;
	[dreg:$0x8] =	wrdreg s0  }
0x17: {  	s0 =	sadd.s32 s1, s24;
	s23 =	simm.s32 $0x5200;
	s24 =	simm.s32 $0x5300  }
0x18: {  	s1 =	simm.s32 $0x0;
	[dreg:$0x9] =	wrdreg s0;
	s0 =	simm.s32 $0xA500  }
.LBB2_1:
0x19: {  	s7 =	rddreg [dreg:$0x4]  }
0x1a: {  	[spmem:s18], [sflag:s8] =	dma.local [hbm:s7], $0x2800  }
0x1b: {  	_ =	swait.ge [sflag:s19], $0x2800  }
0x1c: {  	[sflag:s19] =	ssyncset.done $0x0  }
0x1d: {  	[sflag:s19] =	ssyncadd.s32 $0xFFFFD800  }
0x1e: {  	[bflag:$0x0] =	sbarrier.arrive $0xFFFF  }
0x1f: {  	s9 =	rddreg [dreg:$0x5]  }
0x20: {  	[tilespmem:s3], [sflag:$0x3] =	stream.linear.gather [hbm4b:s9+s3], $0xA0, $0x38;
	[tilespmem:$0x1F900] =	vst v63  }
0x21: {  	_ =	swait.ge [sflag:s19], $0xA0  }
0x22: {  	[sflag:s19] =	ssyncset.done $0x0  }
0x23: {  	s10 =	rddreg [dreg:$0x6];
	[sflag:s19] =	ssyncadd.s32 $0xFFFFFF60  }
0x24: {  	[tilespmem:s20], [sflag:$0x3] =	stream.linear.gather [hbm4b:s10+s3], $0xA0, $0x38;
	[tilespmem:$0x1F900] =	vst v63  }
0x25: {  	_ =	swait.ge [sflag:s19], $0xA0  }
0x26: {  	[sflag:s19] =	ssyncset.done $0x0  }
0x27: {  	[sflag:s19] =	ssyncadd.s32 $0xFFFFFF60  }
0x28: {  	[tilespmem:s22], [sflag:$0x1] =	stream.indirect.gather [hbm4b:s4+s21], $0x80, s3, s21, $0xb8;
	[tilespmem:$0x1F900] =	vst v63  }
0x29: {  	s11 =	sadd.s32 $0x0, s17  }
0x2a: {  	[tilespmem:s23], [sflag:$0x3] =	stream.linear.gather [hbm4b:s11+s3], $0xA0, $0x38;
	[tilespmem:$0x1F900] =	vst v63  }
0x2b: {  	_ =	swait.ge [sflag:s19], $0xA0  }
0x2c: {  	[sflag:s19] =	ssyncset.done $0x0  }
0x2d: {  	s12 =	sadd.s32 $0x0, s16;
	[sflag:s19] =	ssyncadd.s32 $0xFFFFFF60  }
0x2e: {  	[tilespmem:s24], [sflag:$0x3] =	stream.linear.gather [hbm4b:s12+s3], $0xA0, $0x38;
	[tilespmem:$0x1F900] =	vst v63  }
0x2f: {  	_ =	swait.ge [sflag:s19], $0xA0  }
0x30: {  	[sflag:s19] =	ssyncset.done $0x0  }
0x31: {  	[sflag:s19] =	ssyncadd.s32 $0xFFFFFF60  }
0x32: {  	[tilespmem:s25], [sflag:$0x2] =	stream.indirect.gather [hbm4b:s4+s21], $0x80, s23, s21, $0xb8;
	[tilespmem:$0x1F900] =	vst v63  }
0x33: {  	_ =	swait.ge [sflag:s26], $0x5000  }
0x34: {  	[sflag:s26] =	ssyncset.done $0x0  }
0x35: {  	[sflag:s26] =	ssyncadd.s32 $0xFFFFB000  }
0x36: {  	[spmem:s2] =	stream.indirect.scatter.add.f32 [tilespmem:s22], [sflag:$0x3], $0x80, s20, s21, $0xb8;
	[tilespmem:$0x1F900] =	vst v63  }
0x37: {  	_ =	swait.ge [sflag:s19], $0x5000  }
0x38: {  	s13 =	sshrl.u32 s15, $0x3;
	[sflag:s19] =	ssyncset.done $0x0  }
0x39: {  	s9 =	sadd.s32 s5, s13;
	[sflag:s19] =	ssyncadd.s32 $0xFFFFB000  }
0x3a: {  	[tilespmem:s3], [sflag:$0x3] =	stream.linear.gather [hbm4b:s9+s3], $0xA0, $0x38;
	[tilespmem:$0x1F900] =	vst v63  }
0x3b: {  	_ =	swait.ge [sflag:s19], $0xA0  }
0x3c: {  	[sflag:s19] =	ssyncset.done $0x0  }
0x3d: {  	s7 =	sadd.s32 s6, s13;
	[sflag:s19] =	ssyncadd.s32 $0xFFFFFF60  }
0x3e: {  	[tilespmem:s20], [sflag:$0x3] =	stream.linear.gather [hbm4b:s7+s3], $0xA0, $0x38;
	[tilespmem:$0x1F900] =	vst v63  }
0x3f: {  	_ =	swait.ge [sflag:s19], $0xA0  }
0x40: {  	[sflag:s19] =	ssyncset.done $0x0  }
0x41: {  	[sflag:s19] =	ssyncadd.s32 $0xFFFFFF60  }
0x42: {  	[tilespmem:s22], [sflag:$0x1] =	stream.indirect.gather [hbm4b:s4+s21], $0x80, s3, s21, $0xb8;
	[tilespmem:$0x1F900] =	vst v63  }
0x43: {  	_ =	swait.ge [sflag:s28], $0x5000  }
0x44: {  	[sflag:s28] =	ssyncset.done $0x0  }
0x45: {  	[sflag:s28] =	ssyncadd.s32 $0xFFFFB000  }
0x46: {  	[spmem:s2] =	stream.indirect.scatter.add.f32 [tilespmem:s25], [sflag:$0x3], $0x80, s24, s21, $0xb8;
	[tilespmem:$0x1F900] =	vst v63  }
0x47: {  	s10 =	simm.s32 $0x50;
	_ =	swait.ge [sflag:s19], $0x5000  }
0x48: {  	s9 =	simm.s32 $0x28;
	s7 =	sadd.s32 $0x140, s15;
	[sflag:s19] =	ssyncset.done $0x0  }
.LBB2_2:
0x49: {  	s12 =	sadd.s32 s9, s17  }
0x4a: {  	[sflag:s19] =	ssyncadd.s32 $0xFFFFB000;
	s13 =	smov.u32 s10;
	s11 =	sadd.s32 $0x28, s10  }
0x4b: {  	[tilespmem:s23], [sflag:$0x3] =	stream.linear.gather [hbm4b:s12+s3], $0xA0, $0x38;
	[tilespmem:$0x1F900] =	vst v63  }
0x4c: {  	p0 =	sne.s32 s10, $0x230;
	_ =	swait.ge [sflag:s19], $0xA0  }
0x4d: {  	[sflag:s19] =	ssyncset.done $0x0  }
0x4e: {  	s10 =	sadd.s32 s9, s16;
	s9 =	smov.u32 s13;
	[sflag:s19] =	ssyncadd.s32 $0xFFFFFF60  }
0x4f: {  	[tilespmem:s24], [sflag:$0x3] =	stream.linear.gather [hbm4b:s10+s3], $0xA0, $0x38;
	[tilespmem:$0x1F900] =	vst v63  }
0x50: {  	_ =	swait.ge [sflag:s19], $0xA0  }
0x51: {  	[sflag:s19] =	ssyncset.done $0x0  }
0x52: {  	[sflag:s19] =	ssyncadd.s32 $0xFFFFFF60  }
0x53: {  	[tilespmem:s25], [sflag:$0x2] =	stream.indirect.gather [hbm4b:s4+s21], $0x80, s23, s21, $0xb8;
	[tilespmem:$0x1F900] =	vst v63  }
0x54: {  	_ =	swait.ge [sflag:s26], $0x5000  }
0x55: {  	[sflag:s26] =	ssyncset.done $0x0  }
0x56: {  	[sflag:s26] =	ssyncadd.s32 $0xFFFFB000  }
0x57: {  	[spmem:s2] =	stream.indirect.scatter.add.f32 [tilespmem:s22], [sflag:$0x3], $0x80, s20, s21, $0xb8;
	[tilespmem:$0x1F900] =	vst v63  }
0x58: {  	_ =	swait.ge [sflag:s19], $0x5000  }
0x59: {  	s10 =	sshrl.u32 s7, $0x3;
	[sflag:s19] =	ssyncset.done $0x0  }
0x5a: {  	s12 =	sadd.s32 s5, s10;
	[sflag:s19] =	ssyncadd.s32 $0xFFFFB000  }
0x5b: {  	[tilespmem:s3], [sflag:$0x3] =	stream.linear.gather [hbm4b:s12+s3], $0xA0, $0x38;
	[tilespmem:$0x1F900] =	vst v63  }
0x5c: {  	_ =	swait.ge [sflag:s19], $0xA0  }
0x5d: {  	[sflag:s19] =	ssyncset.done $0x0  }
0x5e: {  	s10 =	sadd.s32 s6, s10;
	[sflag:s19] =	ssyncadd.s32 $0xFFFFFF60  }
0x5f: {  	[tilespmem:s20], [sflag:$0x3] =	stream.linear.gather [hbm4b:s10+s3], $0xA0, $0x38;
	[tilespmem:$0x1F900] =	vst v63  }
0x60: {  	_ =	swait.ge [sflag:s19], $0xA0  }
0x61: {  	[sflag:s19] =	ssyncset.done $0x0  }
0x62: {  	[sflag:s19] =	ssyncadd.s32 $0xFFFFFF60  }
0x63: {  	[tilespmem:s22], [sflag:$0x1] =	stream.indirect.gather [hbm4b:s4+s21], $0x80, s3, s21, $0xb8;
	[tilespmem:$0x1F900] =	vst v63  }
0x64: {  	_ =	swait.ge [sflag:s28], $0x5000  }
.Ltmp0:
0x65: {  	[sflag:s28] =	ssyncset.done $0x0;
	(pc) =	sbr.rel @p0 .LBB2_2-.Ltmp0, $4  }
0x66: {  	[sflag:s28] =	ssyncadd.s32 $0xFFFFB000  }
0x67: {  	[spmem:s2] =	stream.indirect.scatter.add.f32 [tilespmem:s25], [sflag:$0x3], $0x80, s24, s21, $0xb8;
	[tilespmem:$0x1F900] =	vst v63  }
0x68: {  	_ =	swait.ge [sflag:s19], $0x5000  }
0x69: {  	s7 =	sadd.s32 $0x140, s7;
	s10 =	smov.u32 s11;
	[sflag:s19] =	ssyncset.done $0x0  }
0x6a: {  	s10 =	sadd.s32 s9, s17;
	[sflag:s19] =	ssyncadd.s32 $0xFFFFB000  }
0x6b: {  	[tilespmem:s23], [sflag:$0x3] =	stream.linear.gather [hbm4b:s10+s3], $0xA0, $0x38;
	[tilespmem:$0x1F900] =	vst v63  }
0x6c: {  	_ =	swait.ge [sflag:s19], $0xA0  }
0x6d: {  	[sflag:s19] =	ssyncset.done $0x0  }
0x6e: {  	s13 =	sadd.s32 s9, s16;
	[sflag:s19] =	ssyncadd.s32 $0xFFFFFF60  }
0x6f: {  	[tilespmem:s24], [sflag:$0x3] =	stream.linear.gather [hbm4b:s13+s3], $0xA0, $0x38;
	[tilespmem:$0x1F900] =	vst v63  }
0x70: {  	_ =	swait.ge [sflag:s19], $0xA0  }
0x71: {  	[sflag:s19] =	ssyncset.done $0x0  }
0x72: {  	[sflag:s19] =	ssyncadd.s32 $0xFFFFFF60  }
0x73: {  	[tilespmem:s25], [sflag:$0x2] =	stream.indirect.gather [hbm4b:s4+s21], $0x80, s23, s21, $0xb8;
	[tilespmem:$0x1F900] =	vst v63  }
0x74: {  	_ =	swait.ge [sflag:s26], $0x5000  }
0x75: {  	[sflag:s26] =	ssyncset.done $0x0  }
0x76: {  	[sflag:s26] =	ssyncadd.s32 $0xFFFFB000  }
0x77: {  	[spmem:s2] =	stream.indirect.scatter.add.f32 [tilespmem:s22], [sflag:$0x3], $0x80, s20, s21, $0xb8;
	[tilespmem:$0x1F900] =	vst v63  }
0x78: {  	_ =	swait.ge [sflag:s19], $0x5000  }
0x79: {  	s7 =	sshrl.u32 s7, $0x3;
	[sflag:s19] =	ssyncset.done $0x0  }
0x7a: {  	s10 =	sadd.s32 s5, s7;
	[sflag:s19] =	ssyncadd.s32 $0xFFFFB000  }
0x7b: {  	[tilespmem:s3], [sflag:$0x3] =	stream.linear.gather [hbm4b:s10+s3], $0xA0, $0x38;
	[tilespmem:$0x1F900] =	vst v63  }
0x7c: {  	_ =	swait.ge [sflag:s19], $0xA0  }
0x7d: {  	[sflag:s19] =	ssyncset.done $0x0  }
0x7e: {  	s7 =	sadd.s32 s6, s7;
	[sflag:s19] =	ssyncadd.s32 $0xFFFFFF60  }
0x7f: {  	[tilespmem:s20], [sflag:$0x3] =	stream.linear.gather [hbm4b:s7+s3], $0xA0, $0x38;
	[tilespmem:$0x1F900] =	vst v63  }
0x80: {  	_ =	swait.ge [sflag:s19], $0xA0  }
0x81: {  	[sflag:s19] =	ssyncset.done $0x0  }
0x82: {  	[sflag:s19] =	ssyncadd.s32 $0xFFFFFF60  }
0x83: {  	[tilespmem:s22], [sflag:$0x1] =	stream.indirect.gather [hbm4b:s4+s21], $0x80, s3, s21, $0xb8;
	[tilespmem:$0x1F900] =	vst v63  }
0x84: {  	_ =	swait.ge [sflag:s28], $0x5000  }
0x85: {  	[sflag:s28] =	ssyncset.done $0x0  }
0x86: {  	[sflag:s28] =	ssyncadd.s32 $0xFFFFB000  }
0x87: {  	[spmem:s2] =	stream.indirect.scatter.add.f32 [tilespmem:s25], [sflag:$0x3], $0x80, s24, s21, $0xb8;
	[tilespmem:$0x1F900] =	vst v63  }
0x88: {  	_ =	swait.ge [sflag:s19], $0x5000  }
0x89: {  	[sflag:s19] =	ssyncset.done $0x0  }
0x8a: {  	[sflag:s19] =	ssyncadd.s32 $0xFFFFB000  }
0x8b: {  	_ =	swait.ge [sflag:s26], $0x5000  }
0x8c: {  	[sflag:s26] =	ssyncset.done $0x0  }
0x8d: {  	[sflag:s26] =	ssyncadd.s32 $0xFFFFB000  }
0x8e: {  	[spmem:s2] =	stream.indirect.scatter.add.f32 [tilespmem:s22], [sflag:$0x3], $0x80, s20, s21, $0xb8;
	[tilespmem:$0x1F900] =	vst v63  }
0x8f: {  	_ =	swait.ge [sflag:s19], $0x5000  }
0x90: {  	[sflag:s19] =	ssyncset.done $0x0  }
0x91: {  	s11 =	rddreg [dreg:$0x7];
	[sflag:s19] =	ssyncadd.s32 $0xFFFFB000  }
0x92: {  	[tilespmem:s29], [sflag:$0x3] =	stream.linear.gather [hbm4b:s11+s3], $0x28, $0x38;
	[tilespmem:$0x1F900] =	vst v63  }
0x93: {  	_ =	swait.ge [sflag:s19], $0x28  }
0x94: {  	[sflag:s19] =	ssyncset.done $0x0  }
0x95: {  	s12 =	rddreg [dreg:$0x8];
	[sflag:s19] =	ssyncadd.s32 $0xFFFFFFD8  }
0x96: {  	[tilespmem:s30], [sflag:$0x3] =	stream.linear.gather [hbm4b:s12+s3], $0x28, $0x38;
	[tilespmem:$0x1F900] =	vst v63  }
0x97: {  	_ =	swait.ge [sflag:s19], $0x28  }
0x98: {  	[sflag:s19] =	ssyncset.done $0x0  }
0x99: {  	[sflag:s19] =	ssyncadd.s32 $0xFFFFFFD8  }
0x9a: {  	[tilespmem:s0], [sflag:$0x1] =	stream.indirect.gather [hbm4b:s4+s31], $0x80, s29, s31, $0xb8;
	[tilespmem:$0x1F900] =	vst v63  }
0x9b: {  	_ =	swait.ge [sflag:s26], $0x1400  }
0x9c: {  	[sflag:s26] =	ssyncset.done $0x0  }
0x9d: {  	[sflag:s26] =	ssyncadd.s32 $0xFFFFEC00  }
0x9e: {  	[spmem:s2] =	stream.indirect.scatter.add.f32 [tilespmem:s0], [sflag:$0x3], $0x80, s30, s31, $0xb8;
	[tilespmem:$0x1F900] =	vst v63  }
0x9f: {  	_ =	swait.ge [sflag:s19], $0x1400  }
0xa0: {  	[sflag:s19] =	ssyncset.done $0x0  }
0xa1: {  	s1 =	sadd.s32 $0x1, s1;
	[sflag:s19] =	ssyncadd.s32 $0xFFFFEC00  }
0xa2: {  	p0 =	sne.s32 s1, s14;
	[bflag:$0x0] =	sbarrier.arrive $0xFFFF  }
.Ltmp1:
0xa3: {  	s13 =	rddreg [dreg:$0x9];
	(pc) =	sbr.rel @p0 .LBB2_1-.Ltmp1, $4  }
0xa4: {  	[hbm:s13], [sflag:s8] =	dma.local [spmem:s18], $0x2800  }
0xa5: {  	_ =	swait.ge [sflag:s19], $0x2800  }
0xa6: {  	[sflag:s19] =	ssyncset.done $0x0  }
0xa7: {  	[sflag:s19] =	ssyncadd.s32 $0xFFFFD800  }
0xa8: {  	_ =	sfence.sel $0x180000  }
0xa9: {  	[bflag:$0x0] =	sbarrier.arrive $0xFFFF  }
0xaa: {  	_ =	strace $0x9000004A  }
0xab: {  	s0 =	stileid.u32;
	[bflag:$0x2] =	sbarrier.arrive $0xFFFF  }
0xac: {  	p0 =	sne.s32 s0, $0x0;
	s0 =	rddreg [dreg:$0x3]  }
0xad: {  	s0 =	sadd.s32 @!p0 $0x100000, s0  }
0xae: {  	[sflag:s0] =	ssyncadd.tile.s32 @!p0 $0x1;
	_ =	shalt  }
.Lfunc_end2:
_tile_overlayer_lowered:
.L_overlay_start_2:
0xaf: {  	(tag) =	ssettag $0x2  }
0xb0: {  	s0 =	rddreg [dreg:$0x0];
	s2 =	stileid.u32  }
0xb1: {  	s1 =	rddreg [dreg:$0x1];
	p0 =	sne.s32 s2, $0x0  }
0xb2: {  	s3 =	rddreg [dreg:$0x2];
	[bflag:$0x3] =	sbarrier.arrive $0xFFFF;
	s2 =	simm.s32 @!p0 $0x1C03  }
0xb3: {  	[timem:s3], [sflag:s2] =	dma.local @!p0 [hbm:s0], s1  }
0xb4: {  	s0 =	simm.s32 @!p0 $0x3  }
0xb5: {  	_ =	swait.ge @!p0 [sflag:s0], s1  }
0xb6: {  	s1 =	ssub.s32 @!p0 $0x0, s1;
	[sflag:s0] =	ssyncset.done @!p0 $0x0  }
0xb7: {  	[sflag:s0] =	ssyncadd.s32 @!p0 s1  }
0xb8: {  	[bflag:$0x3] =	sbarrier.arrive $0xFFFF  }
0xb9: {  	_ =	shalt  }

</sc_bundles>
